<compile_context>
chip_gen: v7x
topology: tpu7x:2x2x1
jax: 0.10.2.dev20260603
libtpu: 0.0.44.dev20260713+nightly
codegen_flags: <defaults>
</compile_context>

<pallas_src>
import functools

import jax
import jax.numpy as jnp
from jax import lax
from jax.experimental import pallas as pl
from jax.experimental.pallas import tpu as pltpu
from jax.experimental.pallas import tpu_sc as plsc

N = 10000
E = 320000
D = 128
R = 3

QUART = N // 4
QUART_PAD = 2560
NP = 4 * QUART_PAD
ROWS = R * QUART_PAD
GARB = QUART
CH = 128
NSUB = 16
NCH_T = 157
NCHUNK = NSUB * NCH_T
E_PAD = NCHUNK * CH
BN = 1024


_mesh = plsc.VectorSubcoreMesh(core_axis_name="c", subcore_axis_name="s")


@functools.partial(
    pl.kernel,
    out_type=(
        jax.ShapeDtypeStruct((R, NP, D), jnp.float32),
        jax.ShapeDtypeStruct((R * NP,), jnp.float32),
    ),
    mesh=_mesh,
    scratch_types=[
        pltpu.VMEM_SHARED((ROWS, D), jnp.float32),
        pltpu.VMEM_SHARED((ROWS,), jnp.float32),
        pltpu.VMEM((1280,), jnp.float32),
        pltpu.VMEM((CH,), jnp.float32),
        pltpu.VMEM((3 * CH,), jnp.int32),
        pltpu.VMEM((1, CH), jnp.int32),
        pltpu.VMEM((CH, D), jnp.float32),
    ],
)
def _sc_scatter(x_hbm, pk_hbm, agg_hbm, deg_hbm,
                acc_sh, deg_sh, z1, ones, pbuf, ibuf, r0):
    c = lax.axis_index("c")
    s = lax.axis_index("s")
    i32 = jnp.int32

    zz = jnp.zeros((16,), jnp.float32)

    @pl.loop(i32(0), i32(1280 // 16))
    def _(i):
        z1[pl.ds(i * i32(16), 16)] = zz

    @pl.loop(i32(0), i32(CH // 16))
    def _(i):
        ones[pl.ds(i * i32(16), 16)] = jnp.ones((16,), jnp.float32)

    for p in range(2):
        q = c * i32(2) + i32(p)
        base = q * i32(QUART)
        tbase = s * i32(NCH_T)

        @pl.loop(i32(0), i32(CH))
        def _(i):
            for j in range(D // 16):
                r0[i, pl.ds(j * 16, 16)] = zz

        for k in range(3):
            pltpu.sync_copy(r0, acc_sh.at[pl.ds(s * i32(480) + k * i32(128),
                                                128)])
        pltpu.sync_copy(r0.at[pl.ds(0, 96)],
                        acc_sh.at[pl.ds(s * i32(480) + i32(384), 96)])

        @pl.when(s < i32(6))
        def _():
            zoff = pl.multiple_of(s * i32(1280), 128)
            pltpu.sync_copy(z1, deg_sh.at[pl.ds(zoff, 1280)])

        plsc.subcore_barrier()

        @pl.loop(i32(0), i32(NCH_T))
        def _(i):
            pltpu.sync_copy(pk_hbm.at[tbase + i], pbuf)
            for j in range(CH // 16):
                d = pbuf[pl.ds(i32(CH) + i32(j * 16), 16)]
                e = pbuf[pl.ds(i32(2 * CH) + i32(j * 16), 16)]
                owned = (d >= base) & (d < base + i32(QUART))
                idx = jnp.where(owned, e * i32(QUART_PAD) + (d - base),
                                i32(GARB))
                ibuf[0, pl.ds(j * 16, 16)] = idx
            pltpu.sync_copy(x_hbm.at[pbuf.at[pl.ds(0, CH)]], r0)
            pltpu.sync_copy(r0, acc_sh.at[ibuf.at[i32(0)]], add=True)
            pltpu.sync_copy(ones, deg_sh.at[ibuf.at[i32(0)]], add=True)

        plsc.subcore_barrier()

        for et in range(R):
            rr0 = i32(et * QUART_PAD) + s * i32(160)
            o0 = q * i32(QUART_PAD) + s * i32(160)
            pltpu.sync_copy(acc_sh.at[pl.ds(rr0, 160)],
                            agg_hbm.at[i32(et)].at[pl.ds(o0, 160)])

        @pl.when(s < i32(6))
        def _():
            doff = pl.multiple_of(s * i32(1280), 128)
            et6 = s // i32(2)
            hh = s - et6 * i32(2)
            fo = pl.multiple_of(
                et6 * i32(NP) + q * i32(QUART_PAD) + hh * i32(1280), 128)
            pltpu.sync_copy(deg_sh.at[pl.ds(doff, 1280)],
                            deg_hbm.at[pl.ds(fo, 1280)])

        if p == 0:
            plsc.subcore_barrier()


def _tc_body(agg_ref, deg_ref, xp_ref, w_ref, lw_ref, b_ref, o_ref):
    acc = jnp.dot(xp_ref[...], lw_ref[...], preferred_element_type=jnp.float32)
    for r in range(R):
        a = agg_ref[r] / jnp.maximum(deg_ref[r], 1.0)[:, None]
        acc = acc + jnp.dot(a, w_ref[r], preferred_element_type=jnp.float32)
    o_ref[...] = jnp.maximum(acc + b_ref[...], 0.0)


def _z(i):
    return i * 0


def _tc_finish(agg, deg, xp, w, lw, b2):
    return pl.pallas_call(
        _tc_body,
        grid=(NP // BN,),
        in_specs=[
            pl.BlockSpec((R, BN, D), lambda i: (_z(i), i, _z(i))),
            pl.BlockSpec((R, BN), lambda i: (_z(i), i)),
            pl.BlockSpec((BN, D), lambda i: (i, _z(i))),
            pl.BlockSpec((R, D, D), lambda i: (_z(i), _z(i), _z(i))),
            pl.BlockSpec((D, D), lambda i: (_z(i), _z(i))),
            pl.BlockSpec((1, D), lambda i: (_z(i), _z(i))),
        ],
        out_specs=pl.BlockSpec((BN, D), lambda i: (i, _z(i))),
        out_shape=jax.ShapeDtypeStruct((NP, D), jnp.float32),
    )(agg, deg, xp, w, lw, b2)


def kernel(x, W, loop_weight, bias, edge_index, edge_type):
    x = x.astype(jnp.float32)
    src = edge_index[0].astype(jnp.int32)
    dst = edge_index[1].astype(jnp.int32)
    et = edge_type.astype(jnp.int32)
    pad = E_PAD - E
    src_p = jnp.concatenate([src, jnp.zeros((pad,), jnp.int32)])
    dst_p = jnp.concatenate([dst, jnp.full((pad,), N, jnp.int32)])
    et_p = jnp.concatenate([et, jnp.zeros((pad,), jnp.int32)])
    pk = jnp.concatenate(
        [src_p.reshape(NCHUNK, CH), dst_p.reshape(NCHUNK, CH),
         et_p.reshape(NCHUNK, CH)], axis=1)

    agg, deg_flat = _sc_scatter(x, pk)
    deg = deg_flat.reshape(R, NP)

    xp = (jnp.zeros((4, QUART_PAD, D), jnp.float32)
          .at[:, :QUART].set(x.reshape(4, QUART, D))
          .reshape(NP, D))
    out_p = _tc_finish(agg, deg, xp,
                       W.astype(jnp.float32),
                       loop_weight.astype(jnp.float32),
                       bias.astype(jnp.float32).reshape(1, D))
    out = out_p.reshape(4, QUART_PAD, D)[:, :QUART].reshape(N, D)
    return out.astype(jnp.float64)

# --- scband reference (transcript-rebuilt; emitter-appended) ---
"""Pipeline reference for scband-gain-bert-87162066305050 (READ-ONLY COPY).

The authoritative reference and input builder live on the scoring server;
editing this copy changes nothing except your own understanding.
"""

import jax
jax.config.update("jax_enable_x64", True)
import jax.numpy as jnp
import numpy as np

N = 10000
E = 320000
D = 128
R = 3


def setup_inputs(seed: int = 0) -> dict:
    key = jax.random.key(seed)
    k1, k2, k3, k4, k5, k6 = jax.random.split(key, 6)
    x = jax.random.normal(k1, (N, D), dtype=jnp.float32)
    edge_index = jax.random.randint(k2, (2, E), 0, N, dtype=jnp.int64)
    edge_type = jax.random.randint(k3, (E,), 0, R, dtype=jnp.int64)
    # relational weights (one [in_feat, out_feat] matrix per relation), xavier-ish
    W = jax.random.normal(k4, (R, D, D), dtype=jnp.float32) * (2.0 / np.sqrt(D + D))
    loop_weight = jax.random.normal(k5, (D, D), dtype=jnp.float32) * (2.0 / np.sqrt(D + D))
    bias = jnp.zeros((D,), dtype=jnp.float32)
    return {
        "x": x,
        "W": W,
        "loop_weight": loop_weight,
        "bias": bias,
        "edge_index": edge_index,
        "edge_type": edge_type,
    }


def reference(x, W, loop_weight, bias, edge_index, edge_type):
    # RelGraphConvLayer: per-relation GraphConv(norm='right', weight via mod_kwargs),
    # HeteroGraphConv sum-aggregation across relations, self-loop, bias, ReLU.
    src = edge_index[0]
    dst = edge_index[1]
    h_src = jnp.take(x, src, axis=0)  # gather source features [E, D]
    n = x.shape[0]
    total = jnp.zeros((n, D), dtype=x.dtype)
    for r in range(R):
        mf = (edge_type == r).astype(x.dtype)  # [E]
        msg = h_src * mf[:, None]
        agg = jnp.zeros((n, D), dtype=x.dtype).at[dst].add(msg)  # scatter-add by dst
        deg = jnp.zeros((n,), dtype=x.dtype).at[dst].add(mf)
        agg = agg / jnp.maximum(deg, 1.0)[:, None]  # norm='right' (in-degree)
        # dgl GraphConv with in_feats == out_feats applies weight AFTER aggregation
        total = total + agg @ W[r]
    out = total + x @ loop_weight + bias  # self-loop + bias
    return jax.nn.relu(out)

if __name__ == "__main__":
    import jax
    _d = setup_inputs()
    print(jax.jit(kernel)(*tuple(_d.values())))

</pallas_src>

<mosaic_0001>
#map = affine_map<(d0, d1) -> (0, 0)>
#map1 = affine_map<(d0, d1) -> (0, 0, 0)>
#map2 = affine_map<(d0, d1) -> (0)>
module attributes {stable_mosaic.version = 14 : i64} {
  func.func @_sc_scatter(%arg0: i32, %arg1: i32, %arg2: memref<10000x128xf32, #tpu.memory_space<hbm>>, %arg3: memref<2512x384xi32, #tpu.memory_space<hbm>>, %arg4: memref<3x10240x128xf32, #tpu.memory_space<hbm>>, %arg5: memref<30720xf32, #tpu.memory_space<hbm>>, %arg6: memref<7680x128xf32, #tpu.memory_space<vmem_shared>>, %arg7: memref<7680xf32, #tpu.memory_space<vmem_shared>>, %arg8: memref<1280xf32, #tpu.memory_space<vmem>>, %arg9: memref<128xf32, #tpu.memory_space<vmem>>, %arg10: memref<384xi32, #tpu.memory_space<vmem>>, %arg11: memref<1x128xi32, #tpu.memory_space<vmem>>, %arg12: memref<128x128xf32, #tpu.memory_space<vmem>>) attributes {dimension_semantics = [#tpu.dimension_semantics<core_parallel>, #tpu.dimension_semantics<subcore_parallel>], iteration_bounds = array<i64: 2, 16>, scalar_prefetch = 0 : i64, scratch_operands = 7 : i64, tpu.core_type = #tpu.core_type<sc_vector_subcore>, window_params = [{transform_indices = #map}, {transform_indices = #map}, {transform_indices = #map1}, {transform_indices = #map2}]} {
    %broadcast_in_dim3A = arith.constant 0.000000e+00 : f32
    %broadcast_in_dim3A_0 = vector.broadcast %broadcast_in_dim3A : f32 to vector<16xf32>
    %sub3A = arith.constant 80 : i32
    %sub3A_1 = arith.constant 0 : i32
    %sub3A_2 = arith.subi %sub3A, %sub3A_1 : i32
    %sub3A_3 = arith.constant 1 : i32
    %sub3A_4 = arith.constant 1 : i32
    %sub3A_5 = arith.subi %sub3A_3, %sub3A_4 : i32
    %add3A = arith.addi %sub3A_2, %sub3A_5 : i32
    %div3A = arith.constant 1 : i32
    %div3A_6 = arith.divsi %add3A, %div3A : i32
    %while3A = arith.constant 1 : i32
    %while3A_7 = arith.constant 0 : i32
    %while3A_8 = arith.constant 0 : i32
    %while3A_9 = arith.subi %div3A_6, %while3A_8 : i32
    %while3A_10 = arith.addi %while3A_8, %while3A_9 : i32
    %while3A_11 = arith.constant 1 : i32
    %while3A_12 = arith.divsi %while3A_9, %while3A_11 : i32
    %while3A_13 = arith.muli %while3A_12, %while3A_11 : i32
    %while3A_14 = arith.addi %while3A_8, %while3A_13 : i32
    %while3A_15 = arith.constant 1 : i32
    scf.for %while3A_256 = %while3A_8 to %while3A_14 step %while3A_15  : i32 {
      %mul3A_257 = arith.muli %while3A_256, %while3A : i32
      %add3A_258 = arith.addi %while3A_7, %mul3A_257 : i32
      %mul3A_259 = arith.constant 16 : i32
      %mul3A_260 = arith.muli %add3A_258, %mul3A_259 : i32
      %swap3A = arith.index_cast %mul3A_260 : i32 to index
      %swap3A_261 = tpu.vector_load %arg8[%swap3A] {strides = array<i32>} : memref<1280xf32, #tpu.memory_space<vmem>>, vector<16xf32>,
      %swap3A_262 = vector.shape_cast %swap3A_261 : vector<16xf32> to vector<16xf32>
      %swap3A_263 = vector.shape_cast %broadcast_in_dim3A_0 : vector<16xf32> to vector<16xf32>
      tpu.vector_store %arg8[%swap3A], %swap3A_263 {strides = array<i32>} : memref<1280xf32, #tpu.memory_space<vmem>>, vector<16xf32>,
    }
    %while3A_16 = arith.constant 1 : i32
    scf.for %while3A_256 = %while3A_14 to %while3A_10 step %while3A_16  : i32 {
      %mul3A_257 = arith.muli %while3A_256, %while3A : i32
      %add3A_258 = arith.addi %while3A_7, %mul3A_257 : i32
      %mul3A_259 = arith.constant 16 : i32
      %mul3A_260 = arith.muli %add3A_258, %mul3A_259 : i32
      %swap3A = arith.index_cast %mul3A_260 : i32 to index
      %swap3A_261 = tpu.vector_load %arg8[%swap3A] {strides = array<i32>} : memref<1280xf32, #tpu.memory_space<vmem>>, vector<16xf32>,
      %swap3A_262 = vector.shape_cast %swap3A_261 : vector<16xf32> to vector<16xf32>
      %swap3A_263 = vector.shape_cast %broadcast_in_dim3A_0 : vector<16xf32> to vector<16xf32>
      tpu.vector_store %arg8[%swap3A], %swap3A_263 {strides = array<i32>} : memref<1280xf32, #tpu.memory_space<vmem>>, vector<16xf32>,
    }
    %sub3A_17 = arith.constant 8 : i32
    %sub3A_18 = arith.constant 0 : i32
    %sub3A_19 = arith.subi %sub3A_17, %sub3A_18 : i32
    %sub3A_20 = arith.constant 1 : i32
    %sub3A_21 = arith.constant 1 : i32
    %sub3A_22 = arith.subi %sub3A_20, %sub3A_21 : i32
    %add3A_23 = arith.addi %sub3A_19, %sub3A_22 : i32
    %div3A_24 = arith.constant 1 : i32
    %div3A_25 = arith.divsi %add3A_23, %div3A_24 : i32
    %while3A_26 = arith.constant 1 : i32
    %while3A_27 = arith.constant 0 : i32
    %while3A_28 = arith.constant 0 : i32
    %while3A_29 = arith.subi %div3A_25, %while3A_28 : i32
    %while3A_30 = arith.addi %while3A_28, %while3A_29 : i32
    %while3A_31 = arith.constant 1 : i32
    %while3A_32 = arith.divsi %while3A_29, %while3A_31 : i32
    %while3A_33 = arith.muli %while3A_32, %while3A_31 : i32
    %while3A_34 = arith.addi %while3A_28, %while3A_33 : i32
    %while3A_35 = arith.constant 1 : i32
    scf.for %while3A_256 = %while3A_28 to %while3A_34 step %while3A_35  : i32 {
      %mul3A_257 = arith.muli %while3A_256, %while3A_26 : i32
      %add3A_258 = arith.addi %while3A_27, %mul3A_257 : i32
      %broadcast_in_dim3A_259 = arith.constant 1.000000e+00 : f32
      %broadcast_in_dim3A_260 = vector.broadcast %broadcast_in_dim3A_259 : f32 to vector<16xf32>
      %mul3A_261 = arith.constant 16 : i32
      %mul3A_262 = arith.muli %add3A_258, %mul3A_261 : i32
      %swap3A = arith.index_cast %mul3A_262 : i32 to index
      %swap3A_263 = tpu.vector_load %arg9[%swap3A] {strides = array<i32>} : memref<128xf32, #tpu.memory_space<vmem>>, vector<16xf32>,
      %swap3A_264 = vector.shape_cast %swap3A_263 : vector<16xf32> to vector<16xf32>
      %swap3A_265 = vector.shape_cast %broadcast_in_dim3A_260 : vector<16xf32> to vector<16xf32>
      tpu.vector_store %arg9[%swap3A], %swap3A_265 {strides = array<i32>} : memref<128xf32, #tpu.memory_space<vmem>>, vector<16xf32>,
    }
    %while3A_36 = arith.constant 1 : i32
    scf.for %while3A_256 = %while3A_34 to %while3A_30 step %while3A_36  : i32 {
      %mul3A_257 = arith.muli %while3A_256, %while3A_26 : i32
      %add3A_258 = arith.addi %while3A_27, %mul3A_257 : i32
      %broadcast_in_dim3A_259 = arith.constant 1.000000e+00 : f32
      %broadcast_in_dim3A_260 = vector.broadcast %broadcast_in_dim3A_259 : f32 to vector<16xf32>
      %mul3A_261 = arith.constant 16 : i32
      %mul3A_262 = arith.muli %add3A_258, %mul3A_261 : i32
      %swap3A = arith.index_cast %mul3A_262 : i32 to index
      %swap3A_263 = tpu.vector_load %arg9[%swap3A] {strides = array<i32>} : memref<128xf32, #tpu.memory_space<vmem>>, vector<16xf32>,
      %swap3A_264 = vector.shape_cast %swap3A_263 : vector<16xf32> to vector<16xf32>
      %swap3A_265 = vector.shape_cast %broadcast_in_dim3A_260 : vector<16xf32> to vector<16xf32>
      tpu.vector_store %arg9[%swap3A], %swap3A_265 {strides = array<i32>} : memref<128xf32, #tpu.memory_space<vmem>>, vector<16xf32>,
    }
    %mul3A = arith.constant 2 : i32
    %mul3A_37 = arith.muli %arg0, %mul3A : i32
    %add3A_38 = arith.constant 0 : i32
    %add3A_39 = arith.addi %mul3A_37, %add3A_38 : i32
    %mul3A_40 = arith.constant 2500 : i32
    %mul3A_41 = arith.muli %add3A_39, %mul3A_40 : i32
    %mul3A_42 = arith.constant 157 : i32
    %mul3A_43 = arith.muli %arg1, %mul3A_42 : i32
    %sub3A_44 = arith.constant 128 : i32
    %sub3A_45 = arith.constant 0 : i32
    %sub3A_46 = arith.subi %sub3A_44, %sub3A_45 : i32
    %sub3A_47 = arith.constant 1 : i32
    %sub3A_48 = arith.constant 1 : i32
    %sub3A_49 = arith.subi %sub3A_47, %sub3A_48 : i32
    %add3A_50 = arith.addi %sub3A_46, %sub3A_49 : i32
    %div3A_51 = arith.constant 1 : i32
    %div3A_52 = arith.divsi %add3A_50, %div3A_51 : i32
    %while3A_53 = arith.constant 1 : i32
    %while3A_54 = arith.constant 0 : i32
    %while3A_55 = arith.constant 0 : i32
    %while3A_56 = arith.subi %div3A_52, %while3A_55 : i32
    %while3A_57 = arith.addi %while3A_55, %while3A_56 : i32
    %while3A_58 = arith.constant 1 : i32
    %while3A_59 = arith.divsi %while3A_56, %while3A_58 : i32
    %while3A_60 = arith.muli %while3A_59, %while3A_58 : i32
    %while3A_61 = arith.addi %while3A_55, %while3A_60 : i32
    %while3A_62 = arith.constant 1 : i32
    scf.for %while3A_256 = %while3A_55 to %while3A_61 step %while3A_62  : i32 {
      %mul3A_257 = arith.muli %while3A_256, %while3A_53 : i32
      %add3A_258 = arith.addi %while3A_54, %mul3A_257 : i32
      %swap3A = arith.index_cast %add3A_258 : i32 to index
      %swap3A_259 = arith.constant 0 : index
      %swap3A_260 = tpu.vector_load %arg12[%swap3A, %swap3A_259] {strides = array<i32>} : memref<128x128xf32, #tpu.memory_space<vmem>>, vector<1x16xf32>,
      %swap3A_261 = vector.shape_cast %swap3A_260 : vector<1x16xf32> to vector<16xf32>
      %swap3A_262 = vector.shape_cast %broadcast_in_dim3A_0 : vector<16xf32> to vector<1x16xf32>
      tpu.vector_store %arg12[%swap3A, %swap3A_259], %swap3A_262 {strides = array<i32>} : memref<128x128xf32, #tpu.memory_space<vmem>>, vector<1x16xf32>,
      %swap3A_263 = arith.index_cast %add3A_258 : i32 to index
      %swap3A_264 = arith.constant 16 : index
      %swap3A_265 = tpu.vector_load %arg12[%swap3A_263, %swap3A_264] {strides = array<i32>} : memref<128x128xf32, #tpu.memory_space<vmem>>, vector<1x16xf32>,
      %swap3A_266 = vector.shape_cast %swap3A_265 : vector<1x16xf32> to vector<16xf32>
      %swap3A_267 = vector.shape_cast %broadcast_in_dim3A_0 : vector<16xf32> to vector<1x16xf32>
      tpu.vector_store %arg12[%swap3A_263, %swap3A_264], %swap3A_267 {strides = array<i32>} : memref<128x128xf32, #tpu.memory_space<vmem>>, vector<1x16xf32>,
      %swap3A_268 = arith.index_cast %add3A_258 : i32 to index
      %swap3A_269 = arith.constant 32 : index
      %swap3A_270 = tpu.vector_load %arg12[%swap3A_268, %swap3A_269] {strides = array<i32>} : memref<128x128xf32, #tpu.memory_space<vmem>>, vector<1x16xf32>,
      %swap3A_271 = vector.shape_cast %swap3A_270 : vector<1x16xf32> to vector<16xf32>
      %swap3A_272 = vector.shape_cast %broadcast_in_dim3A_0 : vector<16xf32> to vector<1x16xf32>
      tpu.vector_store %arg12[%swap3A_268, %swap3A_269], %swap3A_272 {strides = array<i32>} : memref<128x128xf32, #tpu.memory_space<vmem>>, vector<1x16xf32>,
      %swap3A_273 = arith.index_cast %add3A_258 : i32 to index
      %swap3A_274 = arith.constant 48 : index
      %swap3A_275 = tpu.vector_load %arg12[%swap3A_273, %swap3A_274] {strides = array<i32>} : memref<128x128xf32, #tpu.memory_space<vmem>>, vector<1x16xf32>,
      %swap3A_276 = vector.shape_cast %swap3A_275 : vector<1x16xf32> to vector<16xf32>
      %swap3A_277 = vector.shape_cast %broadcast_in_dim3A_0 : vector<16xf32> to vector<1x16xf32>
      tpu.vector_store %arg12[%swap3A_273, %swap3A_274], %swap3A_277 {strides = array<i32>} : memref<128x128xf32, #tpu.memory_space<vmem>>, vector<1x16xf32>,
      %swap3A_278 = arith.index_cast %add3A_258 : i32 to index
      %swap3A_279 = arith.constant 64 : index
      %swap3A_280 = tpu.vector_load %arg12[%swap3A_278, %swap3A_279] {strides = array<i32>} : memref<128x128xf32, #tpu.memory_space<vmem>>, vector<1x16xf32>,
      %swap3A_281 = vector.shape_cast %swap3A_280 : vector<1x16xf32> to vector<16xf32>
      %swap3A_282 = vector.shape_cast %broadcast_in_dim3A_0 : vector<16xf32> to vector<1x16xf32>
      tpu.vector_store %arg12[%swap3A_278, %swap3A_279], %swap3A_282 {strides = array<i32>} : memref<128x128xf32, #tpu.memory_space<vmem>>, vector<1x16xf32>,
      %swap3A_283 = arith.index_cast %add3A_258 : i32 to index
      %swap3A_284 = arith.constant 80 : index
      %swap3A_285 = tpu.vector_load %arg12[%swap3A_283, %swap3A_284] {strides = array<i32>} : memref<128x128xf32, #tpu.memory_space<vmem>>, vector<1x16xf32>,
      %swap3A_286 = vector.shape_cast %swap3A_285 : vector<1x16xf32> to vector<16xf32>
      %swap3A_287 = vector.shape_cast %broadcast_in_dim3A_0 : vector<16xf32> to vector<1x16xf32>
      tpu.vector_store %arg12[%swap3A_283, %swap3A_284], %swap3A_287 {strides = array<i32>} : memref<128x128xf32, #tpu.memory_space<vmem>>, vector<1x16xf32>,
      %swap3A_288 = arith.index_cast %add3A_258 : i32 to index
      %swap3A_289 = arith.constant 96 : index
      %swap3A_290 = tpu.vector_load %arg12[%swap3A_288, %swap3A_289] {strides = array<i32>} : memref<128x128xf32, #tpu.memory_space<vmem>>, vector<1x16xf32>,
      %swap3A_291 = vector.shape_cast %swap3A_290 : vector<1x16xf32> to vector<16xf32>
      %swap3A_292 = vector.shape_cast %broadcast_in_dim3A_0 : vector<16xf32> to vector<1x16xf32>
      tpu.vector_store %arg12[%swap3A_288, %swap3A_289], %swap3A_292 {strides = array<i32>} : memref<128x128xf32, #tpu.memory_space<vmem>>, vector<1x16xf32>,
      %swap3A_293 = arith.index_cast %add3A_258 : i32 to index
      %swap3A_294 = arith.constant 112 : index
      %swap3A_295 = tpu.vector_load %arg12[%swap3A_293, %swap3A_294] {strides = array<i32>} : memref<128x128xf32, #tpu.memory_space<vmem>>, vector<1x16xf32>,
      %swap3A_296 = vector.shape_cast %swap3A_295 : vector<1x16xf32> to vector<16xf32>
      %swap3A_297 = vector.shape_cast %broadcast_in_dim3A_0 : vector<16xf32> to vector<1x16xf32>
      tpu.vector_store %arg12[%swap3A_293, %swap3A_294], %swap3A_297 {strides = array<i32>} : memref<128x128xf32, #tpu.memory_space<vmem>>, vector<1x16xf32>,
    }
    %while3A_63 = arith.constant 1 : i32
    scf.for %while3A_256 = %while3A_61 to %while3A_57 step %while3A_63  : i32 {
      %mul3A_257 = arith.muli %while3A_256, %while3A_53 : i32
      %add3A_258 = arith.addi %while3A_54, %mul3A_257 : i32
      %swap3A = arith.index_cast %add3A_258 : i32 to index
      %swap3A_259 = arith.constant 0 : index
      %swap3A_260 = tpu.vector_load %arg12[%swap3A, %swap3A_259] {strides = array<i32>} : memref<128x128xf32, #tpu.memory_space<vmem>>, vector<1x16xf32>,
      %swap3A_261 = vector.shape_cast %swap3A_260 : vector<1x16xf32> to vector<16xf32>
      %swap3A_262 = vector.shape_cast %broadcast_in_dim3A_0 : vector<16xf32> to vector<1x16xf32>
      tpu.vector_store %arg12[%swap3A, %swap3A_259], %swap3A_262 {strides = array<i32>} : memref<128x128xf32, #tpu.memory_space<vmem>>, vector<1x16xf32>,
      %swap3A_263 = arith.index_cast %add3A_258 : i32 to index
      %swap3A_264 = arith.constant 16 : index
      %swap3A_265 = tpu.vector_load %arg12[%swap3A_263, %swap3A_264] {strides = array<i32>} : memref<128x128xf32, #tpu.memory_space<vmem>>, vector<1x16xf32>,
      %swap3A_266 = vector.shape_cast %swap3A_265 : vector<1x16xf32> to vector<16xf32>
      %swap3A_267 = vector.shape_cast %broadcast_in_dim3A_0 : vector<16xf32> to vector<1x16xf32>
      tpu.vector_store %arg12[%swap3A_263, %swap3A_264], %swap3A_267 {strides = array<i32>} : memref<128x128xf32, #tpu.memory_space<vmem>>, vector<1x16xf32>,
      %swap3A_268 = arith.index_cast %add3A_258 : i32 to index
      %swap3A_269 = arith.constant 32 : index
      %swap3A_270 = tpu.vector_load %arg12[%swap3A_268, %swap3A_269] {strides = array<i32>} : memref<128x128xf32, #tpu.memory_space<vmem>>, vector<1x16xf32>,
      %swap3A_271 = vector.shape_cast %swap3A_270 : vector<1x16xf32> to vector<16xf32>
      %swap3A_272 = vector.shape_cast %broadcast_in_dim3A_0 : vector<16xf32> to vector<1x16xf32>
      tpu.vector_store %arg12[%swap3A_268, %swap3A_269], %swap3A_272 {strides = array<i32>} : memref<128x128xf32, #tpu.memory_space<vmem>>, vector<1x16xf32>,
      %swap3A_273 = arith.index_cast %add3A_258 : i32 to index
      %swap3A_274 = arith.constant 48 : index
      %swap3A_275 = tpu.vector_load %arg12[%swap3A_273, %swap3A_274] {strides = array<i32>} : memref<128x128xf32, #tpu.memory_space<vmem>>, vector<1x16xf32>,
      %swap3A_276 = vector.shape_cast %swap3A_275 : vector<1x16xf32> to vector<16xf32>
      %swap3A_277 = vector.shape_cast %broadcast_in_dim3A_0 : vector<16xf32> to vector<1x16xf32>
      tpu.vector_store %arg12[%swap3A_273, %swap3A_274], %swap3A_277 {strides = array<i32>} : memref<128x128xf32, #tpu.memory_space<vmem>>, vector<1x16xf32>,
      %swap3A_278 = arith.index_cast %add3A_258 : i32 to index
      %swap3A_279 = arith.constant 64 : index
      %swap3A_280 = tpu.vector_load %arg12[%swap3A_278, %swap3A_279] {strides = array<i32>} : memref<128x128xf32, #tpu.memory_space<vmem>>, vector<1x16xf32>,
      %swap3A_281 = vector.shape_cast %swap3A_280 : vector<1x16xf32> to vector<16xf32>
      %swap3A_282 = vector.shape_cast %broadcast_in_dim3A_0 : vector<16xf32> to vector<1x16xf32>
      tpu.vector_store %arg12[%swap3A_278, %swap3A_279], %swap3A_282 {strides = array<i32>} : memref<128x128xf32, #tpu.memory_space<vmem>>, vector<1x16xf32>,
      %swap3A_283 = arith.index_cast %add3A_258 : i32 to index
      %swap3A_284 = arith.constant 80 : index
      %swap3A_285 = tpu.vector_load %arg12[%swap3A_283, %swap3A_284] {strides = array<i32>} : memref<128x128xf32, #tpu.memory_space<vmem>>, vector<1x16xf32>,
      %swap3A_286 = vector.shape_cast %swap3A_285 : vector<1x16xf32> to vector<16xf32>
      %swap3A_287 = vector.shape_cast %broadcast_in_dim3A_0 : vector<16xf32> to vector<1x16xf32>
      tpu.vector_store %arg12[%swap3A_283, %swap3A_284], %swap3A_287 {strides = array<i32>} : memref<128x128xf32, #tpu.memory_space<vmem>>, vector<1x16xf32>,
      %swap3A_288 = arith.index_cast %add3A_258 : i32 to index
      %swap3A_289 = arith.constant 96 : index
      %swap3A_290 = tpu.vector_load %arg12[%swap3A_288, %swap3A_289] {strides = array<i32>} : memref<128x128xf32, #tpu.memory_space<vmem>>, vector<1x16xf32>,
      %swap3A_291 = vector.shape_cast %swap3A_290 : vector<1x16xf32> to vector<16xf32>
      %swap3A_292 = vector.shape_cast %broadcast_in_dim3A_0 : vector<16xf32> to vector<1x16xf32>
      tpu.vector_store %arg12[%swap3A_288, %swap3A_289], %swap3A_292 {strides = array<i32>} : memref<128x128xf32, #tpu.memory_space<vmem>>, vector<1x16xf32>,
      %swap3A_293 = arith.index_cast %add3A_258 : i32 to index
      %swap3A_294 = arith.constant 112 : index
      %swap3A_295 = tpu.vector_load %arg12[%swap3A_293, %swap3A_294] {strides = array<i32>} : memref<128x128xf32, #tpu.memory_space<vmem>>, vector<1x16xf32>,
      %swap3A_296 = vector.shape_cast %swap3A_295 : vector<1x16xf32> to vector<16xf32>
      %swap3A_297 = vector.shape_cast %broadcast_in_dim3A_0 : vector<16xf32> to vector<1x16xf32>
      tpu.vector_store %arg12[%swap3A_293, %swap3A_294], %swap3A_297 {strides = array<i32>} : memref<128x128xf32, #tpu.memory_space<vmem>>, vector<1x16xf32>,
    }
    %mul3A_64 = arith.constant 480 : i32
    %mul3A_65 = arith.muli %arg1, %mul3A_64 : i32
    %mul3A_66 = arith.constant 0 : i32
    %mul3A_67 = arith.constant 128 : i32
    %mul3A_68 = arith.muli %mul3A_66, %mul3A_67 : i32
    %add3A_69 = arith.addi %mul3A_65, %mul3A_68 : i32
    "tpu.region"() ({
      %run_scoped3A_256 = tpu.sem_alloc : memref<!tpu.dma_semaphore, #tpu.memory_space<semaphore_mem>>
      %dma_start3A = arith.constant 0 : i32
      %dma_start3A_257 = tpu.memref_slice %arg6[%add3A_69, %dma_start3A] : memref<7680x128xf32, #tpu.memory_space<vmem_shared>> -> memref<128x128xf32, #tpu.memory_space<vmem_shared>>
      %dma_start3A_258 = arith.constant 0 : i32
      %dma_start3A_259 = tpu.memref_slice %arg6[%add3A_69, %dma_start3A_258] : memref<7680x128xf32, #tpu.memory_space<vmem_shared>> -> memref<128x128xf32, #tpu.memory_space<vmem_shared>>
      tpu.enqueue_dma source(%arg12 : memref<128x128xf32, #tpu.memory_space<vmem>>) target(%dma_start3A_259 : memref<128x128xf32, #tpu.memory_space<vmem_shared>>) target_semaphore(%run_scoped3A_256 : memref<!tpu.dma_semaphore, #tpu.memory_space<semaphore_mem>>)
      %dma_wait3A = arith.constant 0 : i32
      %dma_wait3A_260 = tpu.memref_slice %arg6[%add3A_69, %dma_wait3A] : memref<7680x128xf32, #tpu.memory_space<vmem_shared>> -> memref<128x128xf32, #tpu.memory_space<vmem_shared>>
      %dma_wait3A_261 = arith.constant 0 : i32
      %dma_wait3A_262 = tpu.memref_slice %arg6[%add3A_69, %dma_wait3A_261] : memref<7680x128xf32, #tpu.memory_space<vmem_shared>> -> memref<128x128xf32, #tpu.memory_space<vmem_shared>>
      tpu.wait_dma2 semaphore(%run_scoped3A_256 : memref<!tpu.dma_semaphore, #tpu.memory_space<semaphore_mem>>) src(%arg12 : memref<128x128xf32, #tpu.memory_space<vmem>>) dst(%dma_wait3A_262 : memref<128x128xf32, #tpu.memory_space<vmem_shared>>)
      tpu.yield
    }) : () -> ()
    %mul3A_70 = arith.constant 480 : i32
    %mul3A_71 = arith.muli %arg1, %mul3A_70 : i32
    %mul3A_72 = arith.constant 1 : i32
    %mul3A_73 = arith.constant 128 : i32
    %mul3A_74 = arith.muli %mul3A_72, %mul3A_73 : i32
    %add3A_75 = arith.addi %mul3A_71, %mul3A_74 : i32
    "tpu.region"() ({
      %run_scoped3A_256 = tpu.sem_alloc : memref<!tpu.dma_semaphore, #tpu.memory_space<semaphore_mem>>
      %dma_start3A = arith.constant 0 : i32
      %dma_start3A_257 = tpu.memref_slice %arg6[%add3A_75, %dma_start3A] : memref<7680x128xf32, #tpu.memory_space<vmem_shared>> -> memref<128x128xf32, #tpu.memory_space<vmem_shared>>
      %dma_start3A_258 = arith.constant 0 : i32
      %dma_start3A_259 = tpu.memref_slice %arg6[%add3A_75, %dma_start3A_258] : memref<7680x128xf32, #tpu.memory_space<vmem_shared>> -> memref<128x128xf32, #tpu.memory_space<vmem_shared>>
      tpu.enqueue_dma source(%arg12 : memref<128x128xf32, #tpu.memory_space<vmem>>) target(%dma_start3A_259 : memref<128x128xf32, #tpu.memory_space<vmem_shared>>) target_semaphore(%run_scoped3A_256 : memref<!tpu.dma_semaphore, #tpu.memory_space<semaphore_mem>>)
      %dma_wait3A = arith.constant 0 : i32
      %dma_wait3A_260 = tpu.memref_slice %arg6[%add3A_75, %dma_wait3A] : memref<7680x128xf32, #tpu.memory_space<vmem_shared>> -> memref<128x128xf32, #tpu.memory_space<vmem_shared>>
      %dma_wait3A_261 = arith.constant 0 : i32
      %dma_wait3A_262 = tpu.memref_slice %arg6[%add3A_75, %dma_wait3A_261] : memref<7680x128xf32, #tpu.memory_space<vmem_shared>> -> memref<128x128xf32, #tpu.memory_space<vmem_shared>>
      tpu.wait_dma2 semaphore(%run_scoped3A_256 : memref<!tpu.dma_semaphore, #tpu.memory_space<semaphore_mem>>) src(%arg12 : memref<128x128xf32, #tpu.memory_space<vmem>>) dst(%dma_wait3A_262 : memref<128x128xf32, #tpu.memory_space<vmem_shared>>)
      tpu.yield
    }) : () -> ()
    %mul3A_76 = arith.constant 480 : i32
    %mul3A_77 = arith.muli %arg1, %mul3A_76 : i32
    %mul3A_78 = arith.constant 2 : i32
    %mul3A_79 = arith.constant 128 : i32
    %mul3A_80 = arith.muli %mul3A_78, %mul3A_79 : i32
    %add3A_81 = arith.addi %mul3A_77, %mul3A_80 : i32
    "tpu.region"() ({
      %run_scoped3A_256 = tpu.sem_alloc : memref<!tpu.dma_semaphore, #tpu.memory_space<semaphore_mem>>
      %dma_start3A = arith.constant 0 : i32
      %dma_start3A_257 = tpu.memref_slice %arg6[%add3A_81, %dma_start3A] : memref<7680x128xf32, #tpu.memory_space<vmem_shared>> -> memref<128x128xf32, #tpu.memory_space<vmem_shared>>
      %dma_start3A_258 = arith.constant 0 : i32
      %dma_start3A_259 = tpu.memref_slice %arg6[%add3A_81, %dma_start3A_258] : memref<7680x128xf32, #tpu.memory_space<vmem_shared>> -> memref<128x128xf32, #tpu.memory_space<vmem_shared>>
      tpu.enqueue_dma source(%arg12 : memref<128x128xf32, #tpu.memory_space<vmem>>) target(%dma_start3A_259 : memref<128x128xf32, #tpu.memory_space<vmem_shared>>) target_semaphore(%run_scoped3A_256 : memref<!tpu.dma_semaphore, #tpu.memory_space<semaphore_mem>>)
      %dma_wait3A = arith.constant 0 : i32
      %dma_wait3A_260 = tpu.memref_slice %arg6[%add3A_81, %dma_wait3A] : memref<7680x128xf32, #tpu.memory_space<vmem_shared>> -> memref<128x128xf32, #tpu.memory_space<vmem_shared>>
      %dma_wait3A_261 = arith.constant 0 : i32
      %dma_wait3A_262 = tpu.memref_slice %arg6[%add3A_81, %dma_wait3A_261] : memref<7680x128xf32, #tpu.memory_space<vmem_shared>> -> memref<128x128xf32, #tpu.memory_space<vmem_shared>>
      tpu.wait_dma2 semaphore(%run_scoped3A_256 : memref<!tpu.dma_semaphore, #tpu.memory_space<semaphore_mem>>) src(%arg12 : memref<128x128xf32, #tpu.memory_space<vmem>>) dst(%dma_wait3A_262 : memref<128x128xf32, #tpu.memory_space<vmem_shared>>)
      tpu.yield
    }) : () -> ()
    %mul3A_82 = arith.constant 480 : i32
    %mul3A_83 = arith.muli %arg1, %mul3A_82 : i32
    %add3A_84 = arith.constant 384 : i32
    %add3A_85 = arith.addi %mul3A_83, %add3A_84 : i32
    "tpu.region"() ({
      %run_scoped3A_256 = tpu.sem_alloc : memref<!tpu.dma_semaphore, #tpu.memory_space<semaphore_mem>>
      %dma_start3A = arith.constant 0 : i32
      %dma_start3A_257 = arith.constant 0 : i32
      %dma_start3A_258 = tpu.memref_slice %arg12[%dma_start3A, %dma_start3A_257] : memref<128x128xf32, #tpu.memory_space<vmem>> -> memref<96x128xf32, #tpu.memory_space<vmem>>
      %dma_start3A_259 = arith.constant 0 : i32
      %dma_start3A_260 = tpu.memref_slice %arg6[%add3A_85, %dma_start3A_259] : memref<7680x128xf32, #tpu.memory_space<vmem_shared>> -> memref<96x128xf32, #tpu.memory_space<vmem_shared>>
      %dma_start3A_261 = arith.constant 0 : i32
      %dma_start3A_262 = tpu.memref_slice %arg6[%add3A_85, %dma_start3A_261] : memref<7680x128xf32, #tpu.memory_space<vmem_shared>> -> memref<96x128xf32, #tpu.memory_space<vmem_shared>>
      %dma_start3A_263 = arith.constant 0 : i32
      %dma_start3A_264 = arith.constant 0 : i32
      %dma_start3A_265 = tpu.memref_slice %arg12[%dma_start3A_263, %dma_start3A_264] : memref<128x128xf32, #tpu.memory_space<vmem>> -> memref<96x128xf32, #tpu.memory_space<vmem>>
      tpu.enqueue_dma source(%dma_start3A_265 : memref<96x128xf32, #tpu.memory_space<vmem>>) target(%dma_start3A_262 : memref<96x128xf32, #tpu.memory_space<vmem_shared>>) target_semaphore(%run_scoped3A_256 : memref<!tpu.dma_semaphore, #tpu.memory_space<semaphore_mem>>)
      %dma_wait3A = arith.constant 0 : i32
      %dma_wait3A_266 = arith.constant 0 : i32
      %dma_wait3A_267 = tpu.memref_slice %arg12[%dma_wait3A, %dma_wait3A_266] : memref<128x128xf32, #tpu.memory_space<vmem>> -> memref<96x128xf32, #tpu.memory_space<vmem>>
      %dma_wait3A_268 = arith.constant 0 : i32
      %dma_wait3A_269 = tpu.memref_slice %arg6[%add3A_85, %dma_wait3A_268] : memref<7680x128xf32, #tpu.memory_space<vmem_shared>> -> memref<96x128xf32, #tpu.memory_space<vmem_shared>>
      %dma_wait3A_270 = arith.constant 0 : i32
      %dma_wait3A_271 = tpu.memref_slice %arg6[%add3A_85, %dma_wait3A_270] : memref<7680x128xf32, #tpu.memory_space<vmem_shared>> -> memref<96x128xf32, #tpu.memory_space<vmem_shared>>
      %dma_wait3A_272 = arith.constant 0 : i32
      %dma_wait3A_273 = arith.constant 0 : i32
      %dma_wait3A_274 = tpu.memref_slice %arg12[%dma_wait3A_272, %dma_wait3A_273] : memref<128x128xf32, #tpu.memory_space<vmem>> -> memref<96x128xf32, #tpu.memory_space<vmem>>
      tpu.wait_dma2 semaphore(%run_scoped3A_256 : memref<!tpu.dma_semaphore, #tpu.memory_space<semaphore_mem>>) src(%dma_wait3A_274 : memref<96x128xf32, #tpu.memory_space<vmem>>) dst(%dma_wait3A_271 : memref<96x128xf32, #tpu.memory_space<vmem_shared>>)
      tpu.yield
    }) : () -> ()
    %lt3A = arith.constant 6 : i32
    %lt3A_86 = arith.cmpi slt, %arg1, %lt3A : i32
    %convert_element_type3A = arith.extui %lt3A_86 : i1 to i32
    %cond3A = arith.constant 0 : i32
    %cond3A_87 = arith.cmpi ne, %convert_element_type3A, %cond3A : i32
    scf.if %cond3A_87 {
      %mul3A_256 = arith.constant 1280 : i32
      %mul3A_257 = arith.muli %arg1, %mul3A_256 : i32
      %multiple_of3A = tpu.assume_multiple %mul3A_257, 128 : i32
      "tpu.region"() ({
        %run_scoped3A_258 = tpu.sem_alloc : memref<!tpu.dma_semaphore, #tpu.memory_space<semaphore_mem>>
        %dma_start3A = tpu.memref_slice %arg7[%multiple_of3A] : memref<7680xf32, #tpu.memory_space<vmem_shared>> -> memref<1280xf32, #tpu.memory_space<vmem_shared>>
        %dma_start3A_259 = tpu.memref_slice %arg7[%multiple_of3A] : memref<7680xf32, #tpu.memory_space<vmem_shared>> -> memref<1280xf32, #tpu.memory_space<vmem_shared>>
        tpu.enqueue_dma source(%arg8 : memref<1280xf32, #tpu.memory_space<vmem>>) target(%dma_start3A_259 : memref<1280xf32, #tpu.memory_space<vmem_shared>>) target_semaphore(%run_scoped3A_258 : memref<!tpu.dma_semaphore, #tpu.memory_space<semaphore_mem>>)
        %dma_wait3A = tpu.memref_slice %arg7[%multiple_of3A] : memref<7680xf32, #tpu.memory_space<vmem_shared>> -> memref<1280xf32, #tpu.memory_space<vmem_shared>>
        %dma_wait3A_260 = tpu.memref_slice %arg7[%multiple_of3A] : memref<7680xf32, #tpu.memory_space<vmem_shared>> -> memref<1280xf32, #tpu.memory_space<vmem_shared>>
        tpu.wait_dma2 semaphore(%run_scoped3A_258 : memref<!tpu.dma_semaphore, #tpu.memory_space<semaphore_mem>>) src(%arg8 : memref<1280xf32, #tpu.memory_space<vmem>>) dst(%dma_wait3A_260 : memref<1280xf32, #tpu.memory_space<vmem_shared>>)
        tpu.yield
      }) : () -> ()
    } else {
    }
    %barrier3A = arith.constant 0 : index
    tpu.barrier barrier_id(%barrier3A)
    %sub3A_88 = arith.constant 157 : i32
    %sub3A_89 = arith.constant 0 : i32
    %sub3A_90 = arith.subi %sub3A_88, %sub3A_89 : i32
    %sub3A_91 = arith.constant 1 : i32
    %sub3A_92 = arith.constant 1 : i32
    %sub3A_93 = arith.subi %sub3A_91, %sub3A_92 : i32
    %add3A_94 = arith.addi %sub3A_90, %sub3A_93 : i32
    %div3A_95 = arith.constant 1 : i32
    %div3A_96 = arith.divsi %add3A_94, %div3A_95 : i32
    %while3A_97 = arith.constant 1 : i32
    %while3A_98 = arith.constant 0 : i32
    %while3A_99 = arith.constant 0 : i32
    %while3A_100 = arith.subi %div3A_96, %while3A_99 : i32
    %while3A_101 = arith.addi %while3A_99, %while3A_100 : i32
    %while3A_102 = arith.constant 1 : i32
    %while3A_103 = arith.divsi %while3A_100, %while3A_102 : i32
    %while3A_104 = arith.muli %while3A_103, %while3A_102 : i32
    %while3A_105 = arith.addi %while3A_99, %while3A_104 : i32
    %while3A_106 = arith.constant 1 : i32
    scf.for %while3A_256 = %while3A_99 to %while3A_105 step %while3A_106  : i32 {
      %mul3A_257 = arith.muli %while3A_256, %while3A_97 : i32
      %add3A_258 = arith.addi %while3A_98, %mul3A_257 : i32
      %add3A_259 = arith.addi %mul3A_43, %add3A_258 : i32
      "tpu.region"() ({
        %run_scoped3A_528 = tpu.sem_alloc : memref<!tpu.dma_semaphore, #tpu.memory_space<semaphore_mem>>
        %dma_start3A = arith.constant 0 : i32
        %dma_start3A_529 = tpu.memref_slice %arg3[%add3A_259, %dma_start3A] : memref<2512x384xi32, #tpu.memory_space<hbm>> -> memref<1x384xi32, #tpu.memory_space<hbm>>
        %dma_start3A_530 = tpu.memref_squeeze %dma_start3A_529 : memref<1x384xi32, #tpu.memory_space<hbm>> -> memref<384xi32, #tpu.memory_space<hbm>>
        %dma_start3A_531 = arith.constant 0 : i32
        %dma_start3A_532 = tpu.memref_slice %arg3[%add3A_259, %dma_start3A_531] : memref<2512x384xi32, #tpu.memory_space<hbm>> -> memref<1x384xi32, #tpu.memory_space<hbm>>
        %dma_start3A_533 = tpu.memref_squeeze %dma_start3A_532 : memref<1x384xi32, #tpu.memory_space<hbm>> -> memref<384xi32, #tpu.memory_space<hbm>>
        tpu.enqueue_dma source(%dma_start3A_533 : memref<384xi32, #tpu.memory_space<hbm>>) target(%arg10 : memref<384xi32, #tpu.memory_space<vmem>>) target_semaphore(%run_scoped3A_528 : memref<!tpu.dma_semaphore, #tpu.memory_space<semaphore_mem>>)
        %dma_wait3A = arith.constant 0 : i32
        %dma_wait3A_534 = tpu.memref_slice %arg3[%add3A_259, %dma_wait3A] : memref<2512x384xi32, #tpu.memory_space<hbm>> -> memref<1x384xi32, #tpu.memory_space<hbm>>
        %dma_wait3A_535 = tpu.memref_squeeze %dma_wait3A_534 : memref<1x384xi32, #tpu.memory_space<hbm>> -> memref<384xi32, #tpu.memory_space<hbm>>
        %dma_wait3A_536 = arith.constant 0 : i32
        %dma_wait3A_537 = tpu.memref_slice %arg3[%add3A_259, %dma_wait3A_536] : memref<2512x384xi32, #tpu.memory_space<hbm>> -> memref<1x384xi32, #tpu.memory_space<hbm>>
        %dma_wait3A_538 = tpu.memref_squeeze %dma_wait3A_537 : memref<1x384xi32, #tpu.memory_space<hbm>> -> memref<384xi32, #tpu.memory_space<hbm>>
        tpu.wait_dma2 semaphore(%run_scoped3A_528 : memref<!tpu.dma_semaphore, #tpu.memory_space<semaphore_mem>>) src(%dma_wait3A_538 : memref<384xi32, #tpu.memory_space<hbm>>) dst(%arg10 : memref<384xi32, #tpu.memory_space<vmem>>)
        tpu.yield
      }) : () -> ()
      %add3A_260 = arith.constant 128 : i32
      %add3A_261 = arith.constant 0 : i32
      %add3A_262 = arith.addi %add3A_260, %add3A_261 : i32
      %get3A = arith.index_cast %add3A_262 : i32 to index
      %get3A_263 = tpu.vector_load %arg10[%get3A] {strides = array<i32>} : memref<384xi32, #tpu.memory_space<vmem>>, vector<16xi32>,
      %get3A_264 = vector.shape_cast %get3A_263 : vector<16xi32> to vector<16xi32>
      %add3A_265 = arith.constant 256 : i32
      %add3A_266 = arith.constant 0 : i32
      %add3A_267 = arith.addi %add3A_265, %add3A_266 : i32
      %get3A_268 = arith.index_cast %add3A_267 : i32 to index
      %get3A_269 = tpu.vector_load %arg10[%get3A_268] {strides = array<i32>} : memref<384xi32, #tpu.memory_space<vmem>>, vector<16xi32>,
      %get3A_270 = vector.shape_cast %get3A_269 : vector<16xi32> to vector<16xi32>
      %ge3A = vector.broadcast %mul3A_41 : i32 to vector<16xi32>
      %ge3A_271 = arith.cmpi sge, %get3A_264, %ge3A : vector<16xi32>
      %add3A_272 = arith.constant 2500 : i32
      %add3A_273 = arith.addi %mul3A_41, %add3A_272 : i32
      %lt3A_274 = vector.broadcast %add3A_273 : i32 to vector<16xi32>
      %lt3A_275 = arith.cmpi slt, %get3A_264, %lt3A_274 : vector<16xi32>
      %and3A = arith.andi %ge3A_271, %lt3A_275 : vector<16xi1>
      %mul3A_276 = arith.constant 2560 : i32
      %mul3A_277 = vector.broadcast %mul3A_276 : i32 to vector<16xi32>
      %mul3A_278 = arith.muli %get3A_270, %mul3A_277 : vector<16xi32>
      %sub3A_279 = vector.broadcast %mul3A_41 : i32 to vector<16xi32>
      %sub3A_280 = arith.subi %get3A_264, %sub3A_279 : vector<16xi32>
      %add3A_281 = arith.addi %mul3A_278, %sub3A_280 : vector<16xi32>
      %jit3A = arith.constant 2500 : i32
      %broadcast_in_dim3A_282 = vector.broadcast %jit3A : i32 to vector<16xi32>
      %select_n3A = arith.select %and3A, %add3A_281, %broadcast_in_dim3A_282 : vector<16xi1>, vector<16xi32>
      %swap3A = arith.constant 0 : i64
      %swap3A_283 = arith.index_cast %swap3A : i64 to index
      %swap3A_284 = arith.constant 0 : index
      %swap3A_285 = tpu.vector_load %arg11[%swap3A_283, %swap3A_284] {strides = array<i32>} : memref<1x128xi32, #tpu.memory_space<vmem>>, vector<1x16xi32>,
      %swap3A_286 = vector.shape_cast %swap3A_285 : vector<1x16xi32> to vector<16xi32>
      %swap3A_287 = vector.shape_cast %select_n3A : vector<16xi32> to vector<1x16xi32>
      tpu.vector_store %arg11[%swap3A_283, %swap3A_284], %swap3A_287 {strides = array<i32>} : memref<1x128xi32, #tpu.memory_space<vmem>>, vector<1x16xi32>,
      %add3A_288 = arith.constant 128 : i32
      %add3A_289 = arith.constant 16 : i32
      %add3A_290 = arith.addi %add3A_288, %add3A_289 : i32
      %get3A_291 = arith.index_cast %add3A_290 : i32 to index
      %get3A_292 = tpu.vector_load %arg10[%get3A_291] {strides = array<i32>} : memref<384xi32, #tpu.memory_space<vmem>>, vector<16xi32>,
      %get3A_293 = vector.shape_cast %get3A_292 : vector<16xi32> to vector<16xi32>
      %add3A_294 = arith.constant 256 : i32
      %add3A_295 = arith.constant 16 : i32
      %add3A_296 = arith.addi %add3A_294, %add3A_295 : i32
      %get3A_297 = arith.index_cast %add3A_296 : i32 to index
      %get3A_298 = tpu.vector_load %arg10[%get3A_297] {strides = array<i32>} : memref<384xi32, #tpu.memory_space<vmem>>, vector<16xi32>,
      %get3A_299 = vector.shape_cast %get3A_298 : vector<16xi32> to vector<16xi32>
      %ge3A_300 = vector.broadcast %mul3A_41 : i32 to vector<16xi32>
      %ge3A_301 = arith.cmpi sge, %get3A_293, %ge3A_300 : vector<16xi32>
      %add3A_302 = arith.constant 2500 : i32
      %add3A_303 = arith.addi %mul3A_41, %add3A_302 : i32
      %lt3A_304 = vector.broadcast %add3A_303 : i32 to vector<16xi32>
      %lt3A_305 = arith.cmpi slt, %get3A_293, %lt3A_304 : vector<16xi32>
      %and3A_306 = arith.andi %ge3A_301, %lt3A_305 : vector<16xi1>
      %mul3A_307 = arith.constant 2560 : i32
      %mul3A_308 = vector.broadcast %mul3A_307 : i32 to vector<16xi32>
      %mul3A_309 = arith.muli %get3A_299, %mul3A_308 : vector<16xi32>
      %sub3A_310 = vector.broadcast %mul3A_41 : i32 to vector<16xi32>
      %sub3A_311 = arith.subi %get3A_293, %sub3A_310 : vector<16xi32>
      %add3A_312 = arith.addi %mul3A_309, %sub3A_311 : vector<16xi32>
      %jit3A_313 = arith.constant 2500 : i32
      %broadcast_in_dim3A_314 = vector.broadcast %jit3A_313 : i32 to vector<16xi32>
      %select_n3A_315 = arith.select %and3A_306, %add3A_312, %broadcast_in_dim3A_314 : vector<16xi1>, vector<16xi32>
      %swap3A_316 = arith.constant 0 : i64
      %swap3A_317 = arith.index_cast %swap3A_316 : i64 to index
      %swap3A_318 = arith.constant 16 : index
      %swap3A_319 = tpu.vector_load %arg11[%swap3A_317, %swap3A_318] {strides = array<i32>} : memref<1x128xi32, #tpu.memory_space<vmem>>, vector<1x16xi32>,
      %swap3A_320 = vector.shape_cast %swap3A_319 : vector<1x16xi32> to vector<16xi32>
      %swap3A_321 = vector.shape_cast %select_n3A_315 : vector<16xi32> to vector<1x16xi32>
      tpu.vector_store %arg11[%swap3A_317, %swap3A_318], %swap3A_321 {strides = array<i32>} : memref<1x128xi32, #tpu.memory_space<vmem>>, vector<1x16xi32>,
      %add3A_322 = arith.constant 128 : i32
      %add3A_323 = arith.constant 32 : i32
      %add3A_324 = arith.addi %add3A_322, %add3A_323 : i32
      %get3A_325 = arith.index_cast %add3A_324 : i32 to index
      %get3A_326 = tpu.vector_load %arg10[%get3A_325] {strides = array<i32>} : memref<384xi32, #tpu.memory_space<vmem>>, vector<16xi32>,
      %get3A_327 = vector.shape_cast %get3A_326 : vector<16xi32> to vector<16xi32>
      %add3A_328 = arith.constant 256 : i32
      %add3A_329 = arith.constant 32 : i32
      %add3A_330 = arith.addi %add3A_328, %add3A_329 : i32
      %get3A_331 = arith.index_cast %add3A_330 : i32 to index
      %get3A_332 = tpu.vector_load %arg10[%get3A_331] {strides = array<i32>} : memref<384xi32, #tpu.memory_space<vmem>>, vector<16xi32>,
      %get3A_333 = vector.shape_cast %get3A_332 : vector<16xi32> to vector<16xi32>
      %ge3A_334 = vector.broadcast %mul3A_41 : i32 to vector<16xi32>
      %ge3A_335 = arith.cmpi sge, %get3A_327, %ge3A_334 : vector<16xi32>
      %add3A_336 = arith.constant 2500 : i32
      %add3A_337 = arith.addi %mul3A_41, %add3A_336 : i32
      %lt3A_338 = vector.broadcast %add3A_337 : i32 to vector<16xi32>
      %lt3A_339 = arith.cmpi slt, %get3A_327, %lt3A_338 : vector<16xi32>
      %and3A_340 = arith.andi %ge3A_335, %lt3A_339 : vector<16xi1>
      %mul3A_341 = arith.constant 2560 : i32
      %mul3A_342 = vector.broadcast %mul3A_341 : i32 to vector<16xi32>
      %mul3A_343 = arith.muli %get3A_333, %mul3A_342 : vector<16xi32>
      %sub3A_344 = vector.broadcast %mul3A_41 : i32 to vector<16xi32>
      %sub3A_345 = arith.subi %get3A_327, %sub3A_344 : vector<16xi32>
      %add3A_346 = arith.addi %mul3A_343, %sub3A_345 : vector<16xi32>
      %jit3A_347 = arith.constant 2500 : i32
      %broadcast_in_dim3A_348 = vector.broadcast %jit3A_347 : i32 to vector<16xi32>
      %select_n3A_349 = arith.select %and3A_340, %add3A_346, %broadcast_in_dim3A_348 : vector<16xi1>, vector<16xi32>
      %swap3A_350 = arith.constant 0 : i64
      %swap3A_351 = arith.index_cast %swap3A_350 : i64 to index
      %swap3A_352 = arith.constant 32 : index
      %swap3A_353 = tpu.vector_load %arg11[%swap3A_351, %swap3A_352] {strides = array<i32>} : memref<1x128xi32, #tpu.memory_space<vmem>>, vector<1x16xi32>,
      %swap3A_354 = vector.shape_cast %swap3A_353 : vector<1x16xi32> to vector<16xi32>
      %swap3A_355 = vector.shape_cast %select_n3A_349 : vector<16xi32> to vector<1x16xi32>
      tpu.vector_store %arg11[%swap3A_351, %swap3A_352], %swap3A_355 {strides = array<i32>} : memref<1x128xi32, #tpu.memory_space<vmem>>, vector<1x16xi32>,
      %add3A_356 = arith.constant 128 : i32
      %add3A_357 = arith.constant 48 : i32
      %add3A_358 = arith.addi %add3A_356, %add3A_357 : i32
      %get3A_359 = arith.index_cast %add3A_358 : i32 to index
      %get3A_360 = tpu.vector_load %arg10[%get3A_359] {strides = array<i32>} : memref<384xi32, #tpu.memory_space<vmem>>, vector<16xi32>,
      %get3A_361 = vector.shape_cast %get3A_360 : vector<16xi32> to vector<16xi32>
      %add3A_362 = arith.constant 256 : i32
      %add3A_363 = arith.constant 48 : i32
      %add3A_364 = arith.addi %add3A_362, %add3A_363 : i32
      %get3A_365 = arith.index_cast %add3A_364 : i32 to index
      %get3A_366 = tpu.vector_load %arg10[%get3A_365] {strides = array<i32>} : memref<384xi32, #tpu.memory_space<vmem>>, vector<16xi32>,
      %get3A_367 = vector.shape_cast %get3A_366 : vector<16xi32> to vector<16xi32>
      %ge3A_368 = vector.broadcast %mul3A_41 : i32 to vector<16xi32>
      %ge3A_369 = arith.cmpi sge, %get3A_361, %ge3A_368 : vector<16xi32>
      %add3A_370 = arith.constant 2500 : i32
      %add3A_371 = arith.addi %mul3A_41, %add3A_370 : i32
      %lt3A_372 = vector.broadcast %add3A_371 : i32 to vector<16xi32>
      %lt3A_373 = arith.cmpi slt, %get3A_361, %lt3A_372 : vector<16xi32>
      %and3A_374 = arith.andi %ge3A_369, %lt3A_373 : vector<16xi1>
      %mul3A_375 = arith.constant 2560 : i32
      %mul3A_376 = vector.broadcast %mul3A_375 : i32 to vector<16xi32>
      %mul3A_377 = arith.muli %get3A_367, %mul3A_376 : vector<16xi32>
      %sub3A_378 = vector.broadcast %mul3A_41 : i32 to vector<16xi32>
      %sub3A_379 = arith.subi %get3A_361, %sub3A_378 : vector<16xi32>
      %add3A_380 = arith.addi %mul3A_377, %sub3A_379 : vector<16xi32>
      %jit3A_381 = arith.constant 2500 : i32
      %broadcast_in_dim3A_382 = vector.broadcast %jit3A_381 : i32 to vector<16xi32>
      %select_n3A_383 = arith.select %and3A_374, %add3A_380, %broadcast_in_dim3A_382 : vector<16xi1>, vector<16xi32>
      %swap3A_384 = arith.constant 0 : i64
      %swap3A_385 = arith.index_cast %swap3A_384 : i64 to index
      %swap3A_386 = arith.constant 48 : index
      %swap3A_387 = tpu.vector_load %arg11[%swap3A_385, %swap3A_386] {strides = array<i32>} : memref<1x128xi32, #tpu.memory_space<vmem>>, vector<1x16xi32>,
      %swap3A_388 = vector.shape_cast %swap3A_387 : vector<1x16xi32> to vector<16xi32>
      %swap3A_389 = vector.shape_cast %select_n3A_383 : vector<16xi32> to vector<1x16xi32>
      tpu.vector_store %arg11[%swap3A_385, %swap3A_386], %swap3A_389 {strides = array<i32>} : memref<1x128xi32, #tpu.memory_space<vmem>>, vector<1x16xi32>,
      %add3A_390 = arith.constant 128 : i32
      %add3A_391 = arith.constant 64 : i32
      %add3A_392 = arith.addi %add3A_390, %add3A_391 : i32
      %get3A_393 = arith.index_cast %add3A_392 : i32 to index
      %get3A_394 = tpu.vector_load %arg10[%get3A_393] {strides = array<i32>} : memref<384xi32, #tpu.memory_space<vmem>>, vector<16xi32>,
      %get3A_395 = vector.shape_cast %get3A_394 : vector<16xi32> to vector<16xi32>
      %add3A_396 = arith.constant 256 : i32
      %add3A_397 = arith.constant 64 : i32
      %add3A_398 = arith.addi %add3A_396, %add3A_397 : i32
      %get3A_399 = arith.index_cast %add3A_398 : i32 to index
      %get3A_400 = tpu.vector_load %arg10[%get3A_399] {strides = array<i32>} : memref<384xi32, #tpu.memory_space<vmem>>, vector<16xi32>,
      %get3A_401 = vector.shape_cast %get3A_400 : vector<16xi32> to vector<16xi32>
      %ge3A_402 = vector.broadcast %mul3A_41 : i32 to vector<16xi32>
      %ge3A_403 = arith.cmpi sge, %get3A_395, %ge3A_402 : vector<16xi32>
      %add3A_404 = arith.constant 2500 : i32
      %add3A_405 = arith.addi %mul3A_41, %add3A_404 : i32
      %lt3A_406 = vector.broadcast %add3A_405 : i32 to vector<16xi32>
      %lt3A_407 = arith.cmpi slt, %get3A_395, %lt3A_406 : vector<16xi32>
      %and3A_408 = arith.andi %ge3A_403, %lt3A_407 : vector<16xi1>
      %mul3A_409 = arith.constant 2560 : i32
      %mul3A_410 = vector.broadcast %mul3A_409 : i32 to vector<16xi32>
      %mul3A_411 = arith.muli %get3A_401, %mul3A_410 : vector<16xi32>
      %sub3A_412 = vector.broadcast %mul3A_41 : i32 to vector<16xi32>
      %sub3A_413 = arith.subi %get3A_395, %sub3A_412 : vector<16xi32>
      %add3A_414 = arith.addi %mul3A_411, %sub3A_413 : vector<16xi32>
      %jit3A_415 = arith.constant 2500 : i32
      %broadcast_in_dim3A_416 = vector.broadcast %jit3A_415 : i32 to vector<16xi32>
      %select_n3A_417 = arith.select %and3A_408, %add3A_414, %broadcast_in_dim3A_416 : vector<16xi1>, vector<16xi32>
      %swap3A_418 = arith.constant 0 : i64
      %swap3A_419 = arith.index_cast %swap3A_418 : i64 to index
      %swap3A_420 = arith.constant 64 : index
      %swap3A_421 = tpu.vector_load %arg11[%swap3A_419, %swap3A_420] {strides = array<i32>} : memref<1x128xi32, #tpu.memory_space<vmem>>, vector<1x16xi32>,
      %swap3A_422 = vector.shape_cast %swap3A_421 : vector<1x16xi32> to vector<16xi32>
      %swap3A_423 = vector.shape_cast %select_n3A_417 : vector<16xi32> to vector<1x16xi32>
      tpu.vector_store %arg11[%swap3A_419, %swap3A_420], %swap3A_423 {strides = array<i32>} : memref<1x128xi32, #tpu.memory_space<vmem>>, vector<1x16xi32>,
      %add3A_424 = arith.constant 128 : i32
      %add3A_425 = arith.constant 80 : i32
      %add3A_426 = arith.addi %add3A_424, %add3A_425 : i32
      %get3A_427 = arith.index_cast %add3A_426 : i32 to index
      %get3A_428 = tpu.vector_load %arg10[%get3A_427] {strides = array<i32>} : memref<384xi32, #tpu.memory_space<vmem>>, vector<16xi32>,
      %get3A_429 = vector.shape_cast %get3A_428 : vector<16xi32> to vector<16xi32>
      %add3A_430 = arith.constant 256 : i32
      %add3A_431 = arith.constant 80 : i32
      %add3A_432 = arith.addi %add3A_430, %add3A_431 : i32
      %get3A_433 = arith.index_cast %add3A_432 : i32 to index
      %get3A_434 = tpu.vector_load %arg10[%get3A_433] {strides = array<i32>} : memref<384xi32, #tpu.memory_space<vmem>>, vector<16xi32>,
      %get3A_435 = vector.shape_cast %get3A_434 : vector<16xi32> to vector<16xi32>
      %ge3A_436 = vector.broadcast %mul3A_41 : i32 to vector<16xi32>
      %ge3A_437 = arith.cmpi sge, %get3A_429, %ge3A_436 : vector<16xi32>
      %add3A_438 = arith.constant 2500 : i32
      %add3A_439 = arith.addi %mul3A_41, %add3A_438 : i32
      %lt3A_440 = vector.broadcast %add3A_439 : i32 to vector<16xi32>
      %lt3A_441 = arith.cmpi slt, %get3A_429, %lt3A_440 : vector<16xi32>
      %and3A_442 = arith.andi %ge3A_437, %lt3A_441 : vector<16xi1>
      %mul3A_443 = arith.constant 2560 : i32
      %mul3A_444 = vector.broadcast %mul3A_443 : i32 to vector<16xi32>
      %mul3A_445 = arith.muli %get3A_435, %mul3A_444 : vector<16xi32>
      %sub3A_446 = vector.broadcast %mul3A_41 : i32 to vector<16xi32>
      %sub3A_447 = arith.subi %get3A_429, %sub3A_446 : vector<16xi32>
      %add3A_448 = arith.addi %mul3A_445, %sub3A_447 : vector<16xi32>
      %jit3A_449 = arith.constant 2500 : i32
      %broadcast_in_dim3A_450 = vector.broadcast %jit3A_449 : i32 to vector<16xi32>
      %select_n3A_451 = arith.select %and3A_442, %add3A_448, %broadcast_in_dim3A_450 : vector<16xi1>, vector<16xi32>
      %swap3A_452 = arith.constant 0 : i64
      %swap3A_453 = arith.index_cast %swap3A_452 : i64 to index
      %swap3A_454 = arith.constant 80 : index
      %swap3A_455 = tpu.vector_load %arg11[%swap3A_453, %swap3A_454] {strides = array<i32>} : memref<1x128xi32, #tpu.memory_space<vmem>>, vector<1x16xi32>,
      %swap3A_456 = vector.shape_cast %swap3A_455 : vector<1x16xi32> to vector<16xi32>
      %swap3A_457 = vector.shape_cast %select_n3A_451 : vector<16xi32> to vector<1x16xi32>
      tpu.vector_store %arg11[%swap3A_453, %swap3A_454], %swap3A_457 {strides = array<i32>} : memref<1x128xi32, #tpu.memory_space<vmem>>, vector<1x16xi32>,
      %add3A_458 = arith.constant 128 : i32
      %add3A_459 = arith.constant 96 : i32
      %add3A_460 = arith.addi %add3A_458, %add3A_459 : i32
      %get3A_461 = arith.index_cast %add3A_460 : i32 to index
      %get3A_462 = tpu.vector_load %arg10[%get3A_461] {strides = array<i32>} : memref<384xi32, #tpu.memory_space<vmem>>, vector<16xi32>,
      %get3A_463 = vector.shape_cast %get3A_462 : vector<16xi32> to vector<16xi32>
      %add3A_464 = arith.constant 256 : i32
      %add3A_465 = arith.constant 96 : i32
      %add3A_466 = arith.addi %add3A_464, %add3A_465 : i32
      %get3A_467 = arith.index_cast %add3A_466 : i32 to index
      %get3A_468 = tpu.vector_load %arg10[%get3A_467] {strides = array<i32>} : memref<384xi32, #tpu.memory_space<vmem>>, vector<16xi32>,
      %get3A_469 = vector.shape_cast %get3A_468 : vector<16xi32> to vector<16xi32>
      %ge3A_470 = vector.broadcast %mul3A_41 : i32 to vector<16xi32>
      %ge3A_471 = arith.cmpi sge, %get3A_463, %ge3A_470 : vector<16xi32>
      %add3A_472 = arith.constant 2500 : i32
      %add3A_473 = arith.addi %mul3A_41, %add3A_472 : i32
      %lt3A_474 = vector.broadcast %add3A_473 : i32 to vector<16xi32>
      %lt3A_475 = arith.cmpi slt, %get3A_463, %lt3A_474 : vector<16xi32>
      %and3A_476 = arith.andi %ge3A_471, %lt3A_475 : vector<16xi1>
      %mul3A_477 = arith.constant 2560 : i32
      %mul3A_478 = vector.broadcast %mul3A_477 : i32 to vector<16xi32>
      %mul3A_479 = arith.muli %get3A_469, %mul3A_478 : vector<16xi32>
      %sub3A_480 = vector.broadcast %mul3A_41 : i32 to vector<16xi32>
      %sub3A_481 = arith.subi %get3A_463, %sub3A_480 : vector<16xi32>
      %add3A_482 = arith.addi %mul3A_479, %sub3A_481 : vector<16xi32>
      %jit3A_483 = arith.constant 2500 : i32
      %broadcast_in_dim3A_484 = vector.broadcast %jit3A_483 : i32 to vector<16xi32>
      %select_n3A_485 = arith.select %and3A_476, %add3A_482, %broadcast_in_dim3A_484 : vector<16xi1>, vector<16xi32>
      %swap3A_486 = arith.constant 0 : i64
      %swap3A_487 = arith.index_cast %swap3A_486 : i64 to index
      %swap3A_488 = arith.constant 96 : index
      %swap3A_489 = tpu.vector_load %arg11[%swap3A_487, %swap3A_488] {strides = array<i32>} : memref<1x128xi32, #tpu.memory_space<vmem>>, vector<1x16xi32>,
      %swap3A_490 = vector.shape_cast %swap3A_489 : vector<1x16xi32> to vector<16xi32>
      %swap3A_491 = vector.shape_cast %select_n3A_485 : vector<16xi32> to vector<1x16xi32>
      tpu.vector_store %arg11[%swap3A_487, %swap3A_488], %swap3A_491 {strides = array<i32>} : memref<1x128xi32, #tpu.memory_space<vmem>>, vector<1x16xi32>,
      %add3A_492 = arith.constant 128 : i32
      %add3A_493 = arith.constant 112 : i32
      %add3A_494 = arith.addi %add3A_492, %add3A_493 : i32
      %get3A_495 = arith.index_cast %add3A_494 : i32 to index
      %get3A_496 = tpu.vector_load %arg10[%get3A_495] {strides = array<i32>} : memref<384xi32, #tpu.memory_space<vmem>>, vector<16xi32>,
      %get3A_497 = vector.shape_cast %get3A_496 : vector<16xi32> to vector<16xi32>
      %add3A_498 = arith.constant 256 : i32
      %add3A_499 = arith.constant 112 : i32
      %add3A_500 = arith.addi %add3A_498, %add3A_499 : i32
      %get3A_501 = arith.index_cast %add3A_500 : i32 to index
      %get3A_502 = tpu.vector_load %arg10[%get3A_501] {strides = array<i32>} : memref<384xi32, #tpu.memory_space<vmem>>, vector<16xi32>,
      %get3A_503 = vector.shape_cast %get3A_502 : vector<16xi32> to vector<16xi32>
      %ge3A_504 = vector.broadcast %mul3A_41 : i32 to vector<16xi32>
      %ge3A_505 = arith.cmpi sge, %get3A_497, %ge3A_504 : vector<16xi32>
      %add3A_506 = arith.constant 2500 : i32
      %add3A_507 = arith.addi %mul3A_41, %add3A_506 : i32
      %lt3A_508 = vector.broadcast %add3A_507 : i32 to vector<16xi32>
      %lt3A_509 = arith.cmpi slt, %get3A_497, %lt3A_508 : vector<16xi32>
      %and3A_510 = arith.andi %ge3A_505, %lt3A_509 : vector<16xi1>
      %mul3A_511 = arith.constant 2560 : i32
      %mul3A_512 = vector.broadcast %mul3A_511 : i32 to vector<16xi32>
      %mul3A_513 = arith.muli %get3A_503, %mul3A_512 : vector<16xi32>
      %sub3A_514 = vector.broadcast %mul3A_41 : i32 to vector<16xi32>
      %sub3A_515 = arith.subi %get3A_497, %sub3A_514 : vector<16xi32>
      %add3A_516 = arith.addi %mul3A_513, %sub3A_515 : vector<16xi32>
      %jit3A_517 = arith.constant 2500 : i32
      %broadcast_in_dim3A_518 = vector.broadcast %jit3A_517 : i32 to vector<16xi32>
      %select_n3A_519 = arith.select %and3A_510, %add3A_516, %broadcast_in_dim3A_518 : vector<16xi1>, vector<16xi32>
      %swap3A_520 = arith.constant 0 : i64
      %swap3A_521 = arith.index_cast %swap3A_520 : i64 to index
      %swap3A_522 = arith.constant 112 : index
      %swap3A_523 = tpu.vector_load %arg11[%swap3A_521, %swap3A_522] {strides = array<i32>} : memref<1x128xi32, #tpu.memory_space<vmem>>, vector<1x16xi32>,
      %swap3A_524 = vector.shape_cast %swap3A_523 : vector<1x16xi32> to vector<16xi32>
      %swap3A_525 = vector.shape_cast %select_n3A_519 : vector<16xi32> to vector<1x16xi32>
      tpu.vector_store %arg11[%swap3A_521, %swap3A_522], %swap3A_525 {strides = array<i32>} : memref<1x128xi32, #tpu.memory_space<vmem>>, vector<1x16xi32>,
      "tpu.region"() ({
        %run_scoped3A_528 = tpu.sem_alloc : memref<!tpu.dma_semaphore, #tpu.memory_space<semaphore_mem>>
        %dma_start3A = arith.constant 0 : i32
        %dma_start3A_529 = tpu.memref_slice %arg10[%dma_start3A] : memref<384xi32, #tpu.memory_space<vmem>> -> memref<128xi32, #tpu.memory_space<vmem>>
        %dma_start3A_530 = arith.constant 0 : i32
        %dma_start3A_531 = arith.constant 0 : i32
        %dma_start3A_532 = tpu.memref_slice %arg2[%dma_start3A_530, %dma_start3A_531] : memref<10000x128xf32, #tpu.memory_space<hbm>> -> memref<10000x128xf32, #tpu.memory_space<hbm>>
        tpu.enqueue_indirect_dma source(%dma_start3A_532 : memref<10000x128xf32, #tpu.memory_space<hbm>>) target(%arg12 : memref<128x128xf32, #tpu.memory_space<vmem>>) offsets(%dma_start3A_529 : memref<128xi32, #tpu.memory_space<vmem>>) semaphore(%run_scoped3A_528 : memref<!tpu.dma_semaphore, #tpu.memory_space<semaphore_mem>>)
        %dma_wait3A = arith.constant 0 : i32
        %dma_wait3A_533 = tpu.memref_slice %arg10[%dma_wait3A] : memref<384xi32, #tpu.memory_space<vmem>> -> memref<128xi32, #tpu.memory_space<vmem>>
        %dma_wait3A_534 = arith.constant 0 : i32
        %dma_wait3A_535 = arith.constant 0 : i32
        %dma_wait3A_536 = tpu.memref_slice %arg2[%dma_wait3A_534, %dma_wait3A_535] : memref<10000x128xf32, #tpu.memory_space<hbm>> -> memref<10000x128xf32, #tpu.memory_space<hbm>>
        tpu.wait_indirect_dma semaphore(%run_scoped3A_528 : memref<!tpu.dma_semaphore, #tpu.memory_space<semaphore_mem>>) src(%dma_wait3A_536 : memref<10000x128xf32, #tpu.memory_space<hbm>>) dst(%arg12 : memref<128x128xf32, #tpu.memory_space<vmem>>)
        tpu.yield
      }) : () -> ()
      %run_scoped3A_526 = arith.constant 0 : i32
      "tpu.region"() ({
        %run_scoped3A_528 = tpu.sem_alloc : memref<!tpu.dma_semaphore, #tpu.memory_space<semaphore_mem>>
        %dma_start3A = arith.constant 0 : i32
        %dma_start3A_529 = tpu.memref_slice %arg11[%run_scoped3A_526, %dma_start3A] : memref<1x128xi32, #tpu.memory_space<vmem>> -> memref<1x128xi32, #tpu.memory_space<vmem>>
        %dma_start3A_530 = tpu.memref_squeeze %dma_start3A_529 : memref<1x128xi32, #tpu.memory_space<vmem>> -> memref<128xi32, #tpu.memory_space<vmem>>
        %dma_start3A_531 = arith.constant 0 : i32
        %dma_start3A_532 = arith.constant 0 : i32
        %dma_start3A_533 = tpu.memref_slice %arg6[%dma_start3A_531, %dma_start3A_532] : memref<7680x128xf32, #tpu.memory_space<vmem_shared>> -> memref<7680x128xf32, #tpu.memory_space<vmem_shared>>
        tpu.enqueue_indirect_dma source(%arg12 : memref<128x128xf32, #tpu.memory_space<vmem>>) target(%dma_start3A_533 : memref<7680x128xf32, #tpu.memory_space<vmem_shared>>) offsets(%dma_start3A_530 : memref<128xi32, #tpu.memory_space<vmem>>) semaphore(%run_scoped3A_528 : memref<!tpu.dma_semaphore, #tpu.memory_space<semaphore_mem>>) {add = true}
        %dma_wait3A = arith.constant 0 : i32
        %dma_wait3A_534 = tpu.memref_slice %arg11[%run_scoped3A_526, %dma_wait3A] : memref<1x128xi32, #tpu.memory_space<vmem>> -> memref<1x128xi32, #tpu.memory_space<vmem>>
        %dma_wait3A_535 = tpu.memref_squeeze %dma_wait3A_534 : memref<1x128xi32, #tpu.memory_space<vmem>> -> memref<128xi32, #tpu.memory_space<vmem>>
        %dma_wait3A_536 = arith.constant 0 : i32
        %dma_wait3A_537 = arith.constant 0 : i32
        %dma_wait3A_538 = tpu.memref_slice %arg6[%dma_wait3A_536, %dma_wait3A_537] : memref<7680x128xf32, #tpu.memory_space<vmem_shared>> -> memref<7680x128xf32, #tpu.memory_space<vmem_shared>>
        tpu.wait_indirect_dma semaphore(%run_scoped3A_528 : memref<!tpu.dma_semaphore, #tpu.memory_space<semaphore_mem>>) src(%arg12 : memref<128x128xf32, #tpu.memory_space<vmem>>) dst(%dma_wait3A_538 : memref<7680x128xf32, #tpu.memory_space<vmem_shared>>)
        tpu.yield
      }) : () -> ()
      %run_scoped3A_527 = arith.constant 0 : i32
      "tpu.region"() ({
        %run_scoped3A_528 = tpu.sem_alloc : memref<!tpu.dma_semaphore, #tpu.memory_space<semaphore_mem>>
        %dma_start3A = arith.constant 0 : i32
        %dma_start3A_529 = tpu.memref_slice %arg11[%run_scoped3A_527, %dma_start3A] : memref<1x128xi32, #tpu.memory_space<vmem>> -> memref<1x128xi32, #tpu.memory_space<vmem>>
        %dma_start3A_530 = tpu.memref_squeeze %dma_start3A_529 : memref<1x128xi32, #tpu.memory_space<vmem>> -> memref<128xi32, #tpu.memory_space<vmem>>
        %dma_start3A_531 = arith.constant 0 : i32
        %dma_start3A_532 = tpu.memref_slice %arg7[%dma_start3A_531] : memref<7680xf32, #tpu.memory_space<vmem_shared>> -> memref<7680xf32, #tpu.memory_space<vmem_shared>>
        tpu.enqueue_indirect_dma source(%arg9 : memref<128xf32, #tpu.memory_space<vmem>>) target(%dma_start3A_532 : memref<7680xf32, #tpu.memory_space<vmem_shared>>) offsets(%dma_start3A_530 : memref<128xi32, #tpu.memory_space<vmem>>) semaphore(%run_scoped3A_528 : memref<!tpu.dma_semaphore, #tpu.memory_space<semaphore_mem>>) {add = true}
        %dma_wait3A = arith.constant 0 : i32
        %dma_wait3A_533 = tpu.memref_slice %arg11[%run_scoped3A_527, %dma_wait3A] : memref<1x128xi32, #tpu.memory_space<vmem>> -> memref<1x128xi32, #tpu.memory_space<vmem>>
        %dma_wait3A_534 = tpu.memref_squeeze %dma_wait3A_533 : memref<1x128xi32, #tpu.memory_space<vmem>> -> memref<128xi32, #tpu.memory_space<vmem>>
        %dma_wait3A_535 = arith.constant 0 : i32
        %dma_wait3A_536 = tpu.memref_slice %arg7[%dma_wait3A_535] : memref<7680xf32, #tpu.memory_space<vmem_shared>> -> memref<7680xf32, #tpu.memory_space<vmem_shared>>
        tpu.wait_indirect_dma semaphore(%run_scoped3A_528 : memref<!tpu.dma_semaphore, #tpu.memory_space<semaphore_mem>>) src(%arg9 : memref<128xf32, #tpu.memory_space<vmem>>) dst(%dma_wait3A_536 : memref<7680xf32, #tpu.memory_space<vmem_shared>>)
        tpu.yield
      }) : () -> ()
    }
    %while3A_107 = arith.constant 1 : i32
    scf.for %while3A_256 = %while3A_105 to %while3A_101 step %while3A_107  : i32 {
      %mul3A_257 = arith.muli %while3A_256, %while3A_97 : i32
      %add3A_258 = arith.addi %while3A_98, %mul3A_257 : i32
      %add3A_259 = arith.addi %mul3A_43, %add3A_258 : i32
      "tpu.region"() ({
        %run_scoped3A_528 = tpu.sem_alloc : memref<!tpu.dma_semaphore, #tpu.memory_space<semaphore_mem>>
        %dma_start3A = arith.constant 0 : i32
        %dma_start3A_529 = tpu.memref_slice %arg3[%add3A_259, %dma_start3A] : memref<2512x384xi32, #tpu.memory_space<hbm>> -> memref<1x384xi32, #tpu.memory_space<hbm>>
        %dma_start3A_530 = tpu.memref_squeeze %dma_start3A_529 : memref<1x384xi32, #tpu.memory_space<hbm>> -> memref<384xi32, #tpu.memory_space<hbm>>
        %dma_start3A_531 = arith.constant 0 : i32
        %dma_start3A_532 = tpu.memref_slice %arg3[%add3A_259, %dma_start3A_531] : memref<2512x384xi32, #tpu.memory_space<hbm>> -> memref<1x384xi32, #tpu.memory_space<hbm>>
        %dma_start3A_533 = tpu.memref_squeeze %dma_start3A_532 : memref<1x384xi32, #tpu.memory_space<hbm>> -> memref<384xi32, #tpu.memory_space<hbm>>
        tpu.enqueue_dma source(%dma_start3A_533 : memref<384xi32, #tpu.memory_space<hbm>>) target(%arg10 : memref<384xi32, #tpu.memory_space<vmem>>) target_semaphore(%run_scoped3A_528 : memref<!tpu.dma_semaphore, #tpu.memory_space<semaphore_mem>>)
        %dma_wait3A = arith.constant 0 : i32
        %dma_wait3A_534 = tpu.memref_slice %arg3[%add3A_259, %dma_wait3A] : memref<2512x384xi32, #tpu.memory_space<hbm>> -> memref<1x384xi32, #tpu.memory_space<hbm>>
        %dma_wait3A_535 = tpu.memref_squeeze %dma_wait3A_534 : memref<1x384xi32, #tpu.memory_space<hbm>> -> memref<384xi32, #tpu.memory_space<hbm>>
        %dma_wait3A_536 = arith.constant 0 : i32
        %dma_wait3A_537 = tpu.memref_slice %arg3[%add3A_259, %dma_wait3A_536] : memref<2512x384xi32, #tpu.memory_space<hbm>> -> memref<1x384xi32, #tpu.memory_space<hbm>>
        %dma_wait3A_538 = tpu.memref_squeeze %dma_wait3A_537 : memref<1x384xi32, #tpu.memory_space<hbm>> -> memref<384xi32, #tpu.memory_space<hbm>>
        tpu.wait_dma2 semaphore(%run_scoped3A_528 : memref<!tpu.dma_semaphore, #tpu.memory_space<semaphore_mem>>) src(%dma_wait3A_538 : memref<384xi32, #tpu.memory_space<hbm>>) dst(%arg10 : memref<384xi32, #tpu.memory_space<vmem>>)
        tpu.yield
      }) : () -> ()
      %add3A_260 = arith.constant 128 : i32
      %add3A_261 = arith.constant 0 : i32
      %add3A_262 = arith.addi %add3A_260, %add3A_261 : i32
      %get3A = arith.index_cast %add3A_262 : i32 to index
      %get3A_263 = tpu.vector_load %arg10[%get3A] {strides = array<i32>} : memref<384xi32, #tpu.memory_space<vmem>>, vector<16xi32>,
      %get3A_264 = vector.shape_cast %get3A_263 : vector<16xi32> to vector<16xi32>
      %add3A_265 = arith.constant 256 : i32
      %add3A_266 = arith.constant 0 : i32
      %add3A_267 = arith.addi %add3A_265, %add3A_266 : i32
      %get3A_268 = arith.index_cast %add3A_267 : i32 to index
      %get3A_269 = tpu.vector_load %arg10[%get3A_268] {strides = array<i32>} : memref<384xi32, #tpu.memory_space<vmem>>, vector<16xi32>,
      %get3A_270 = vector.shape_cast %get3A_269 : vector<16xi32> to vector<16xi32>
      %ge3A = vector.broadcast %mul3A_41 : i32 to vector<16xi32>
      %ge3A_271 = arith.cmpi sge, %get3A_264, %ge3A : vector<16xi32>
      %add3A_272 = arith.constant 2500 : i32
      %add3A_273 = arith.addi %mul3A_41, %add3A_272 : i32
      %lt3A_274 = vector.broadcast %add3A_273 : i32 to vector<16xi32>
      %lt3A_275 = arith.cmpi slt, %get3A_264, %lt3A_274 : vector<16xi32>
      %and3A = arith.andi %ge3A_271, %lt3A_275 : vector<16xi1>
      %mul3A_276 = arith.constant 2560 : i32
      %mul3A_277 = vector.broadcast %mul3A_276 : i32 to vector<16xi32>
      %mul3A_278 = arith.muli %get3A_270, %mul3A_277 : vector<16xi32>
      %sub3A_279 = vector.broadcast %mul3A_41 : i32 to vector<16xi32>
      %sub3A_280 = arith.subi %get3A_264, %sub3A_279 : vector<16xi32>
      %add3A_281 = arith.addi %mul3A_278, %sub3A_280 : vector<16xi32>
      %jit3A = arith.constant 2500 : i32
      %broadcast_in_dim3A_282 = vector.broadcast %jit3A : i32 to vector<16xi32>
      %select_n3A = arith.select %and3A, %add3A_281, %broadcast_in_dim3A_282 : vector<16xi1>, vector<16xi32>
      %swap3A = arith.constant 0 : i64
      %swap3A_283 = arith.index_cast %swap3A : i64 to index
      %swap3A_284 = arith.constant 0 : index
      %swap3A_285 = tpu.vector_load %arg11[%swap3A_283, %swap3A_284] {strides = array<i32>} : memref<1x128xi32, #tpu.memory_space<vmem>>, vector<1x16xi32>,
      %swap3A_286 = vector.shape_cast %swap3A_285 : vector<1x16xi32> to vector<16xi32>
      %swap3A_287 = vector.shape_cast %select_n3A : vector<16xi32> to vector<1x16xi32>
      tpu.vector_store %arg11[%swap3A_283, %swap3A_284], %swap3A_287 {strides = array<i32>} : memref<1x128xi32, #tpu.memory_space<vmem>>, vector<1x16xi32>,
      %add3A_288 = arith.constant 128 : i32
      %add3A_289 = arith.constant 16 : i32
      %add3A_290 = arith.addi %add3A_288, %add3A_289 : i32
      %get3A_291 = arith.index_cast %add3A_290 : i32 to index
      %get3A_292 = tpu.vector_load %arg10[%get3A_291] {strides = array<i32>} : memref<384xi32, #tpu.memory_space<vmem>>, vector<16xi32>,
      %get3A_293 = vector.shape_cast %get3A_292 : vector<16xi32> to vector<16xi32>
      %add3A_294 = arith.constant 256 : i32
      %add3A_295 = arith.constant 16 : i32
      %add3A_296 = arith.addi %add3A_294, %add3A_295 : i32
      %get3A_297 = arith.index_cast %add3A_296 : i32 to index
      %get3A_298 = tpu.vector_load %arg10[%get3A_297] {strides = array<i32>} : memref<384xi32, #tpu.memory_space<vmem>>, vector<16xi32>,
      %get3A_299 = vector.shape_cast %get3A_298 : vector<16xi32> to vector<16xi32>
      %ge3A_300 = vector.broadcast %mul3A_41 : i32 to vector<16xi32>
      %ge3A_301 = arith.cmpi sge, %get3A_293, %ge3A_300 : vector<16xi32>
      %add3A_302 = arith.constant 2500 : i32
      %add3A_303 = arith.addi %mul3A_41, %add3A_302 : i32
      %lt3A_304 = vector.broadcast %add3A_303 : i32 to vector<16xi32>
      %lt3A_305 = arith.cmpi slt, %get3A_293, %lt3A_304 : vector<16xi32>
      %and3A_306 = arith.andi %ge3A_301, %lt3A_305 : vector<16xi1>
      %mul3A_307 = arith.constant 2560 : i32
      %mul3A_308 = vector.broadcast %mul3A_307 : i32 to vector<16xi32>
      %mul3A_309 = arith.muli %get3A_299, %mul3A_308 : vector<16xi32>
      %sub3A_310 = vector.broadcast %mul3A_41 : i32 to vector<16xi32>
      %sub3A_311 = arith.subi %get3A_293, %sub3A_310 : vector<16xi32>
      %add3A_312 = arith.addi %mul3A_309, %sub3A_311 : vector<16xi32>
      %jit3A_313 = arith.constant 2500 : i32
      %broadcast_in_dim3A_314 = vector.broadcast %jit3A_313 : i32 to vector<16xi32>
      %select_n3A_315 = arith.select %and3A_306, %add3A_312, %broadcast_in_dim3A_314 : vector<16xi1>, vector<16xi32>
      %swap3A_316 = arith.constant 0 : i64
      %swap3A_317 = arith.index_cast %swap3A_316 : i64 to index
      %swap3A_318 = arith.constant 16 : index
      %swap3A_319 = tpu.vector_load %arg11[%swap3A_317, %swap3A_318] {strides = array<i32>} : memref<1x128xi32, #tpu.memory_space<vmem>>, vector<1x16xi32>,
      %swap3A_320 = vector.shape_cast %swap3A_319 : vector<1x16xi32> to vector<16xi32>
      %swap3A_321 = vector.shape_cast %select_n3A_315 : vector<16xi32> to vector<1x16xi32>
      tpu.vector_store %arg11[%swap3A_317, %swap3A_318], %swap3A_321 {strides = array<i32>} : memref<1x128xi32, #tpu.memory_space<vmem>>, vector<1x16xi32>,
      %add3A_322 = arith.constant 128 : i32
      %add3A_323 = arith.constant 32 : i32
      %add3A_324 = arith.addi %add3A_322, %add3A_323 : i32
      %get3A_325 = arith.index_cast %add3A_324 : i32 to index
      %get3A_326 = tpu.vector_load %arg10[%get3A_325] {strides = array<i32>} : memref<384xi32, #tpu.memory_space<vmem>>, vector<16xi32>,
      %get3A_327 = vector.shape_cast %get3A_326 : vector<16xi32> to vector<16xi32>
      %add3A_328 = arith.constant 256 : i32
      %add3A_329 = arith.constant 32 : i32
      %add3A_330 = arith.addi %add3A_328, %add3A_329 : i32
      %get3A_331 = arith.index_cast %add3A_330 : i32 to index
      %get3A_332 = tpu.vector_load %arg10[%get3A_331] {strides = array<i32>} : memref<384xi32, #tpu.memory_space<vmem>>, vector<16xi32>,
      %get3A_333 = vector.shape_cast %get3A_332 : vector<16xi32> to vector<16xi32>
      %ge3A_334 = vector.broadcast %mul3A_41 : i32 to vector<16xi32>
      %ge3A_335 = arith.cmpi sge, %get3A_327, %ge3A_334 : vector<16xi32>
      %add3A_336 = arith.constant 2500 : i32
      %add3A_337 = arith.addi %mul3A_41, %add3A_336 : i32
      %lt3A_338 = vector.broadcast %add3A_337 : i32 to vector<16xi32>
      %lt3A_339 = arith.cmpi slt, %get3A_327, %lt3A_338 : vector<16xi32>
      %and3A_340 = arith.andi %ge3A_335, %lt3A_339 : vector<16xi1>
      %mul3A_341 = arith.constant 2560 : i32
      %mul3A_342 = vector.broadcast %mul3A_341 : i32 to vector<16xi32>
      %mul3A_343 = arith.muli %get3A_333, %mul3A_342 : vector<16xi32>
      %sub3A_344 = vector.broadcast %mul3A_41 : i32 to vector<16xi32>
      %sub3A_345 = arith.subi %get3A_327, %sub3A_344 : vector<16xi32>
      %add3A_346 = arith.addi %mul3A_343, %sub3A_345 : vector<16xi32>
      %jit3A_347 = arith.constant 2500 : i32
      %broadcast_in_dim3A_348 = vector.broadcast %jit3A_347 : i32 to vector<16xi32>
      %select_n3A_349 = arith.select %and3A_340, %add3A_346, %broadcast_in_dim3A_348 : vector<16xi1>, vector<16xi32>
      %swap3A_350 = arith.constant 0 : i64
      %swap3A_351 = arith.index_cast %swap3A_350 : i64 to index
      %swap3A_352 = arith.constant 32 : index
      %swap3A_353 = tpu.vector_load %arg11[%swap3A_351, %swap3A_352] {strides = array<i32>} : memref<1x128xi32, #tpu.memory_space<vmem>>, vector<1x16xi32>,
      %swap3A_354 = vector.shape_cast %swap3A_353 : vector<1x16xi32> to vector<16xi32>
      %swap3A_355 = vector.shape_cast %select_n3A_349 : vector<16xi32> to vector<1x16xi32>
      tpu.vector_store %arg11[%swap3A_351, %swap3A_352], %swap3A_355 {strides = array<i32>} : memref<1x128xi32, #tpu.memory_space<vmem>>, vector<1x16xi32>,
      %add3A_356 = arith.constant 128 : i32
      %add3A_357 = arith.constant 48 : i32
      %add3A_358 = arith.addi %add3A_356, %add3A_357 : i32
      %get3A_359 = arith.index_cast %add3A_358 : i32 to index
      %get3A_360 = tpu.vector_load %arg10[%get3A_359] {strides = array<i32>} : memref<384xi32, #tpu.memory_space<vmem>>, vector<16xi32>,
      %get3A_361 = vector.shape_cast %get3A_360 : vector<16xi32> to vector<16xi32>
      %add3A_362 = arith.constant 256 : i32
      %add3A_363 = arith.constant 48 : i32
      %add3A_364 = arith.addi %add3A_362, %add3A_363 : i32
      %get3A_365 = arith.index_cast %add3A_364 : i32 to index
      %get3A_366 = tpu.vector_load %arg10[%get3A_365] {strides = array<i32>} : memref<384xi32, #tpu.memory_space<vmem>>, vector<16xi32>,
      %get3A_367 = vector.shape_cast %get3A_366 : vector<16xi32> to vector<16xi32>
      %ge3A_368 = vector.broadcast %mul3A_41 : i32 to vector<16xi32>
      %ge3A_369 = arith.cmpi sge, %get3A_361, %ge3A_368 : vector<16xi32>
      %add3A_370 = arith.constant 2500 : i32
      %add3A_371 = arith.addi %mul3A_41, %add3A_370 : i32
      %lt3A_372 = vector.broadcast %add3A_371 : i32 to vector<16xi32>
      %lt3A_373 = arith.cmpi slt, %get3A_361, %lt3A_372 : vector<16xi32>
      %and3A_374 = arith.andi %ge3A_369, %lt3A_373 : vector<16xi1>
      %mul3A_375 = arith.constant 2560 : i32
      %mul3A_376 = vector.broadcast %mul3A_375 : i32 to vector<16xi32>
      %mul3A_377 = arith.muli %get3A_367, %mul3A_376 : vector<16xi32>
      %sub3A_378 = vector.broadcast %mul3A_41 : i32 to vector<16xi32>
      %sub3A_379 = arith.subi %get3A_361, %sub3A_378 : vector<16xi32>
      %add3A_380 = arith.addi %mul3A_377, %sub3A_379 : vector<16xi32>
      %jit3A_381 = arith.constant 2500 : i32
      %broadcast_in_dim3A_382 = vector.broadcast %jit3A_381 : i32 to vector<16xi32>
      %select_n3A_383 = arith.select %and3A_374, %add3A_380, %broadcast_in_dim3A_382 : vector<16xi1>, vector<16xi32>
      %swap3A_384 = arith.constant 0 : i64
      %swap3A_385 = arith.index_cast %swap3A_384 : i64 to index
      %swap3A_386 = arith.constant 48 : index
      %swap3A_387 = tpu.vector_load %arg11[%swap3A_385, %swap3A_386] {strides = array<i32>} : memref<1x128xi32, #tpu.memory_space<vmem>>, vector<1x16xi32>,
      %swap3A_388 = vector.shape_cast %swap3A_387 : vector<1x16xi32> to vector<16xi32>
      %swap3A_389 = vector.shape_cast %select_n3A_383 : vector<16xi32> to vector<1x16xi32>
      tpu.vector_store %arg11[%swap3A_385, %swap3A_386], %swap3A_389 {strides = array<i32>} : memref<1x128xi32, #tpu.memory_space<vmem>>, vector<1x16xi32>,
      %add3A_390 = arith.constant 128 : i32
      %add3A_391 = arith.constant 64 : i32
      %add3A_392 = arith.addi %add3A_390, %add3A_391 : i32
      %get3A_393 = arith.index_cast %add3A_392 : i32 to index
      %get3A_394 = tpu.vector_load %arg10[%get3A_393] {strides = array<i32>} : memref<384xi32, #tpu.memory_space<vmem>>, vector<16xi32>,
      %get3A_395 = vector.shape_cast %get3A_394 : vector<16xi32> to vector<16xi32>
      %add3A_396 = arith.constant 256 : i32
      %add3A_397 = arith.constant 64 : i32
      %add3A_398 = arith.addi %add3A_396, %add3A_397 : i32
      %get3A_399 = arith.index_cast %add3A_398 : i32 to index
      %get3A_400 = tpu.vector_load %arg10[%get3A_399] {strides = array<i32>} : memref<384xi32, #tpu.memory_space<vmem>>, vector<16xi32>,
      %get3A_401 = vector.shape_cast %get3A_400 : vector<16xi32> to vector<16xi32>
      %ge3A_402 = vector.broadcast %mul3A_41 : i32 to vector<16xi32>
      %ge3A_403 = arith.cmpi sge, %get3A_395, %ge3A_402 : vector<16xi32>
      %add3A_404 = arith.constant 2500 : i32
      %add3A_405 = arith.addi %mul3A_41, %add3A_404 : i32
      %lt3A_406 = vector.broadcast %add3A_405 : i32 to vector<16xi32>
      %lt3A_407 = arith.cmpi slt, %get3A_395, %lt3A_406 : vector<16xi32>
      %and3A_408 = arith.andi %ge3A_403, %lt3A_407 : vector<16xi1>
      %mul3A_409 = arith.constant 2560 : i32
      %mul3A_410 = vector.broadcast %mul3A_409 : i32 to vector<16xi32>
      %mul3A_411 = arith.muli %get3A_401, %mul3A_410 : vector<16xi32>
      %sub3A_412 = vector.broadcast %mul3A_41 : i32 to vector<16xi32>
      %sub3A_413 = arith.subi %get3A_395, %sub3A_412 : vector<16xi32>
      %add3A_414 = arith.addi %mul3A_411, %sub3A_413 : vector<16xi32>
      %jit3A_415 = arith.constant 2500 : i32
      %broadcast_in_dim3A_416 = vector.broadcast %jit3A_415 : i32 to vector<16xi32>
      %select_n3A_417 = arith.select %and3A_408, %add3A_414, %broadcast_in_dim3A_416 : vector<16xi1>, vector<16xi32>
      %swap3A_418 = arith.constant 0 : i64
      %swap3A_419 = arith.index_cast %swap3A_418 : i64 to index
      %swap3A_420 = arith.constant 64 : index
      %swap3A_421 = tpu.vector_load %arg11[%swap3A_419, %swap3A_420] {strides = array<i32>} : memref<1x128xi32, #tpu.memory_space<vmem>>, vector<1x16xi32>,
      %swap3A_422 = vector.shape_cast %swap3A_421 : vector<1x16xi32> to vector<16xi32>
      %swap3A_423 = vector.shape_cast %select_n3A_417 : vector<16xi32> to vector<1x16xi32>
      tpu.vector_store %arg11[%swap3A_419, %swap3A_420], %swap3A_423 {strides = array<i32>} : memref<1x128xi32, #tpu.memory_space<vmem>>, vector<1x16xi32>,
      %add3A_424 = arith.constant 128 : i32
      %add3A_425 = arith.constant 80 : i32
      %add3A_426 = arith.addi %add3A_424, %add3A_425 : i32
      %get3A_427 = arith.index_cast %add3A_426 : i32 to index
      %get3A_428 = tpu.vector_load %arg10[%get3A_427] {strides = array<i32>} : memref<384xi32, #tpu.memory_space<vmem>>, vector<16xi32>,
      %get3A_429 = vector.shape_cast %get3A_428 : vector<16xi32> to vector<16xi32>
      %add3A_430 = arith.constant 256 : i32
      %add3A_431 = arith.constant 80 : i32
      %add3A_432 = arith.addi %add3A_430, %add3A_431 : i32
      %get3A_433 = arith.index_cast %add3A_432 : i32 to index
      %get3A_434 = tpu.vector_load %arg10[%get3A_433] {strides = array<i32>} : memref<384xi32, #tpu.memory_space<vmem>>, vector<16xi32>,
      %get3A_435 = vector.shape_cast %get3A_434 : vector<16xi32> to vector<16xi32>
      %ge3A_436 = vector.broadcast %mul3A_41 : i32 to vector<16xi32>
      %ge3A_437 = arith.cmpi sge, %get3A_429, %ge3A_436 : vector<16xi32>
      %add3A_438 = arith.constant 2500 : i32
      %add3A_439 = arith.addi %mul3A_41, %add3A_438 : i32
      %lt3A_440 = vector.broadcast %add3A_439 : i32 to vector<16xi32>
      %lt3A_441 = arith.cmpi slt, %get3A_429, %lt3A_440 : vector<16xi32>
      %and3A_442 = arith.andi %ge3A_437, %lt3A_441 : vector<16xi1>
      %mul3A_443 = arith.constant 2560 : i32
      %mul3A_444 = vector.broadcast %mul3A_443 : i32 to vector<16xi32>
      %mul3A_445 = arith.muli %get3A_435, %mul3A_444 : vector<16xi32>
      %sub3A_446 = vector.broadcast %mul3A_41 : i32 to vector<16xi32>
      %sub3A_447 = arith.subi %get3A_429, %sub3A_446 : vector<16xi32>
      %add3A_448 = arith.addi %mul3A_445, %sub3A_447 : vector<16xi32>
      %jit3A_449 = arith.constant 2500 : i32
      %broadcast_in_dim3A_450 = vector.broadcast %jit3A_449 : i32 to vector<16xi32>
      %select_n3A_451 = arith.select %and3A_442, %add3A_448, %broadcast_in_dim3A_450 : vector<16xi1>, vector<16xi32>
      %swap3A_452 = arith.constant 0 : i64
      %swap3A_453 = arith.index_cast %swap3A_452 : i64 to index
      %swap3A_454 = arith.constant 80 : index
      %swap3A_455 = tpu.vector_load %arg11[%swap3A_453, %swap3A_454] {strides = array<i32>} : memref<1x128xi32, #tpu.memory_space<vmem>>, vector<1x16xi32>,
      %swap3A_456 = vector.shape_cast %swap3A_455 : vector<1x16xi32> to vector<16xi32>
      %swap3A_457 = vector.shape_cast %select_n3A_451 : vector<16xi32> to vector<1x16xi32>
      tpu.vector_store %arg11[%swap3A_453, %swap3A_454], %swap3A_457 {strides = array<i32>} : memref<1x128xi32, #tpu.memory_space<vmem>>, vector<1x16xi32>,
      %add3A_458 = arith.constant 128 : i32
      %add3A_459 = arith.constant 96 : i32
      %add3A_460 = arith.addi %add3A_458, %add3A_459 : i32
      %get3A_461 = arith.index_cast %add3A_460 : i32 to index
      %get3A_462 = tpu.vector_load %arg10[%get3A_461] {strides = array<i32>} : memref<384xi32, #tpu.memory_space<vmem>>, vector<16xi32>,
      %get3A_463 = vector.shape_cast %get3A_462 : vector<16xi32> to vector<16xi32>
      %add3A_464 = arith.constant 256 : i32
      %add3A_465 = arith.constant 96 : i32
      %add3A_466 = arith.addi %add3A_464, %add3A_465 : i32
      %get3A_467 = arith.index_cast %add3A_466 : i32 to index
      %get3A_468 = tpu.vector_load %arg10[%get3A_467] {strides = array<i32>} : memref<384xi32, #tpu.memory_space<vmem>>, vector<16xi32>,
      %get3A_469 = vector.shape_cast %get3A_468 : vector<16xi32> to vector<16xi32>
      %ge3A_470 = vector.broadcast %mul3A_41 : i32 to vector<16xi32>
      %ge3A_471 = arith.cmpi sge, %get3A_463, %ge3A_470 : vector<16xi32>
      %add3A_472 = arith.constant 2500 : i32
      %add3A_473 = arith.addi %mul3A_41, %add3A_472 : i32
      %lt3A_474 = vector.broadcast %add3A_473 : i32 to vector<16xi32>
      %lt3A_475 = arith.cmpi slt, %get3A_463, %lt3A_474 : vector<16xi32>
      %and3A_476 = arith.andi %ge3A_471, %lt3A_475 : vector<16xi1>
      %mul3A_477 = arith.constant 2560 : i32
      %mul3A_478 = vector.broadcast %mul3A_477 : i32 to vector<16xi32>
      %mul3A_479 = arith.muli %get3A_469, %mul3A_478 : vector<16xi32>
      %sub3A_480 = vector.broadcast %mul3A_41 : i32 to vector<16xi32>
      %sub3A_481 = arith.subi %get3A_463, %sub3A_480 : vector<16xi32>
      %add3A_482 = arith.addi %mul3A_479, %sub3A_481 : vector<16xi32>
      %jit3A_483 = arith.constant 2500 : i32
      %broadcast_in_dim3A_484 = vector.broadcast %jit3A_483 : i32 to vector<16xi32>
      %select_n3A_485 = arith.select %and3A_476, %add3A_482, %broadcast_in_dim3A_484 : vector<16xi1>, vector<16xi32>
      %swap3A_486 = arith.constant 0 : i64
      %swap3A_487 = arith.index_cast %swap3A_486 : i64 to index
      %swap3A_488 = arith.constant 96 : index
      %swap3A_489 = tpu.vector_load %arg11[%swap3A_487, %swap3A_488] {strides = array<i32>} : memref<1x128xi32, #tpu.memory_space<vmem>>, vector<1x16xi32>,
      %swap3A_490 = vector.shape_cast %swap3A_489 : vector<1x16xi32> to vector<16xi32>
      %swap3A_491 = vector.shape_cast %select_n3A_485 : vector<16xi32> to vector<1x16xi32>
      tpu.vector_store %arg11[%swap3A_487, %swap3A_488], %swap3A_491 {strides = array<i32>} : memref<1x128xi32, #tpu.memory_space<vmem>>, vector<1x16xi32>,
      %add3A_492 = arith.constant 128 : i32
      %add3A_493 = arith.constant 112 : i32
      %add3A_494 = arith.addi %add3A_492, %add3A_493 : i32
      %get3A_495 = arith.index_cast %add3A_494 : i32 to index
      %get3A_496 = tpu.vector_load %arg10[%get3A_495] {strides = array<i32>} : memref<384xi32, #tpu.memory_space<vmem>>, vector<16xi32>,
      %get3A_497 = vector.shape_cast %get3A_496 : vector<16xi32> to vector<16xi32>
      %add3A_498 = arith.constant 256 : i32
      %add3A_499 = arith.constant 112 : i32
      %add3A_500 = arith.addi %add3A_498, %add3A_499 : i32
      %get3A_501 = arith.index_cast %add3A_500 : i32 to index
      %get3A_502 = tpu.vector_load %arg10[%get3A_501] {strides = array<i32>} : memref<384xi32, #tpu.memory_space<vmem>>, vector<16xi32>,
      %get3A_503 = vector.shape_cast %get3A_502 : vector<16xi32> to vector<16xi32>
      %ge3A_504 = vector.broadcast %mul3A_41 : i32 to vector<16xi32>
      %ge3A_505 = arith.cmpi sge, %get3A_497, %ge3A_504 : vector<16xi32>
      %add3A_506 = arith.constant 2500 : i32
      %add3A_507 = arith.addi %mul3A_41, %add3A_506 : i32
      %lt3A_508 = vector.broadcast %add3A_507 : i32 to vector<16xi32>
      %lt3A_509 = arith.cmpi slt, %get3A_497, %lt3A_508 : vector<16xi32>
      %and3A_510 = arith.andi %ge3A_505, %lt3A_509 : vector<16xi1>
      %mul3A_511 = arith.constant 2560 : i32
      %mul3A_512 = vector.broadcast %mul3A_511 : i32 to vector<16xi32>
      %mul3A_513 = arith.muli %get3A_503, %mul3A_512 : vector<16xi32>
      %sub3A_514 = vector.broadcast %mul3A_41 : i32 to vector<16xi32>
      %sub3A_515 = arith.subi %get3A_497, %sub3A_514 : vector<16xi32>
      %add3A_516 = arith.addi %mul3A_513, %sub3A_515 : vector<16xi32>
      %jit3A_517 = arith.constant 2500 : i32
      %broadcast_in_dim3A_518 = vector.broadcast %jit3A_517 : i32 to vector<16xi32>
      %select_n3A_519 = arith.select %and3A_510, %add3A_516, %broadcast_in_dim3A_518 : vector<16xi1>, vector<16xi32>
      %swap3A_520 = arith.constant 0 : i64
      %swap3A_521 = arith.index_cast %swap3A_520 : i64 to index
      %swap3A_522 = arith.constant 112 : index
      %swap3A_523 = tpu.vector_load %arg11[%swap3A_521, %swap3A_522] {strides = array<i32>} : memref<1x128xi32, #tpu.memory_space<vmem>>, vector<1x16xi32>,
      %swap3A_524 = vector.shape_cast %swap3A_523 : vector<1x16xi32> to vector<16xi32>
      %swap3A_525 = vector.shape_cast %select_n3A_519 : vector<16xi32> to vector<1x16xi32>
      tpu.vector_store %arg11[%swap3A_521, %swap3A_522], %swap3A_525 {strides = array<i32>} : memref<1x128xi32, #tpu.memory_space<vmem>>, vector<1x16xi32>,
      "tpu.region"() ({
        %run_scoped3A_528 = tpu.sem_alloc : memref<!tpu.dma_semaphore, #tpu.memory_space<semaphore_mem>>
        %dma_start3A = arith.constant 0 : i32
        %dma_start3A_529 = tpu.memref_slice %arg10[%dma_start3A] : memref<384xi32, #tpu.memory_space<vmem>> -> memref<128xi32, #tpu.memory_space<vmem>>
        %dma_start3A_530 = arith.constant 0 : i32
        %dma_start3A_531 = arith.constant 0 : i32
        %dma_start3A_532 = tpu.memref_slice %arg2[%dma_start3A_530, %dma_start3A_531] : memref<10000x128xf32, #tpu.memory_space<hbm>> -> memref<10000x128xf32, #tpu.memory_space<hbm>>
        tpu.enqueue_indirect_dma source(%dma_start3A_532 : memref<10000x128xf32, #tpu.memory_space<hbm>>) target(%arg12 : memref<128x128xf32, #tpu.memory_space<vmem>>) offsets(%dma_start3A_529 : memref<128xi32, #tpu.memory_space<vmem>>) semaphore(%run_scoped3A_528 : memref<!tpu.dma_semaphore, #tpu.memory_space<semaphore_mem>>)
        %dma_wait3A = arith.constant 0 : i32
        %dma_wait3A_533 = tpu.memref_slice %arg10[%dma_wait3A] : memref<384xi32, #tpu.memory_space<vmem>> -> memref<128xi32, #tpu.memory_space<vmem>>
        %dma_wait3A_534 = arith.constant 0 : i32
        %dma_wait3A_535 = arith.constant 0 : i32
        %dma_wait3A_536 = tpu.memref_slice %arg2[%dma_wait3A_534, %dma_wait3A_535] : memref<10000x128xf32, #tpu.memory_space<hbm>> -> memref<10000x128xf32, #tpu.memory_space<hbm>>
        tpu.wait_indirect_dma semaphore(%run_scoped3A_528 : memref<!tpu.dma_semaphore, #tpu.memory_space<semaphore_mem>>) src(%dma_wait3A_536 : memref<10000x128xf32, #tpu.memory_space<hbm>>) dst(%arg12 : memref<128x128xf32, #tpu.memory_space<vmem>>)
        tpu.yield
      }) : () -> ()
      %run_scoped3A_526 = arith.constant 0 : i32
      "tpu.region"() ({
        %run_scoped3A_528 = tpu.sem_alloc : memref<!tpu.dma_semaphore, #tpu.memory_space<semaphore_mem>>
        %dma_start3A = arith.constant 0 : i32
        %dma_start3A_529 = tpu.memref_slice %arg11[%run_scoped3A_526, %dma_start3A] : memref<1x128xi32, #tpu.memory_space<vmem>> -> memref<1x128xi32, #tpu.memory_space<vmem>>
        %dma_start3A_530 = tpu.memref_squeeze %dma_start3A_529 : memref<1x128xi32, #tpu.memory_space<vmem>> -> memref<128xi32, #tpu.memory_space<vmem>>
        %dma_start3A_531 = arith.constant 0 : i32
        %dma_start3A_532 = arith.constant 0 : i32
        %dma_start3A_533 = tpu.memref_slice %arg6[%dma_start3A_531, %dma_start3A_532] : memref<7680x128xf32, #tpu.memory_space<vmem_shared>> -> memref<7680x128xf32, #tpu.memory_space<vmem_shared>>
        tpu.enqueue_indirect_dma source(%arg12 : memref<128x128xf32, #tpu.memory_space<vmem>>) target(%dma_start3A_533 : memref<7680x128xf32, #tpu.memory_space<vmem_shared>>) offsets(%dma_start3A_530 : memref<128xi32, #tpu.memory_space<vmem>>) semaphore(%run_scoped3A_528 : memref<!tpu.dma_semaphore, #tpu.memory_space<semaphore_mem>>) {add = true}
        %dma_wait3A = arith.constant 0 : i32
        %dma_wait3A_534 = tpu.memref_slice %arg11[%run_scoped3A_526, %dma_wait3A] : memref<1x128xi32, #tpu.memory_space<vmem>> -> memref<1x128xi32, #tpu.memory_space<vmem>>
        %dma_wait3A_535 = tpu.memref_squeeze %dma_wait3A_534 : memref<1x128xi32, #tpu.memory_space<vmem>> -> memref<128xi32, #tpu.memory_space<vmem>>
        %dma_wait3A_536 = arith.constant 0 : i32
        %dma_wait3A_537 = arith.constant 0 : i32
        %dma_wait3A_538 = tpu.memref_slice %arg6[%dma_wait3A_536, %dma_wait3A_537] : memref<7680x128xf32, #tpu.memory_space<vmem_shared>> -> memref<7680x128xf32, #tpu.memory_space<vmem_shared>>
        tpu.wait_indirect_dma semaphore(%run_scoped3A_528 : memref<!tpu.dma_semaphore, #tpu.memory_space<semaphore_mem>>) src(%arg12 : memref<128x128xf32, #tpu.memory_space<vmem>>) dst(%dma_wait3A_538 : memref<7680x128xf32, #tpu.memory_space<vmem_shared>>)
        tpu.yield
      }) : () -> ()
      %run_scoped3A_527 = arith.constant 0 : i32
      "tpu.region"() ({
        %run_scoped3A_528 = tpu.sem_alloc : memref<!tpu.dma_semaphore, #tpu.memory_space<semaphore_mem>>
        %dma_start3A = arith.constant 0 : i32
        %dma_start3A_529 = tpu.memref_slice %arg11[%run_scoped3A_527, %dma_start3A] : memref<1x128xi32, #tpu.memory_space<vmem>> -> memref<1x128xi32, #tpu.memory_space<vmem>>
        %dma_start3A_530 = tpu.memref_squeeze %dma_start3A_529 : memref<1x128xi32, #tpu.memory_space<vmem>> -> memref<128xi32, #tpu.memory_space<vmem>>
        %dma_start3A_531 = arith.constant 0 : i32
        %dma_start3A_532 = tpu.memref_slice %arg7[%dma_start3A_531] : memref<7680xf32, #tpu.memory_space<vmem_shared>> -> memref<7680xf32, #tpu.memory_space<vmem_shared>>
        tpu.enqueue_indirect_dma source(%arg9 : memref<128xf32, #tpu.memory_space<vmem>>) target(%dma_start3A_532 : memref<7680xf32, #tpu.memory_space<vmem_shared>>) offsets(%dma_start3A_530 : memref<128xi32, #tpu.memory_space<vmem>>) semaphore(%run_scoped3A_528 : memref<!tpu.dma_semaphore, #tpu.memory_space<semaphore_mem>>) {add = true}
        %dma_wait3A = arith.constant 0 : i32
        %dma_wait3A_533 = tpu.memref_slice %arg11[%run_scoped3A_527, %dma_wait3A] : memref<1x128xi32, #tpu.memory_space<vmem>> -> memref<1x128xi32, #tpu.memory_space<vmem>>
        %dma_wait3A_534 = tpu.memref_squeeze %dma_wait3A_533 : memref<1x128xi32, #tpu.memory_space<vmem>> -> memref<128xi32, #tpu.memory_space<vmem>>
        %dma_wait3A_535 = arith.constant 0 : i32
        %dma_wait3A_536 = tpu.memref_slice %arg7[%dma_wait3A_535] : memref<7680xf32, #tpu.memory_space<vmem_shared>> -> memref<7680xf32, #tpu.memory_space<vmem_shared>>
        tpu.wait_indirect_dma semaphore(%run_scoped3A_528 : memref<!tpu.dma_semaphore, #tpu.memory_space<semaphore_mem>>) src(%arg9 : memref<128xf32, #tpu.memory_space<vmem>>) dst(%dma_wait3A_536 : memref<7680xf32, #tpu.memory_space<vmem_shared>>)
        tpu.yield
      }) : () -> ()
    }
    %barrier3A_108 = arith.constant 0 : index
    tpu.barrier barrier_id(%barrier3A_108)
    %mul3A_109 = arith.constant 160 : i32
    %mul3A_110 = arith.muli %arg1, %mul3A_109 : i32
    %add3A_111 = arith.constant 0 : i32
    %add3A_112 = arith.addi %add3A_111, %mul3A_110 : i32
    %mul3A_113 = arith.constant 2560 : i32
    %mul3A_114 = arith.muli %add3A_39, %mul3A_113 : i32
    %mul3A_115 = arith.constant 160 : i32
    %mul3A_116 = arith.muli %arg1, %mul3A_115 : i32
    %add3A_117 = arith.addi %mul3A_114, %mul3A_116 : i32
    %run_scoped3A = arith.constant 0 : i32
    "tpu.region"() ({
      %run_scoped3A_256 = tpu.sem_alloc : memref<!tpu.dma_semaphore, #tpu.memory_space<semaphore_mem>>
      %dma_start3A = arith.constant 0 : i32
      %dma_start3A_257 = arith.constant 0 : i32
      %dma_start3A_258 = tpu.memref_slice %arg4[%run_scoped3A, %dma_start3A, %dma_start3A_257] : memref<3x10240x128xf32, #tpu.memory_space<hbm>> -> memref<1x10240x128xf32, #tpu.memory_space<hbm>>
      %dma_start3A_259 = tpu.memref_squeeze %dma_start3A_258 : memref<1x10240x128xf32, #tpu.memory_space<hbm>> -> memref<10240x128xf32, #tpu.memory_space<hbm>>
      %dma_start3A_260 = arith.constant 0 : i32
      %dma_start3A_261 = tpu.memref_slice %dma_start3A_259[%add3A_117, %dma_start3A_260] : memref<10240x128xf32, #tpu.memory_space<hbm>> -> memref<160x128xf32, #tpu.memory_space<hbm>>
      %dma_start3A_262 = arith.constant 0 : i32
      %dma_start3A_263 = tpu.memref_slice %arg6[%add3A_112, %dma_start3A_262] : memref<7680x128xf32, #tpu.memory_space<vmem_shared>> -> memref<160x128xf32, #tpu.memory_space<vmem_shared>>
      tpu.enqueue_dma source(%dma_start3A_263 : memref<160x128xf32, #tpu.memory_space<vmem_shared>>) target(%dma_start3A_261 : memref<160x128xf32, #tpu.memory_space<hbm>>) target_semaphore(%run_scoped3A_256 : memref<!tpu.dma_semaphore, #tpu.memory_space<semaphore_mem>>)
      %dma_wait3A = arith.constant 0 : i32
      %dma_wait3A_264 = arith.constant 0 : i32
      %dma_wait3A_265 = tpu.memref_slice %arg4[%run_scoped3A, %dma_wait3A, %dma_wait3A_264] : memref<3x10240x128xf32, #tpu.memory_space<hbm>> -> memref<1x10240x128xf32, #tpu.memory_space<hbm>>
      %dma_wait3A_266 = tpu.memref_squeeze %dma_wait3A_265 : memref<1x10240x128xf32, #tpu.memory_space<hbm>> -> memref<10240x128xf32, #tpu.memory_space<hbm>>
      %dma_wait3A_267 = arith.constant 0 : i32
      %dma_wait3A_268 = tpu.memref_slice %dma_wait3A_266[%add3A_117, %dma_wait3A_267] : memref<10240x128xf32, #tpu.memory_space<hbm>> -> memref<160x128xf32, #tpu.memory_space<hbm>>
      %dma_wait3A_269 = arith.constant 0 : i32
      %dma_wait3A_270 = tpu.memref_slice %arg6[%add3A_112, %dma_wait3A_269] : memref<7680x128xf32, #tpu.memory_space<vmem_shared>> -> memref<160x128xf32, #tpu.memory_space<vmem_shared>>
      tpu.wait_dma2 semaphore(%run_scoped3A_256 : memref<!tpu.dma_semaphore, #tpu.memory_space<semaphore_mem>>) src(%dma_wait3A_270 : memref<160x128xf32, #tpu.memory_space<vmem_shared>>) dst(%dma_wait3A_268 : memref<160x128xf32, #tpu.memory_space<hbm>>)
      tpu.yield
    }) : () -> ()
    %mul3A_118 = arith.constant 160 : i32
    %mul3A_119 = arith.muli %arg1, %mul3A_118 : i32
    %add3A_120 = arith.constant 2560 : i32
    %add3A_121 = arith.addi %add3A_120, %mul3A_119 : i32
    %mul3A_122 = arith.constant 2560 : i32
    %mul3A_123 = arith.muli %add3A_39, %mul3A_122 : i32
    %mul3A_124 = arith.constant 160 : i32
    %mul3A_125 = arith.muli %arg1, %mul3A_124 : i32
    %add3A_126 = arith.addi %mul3A_123, %mul3A_125 : i32
    %run_scoped3A_127 = arith.constant 1 : i32
    "tpu.region"() ({
      %run_scoped3A_256 = tpu.sem_alloc : memref<!tpu.dma_semaphore, #tpu.memory_space<semaphore_mem>>
      %dma_start3A = arith.constant 0 : i32
      %dma_start3A_257 = arith.constant 0 : i32
      %dma_start3A_258 = tpu.memref_slice %arg4[%run_scoped3A_127, %dma_start3A, %dma_start3A_257] : memref<3x10240x128xf32, #tpu.memory_space<hbm>> -> memref<1x10240x128xf32, #tpu.memory_space<hbm>>
      %dma_start3A_259 = tpu.memref_squeeze %dma_start3A_258 : memref<1x10240x128xf32, #tpu.memory_space<hbm>> -> memref<10240x128xf32, #tpu.memory_space<hbm>>
      %dma_start3A_260 = arith.constant 0 : i32
      %dma_start3A_261 = tpu.memref_slice %dma_start3A_259[%add3A_126, %dma_start3A_260] : memref<10240x128xf32, #tpu.memory_space<hbm>> -> memref<160x128xf32, #tpu.memory_space<hbm>>
      %dma_start3A_262 = arith.constant 0 : i32
      %dma_start3A_263 = tpu.memref_slice %arg6[%add3A_121, %dma_start3A_262] : memref<7680x128xf32, #tpu.memory_space<vmem_shared>> -> memref<160x128xf32, #tpu.memory_space<vmem_shared>>
      tpu.enqueue_dma source(%dma_start3A_263 : memref<160x128xf32, #tpu.memory_space<vmem_shared>>) target(%dma_start3A_261 : memref<160x128xf32, #tpu.memory_space<hbm>>) target_semaphore(%run_scoped3A_256 : memref<!tpu.dma_semaphore, #tpu.memory_space<semaphore_mem>>)
      %dma_wait3A = arith.constant 0 : i32
      %dma_wait3A_264 = arith.constant 0 : i32
      %dma_wait3A_265 = tpu.memref_slice %arg4[%run_scoped3A_127, %dma_wait3A, %dma_wait3A_264] : memref<3x10240x128xf32, #tpu.memory_space<hbm>> -> memref<1x10240x128xf32, #tpu.memory_space<hbm>>
      %dma_wait3A_266 = tpu.memref_squeeze %dma_wait3A_265 : memref<1x10240x128xf32, #tpu.memory_space<hbm>> -> memref<10240x128xf32, #tpu.memory_space<hbm>>
      %dma_wait3A_267 = arith.constant 0 : i32
      %dma_wait3A_268 = tpu.memref_slice %dma_wait3A_266[%add3A_126, %dma_wait3A_267] : memref<10240x128xf32, #tpu.memory_space<hbm>> -> memref<160x128xf32, #tpu.memory_space<hbm>>
      %dma_wait3A_269 = arith.constant 0 : i32
      %dma_wait3A_270 = tpu.memref_slice %arg6[%add3A_121, %dma_wait3A_269] : memref<7680x128xf32, #tpu.memory_space<vmem_shared>> -> memref<160x128xf32, #tpu.memory_space<vmem_shared>>
      tpu.wait_dma2 semaphore(%run_scoped3A_256 : memref<!tpu.dma_semaphore, #tpu.memory_space<semaphore_mem>>) src(%dma_wait3A_270 : memref<160x128xf32, #tpu.memory_space<vmem_shared>>) dst(%dma_wait3A_268 : memref<160x128xf32, #tpu.memory_space<hbm>>)
      tpu.yield
    }) : () -> ()
    %mul3A_128 = arith.constant 160 : i32
    %mul3A_129 = arith.muli %arg1, %mul3A_128 : i32
    %add3A_130 = arith.constant 5120 : i32
    %add3A_131 = arith.addi %add3A_130, %mul3A_129 : i32
    %mul3A_132 = arith.constant 2560 : i32
    %mul3A_133 = arith.muli %add3A_39, %mul3A_132 : i32
    %mul3A_134 = arith.constant 160 : i32
    %mul3A_135 = arith.muli %arg1, %mul3A_134 : i32
    %add3A_136 = arith.addi %mul3A_133, %mul3A_135 : i32
    %run_scoped3A_137 = arith.constant 2 : i32
    "tpu.region"() ({
      %run_scoped3A_256 = tpu.sem_alloc : memref<!tpu.dma_semaphore, #tpu.memory_space<semaphore_mem>>
      %dma_start3A = arith.constant 0 : i32
      %dma_start3A_257 = arith.constant 0 : i32
      %dma_start3A_258 = tpu.memref_slice %arg4[%run_scoped3A_137, %dma_start3A, %dma_start3A_257] : memref<3x10240x128xf32, #tpu.memory_space<hbm>> -> memref<1x10240x128xf32, #tpu.memory_space<hbm>>
      %dma_start3A_259 = tpu.memref_squeeze %dma_start3A_258 : memref<1x10240x128xf32, #tpu.memory_space<hbm>> -> memref<10240x128xf32, #tpu.memory_space<hbm>>
      %dma_start3A_260 = arith.constant 0 : i32
      %dma_start3A_261 = tpu.memref_slice %dma_start3A_259[%add3A_136, %dma_start3A_260] : memref<10240x128xf32, #tpu.memory_space<hbm>> -> memref<160x128xf32, #tpu.memory_space<hbm>>
      %dma_start3A_262 = arith.constant 0 : i32
      %dma_start3A_263 = tpu.memref_slice %arg6[%add3A_131, %dma_start3A_262] : memref<7680x128xf32, #tpu.memory_space<vmem_shared>> -> memref<160x128xf32, #tpu.memory_space<vmem_shared>>
      tpu.enqueue_dma source(%dma_start3A_263 : memref<160x128xf32, #tpu.memory_space<vmem_shared>>) target(%dma_start3A_261 : memref<160x128xf32, #tpu.memory_space<hbm>>) target_semaphore(%run_scoped3A_256 : memref<!tpu.dma_semaphore, #tpu.memory_space<semaphore_mem>>)
      %dma_wait3A = arith.constant 0 : i32
      %dma_wait3A_264 = arith.constant 0 : i32
      %dma_wait3A_265 = tpu.memref_slice %arg4[%run_scoped3A_137, %dma_wait3A, %dma_wait3A_264] : memref<3x10240x128xf32, #tpu.memory_space<hbm>> -> memref<1x10240x128xf32, #tpu.memory_space<hbm>>
      %dma_wait3A_266 = tpu.memref_squeeze %dma_wait3A_265 : memref<1x10240x128xf32, #tpu.memory_space<hbm>> -> memref<10240x128xf32, #tpu.memory_space<hbm>>
      %dma_wait3A_267 = arith.constant 0 : i32
      %dma_wait3A_268 = tpu.memref_slice %dma_wait3A_266[%add3A_136, %dma_wait3A_267] : memref<10240x128xf32, #tpu.memory_space<hbm>> -> memref<160x128xf32, #tpu.memory_space<hbm>>
      %dma_wait3A_269 = arith.constant 0 : i32
      %dma_wait3A_270 = tpu.memref_slice %arg6[%add3A_131, %dma_wait3A_269] : memref<7680x128xf32, #tpu.memory_space<vmem_shared>> -> memref<160x128xf32, #tpu.memory_space<vmem_shared>>
      tpu.wait_dma2 semaphore(%run_scoped3A_256 : memref<!tpu.dma_semaphore, #tpu.memory_space<semaphore_mem>>) src(%dma_wait3A_270 : memref<160x128xf32, #tpu.memory_space<vmem_shared>>) dst(%dma_wait3A_268 : memref<160x128xf32, #tpu.memory_space<hbm>>)
      tpu.yield
    }) : () -> ()
    %lt3A_138 = arith.constant 6 : i32
    %lt3A_139 = arith.cmpi slt, %arg1, %lt3A_138 : i32
    %convert_element_type3A_140 = arith.extui %lt3A_139 : i1 to i32
    %cond3A_141 = arith.constant 0 : i32
    %cond3A_142 = arith.cmpi ne, %convert_element_type3A_140, %cond3A_141 : i32
    scf.if %cond3A_142 {
      %mul3A_256 = arith.constant 1280 : i32
      %mul3A_257 = arith.muli %arg1, %mul3A_256 : i32
      %multiple_of3A = tpu.assume_multiple %mul3A_257, 128 : i32
      %jit3A = arith.constant 2 : i32
      %div3A_258 = arith.divsi %arg1, %jit3A : i32
      %sign3A = arith.constant 0 : i32
      %sign3A_259 = arith.cmpi sgt, %arg1, %sign3A : i32
      %sign3A_260 = arith.extui %sign3A_259 : i1 to i32
      %sign3A_261 = arith.constant 0 : i32
      %sign3A_262 = arith.cmpi slt, %arg1, %sign3A_261 : i32
      %sign3A_263 = arith.extui %sign3A_262 : i1 to i32
      %sign3A_264 = arith.subi %sign3A_260, %sign3A_263 : i32
      %sign3A_265 = arith.constant 0 : i32
      %sign3A_266 = arith.cmpi sgt, %jit3A, %sign3A_265 : i32
      %sign3A_267 = arith.extui %sign3A_266 : i1 to i32
      %sign3A_268 = arith.constant 0 : i32
      %sign3A_269 = arith.cmpi slt, %jit3A, %sign3A_268 : i32
      %sign3A_270 = arith.extui %sign3A_269 : i1 to i32
      %sign3A_271 = arith.subi %sign3A_267, %sign3A_270 : i32
      %ne3A = arith.cmpi ne, %sign3A_264, %sign3A_271 : i32
      %rem3A = arith.remsi %arg1, %jit3A : i32
      %ne3A_272 = arith.constant 0 : i32
      %ne3A_273 = arith.cmpi ne, %rem3A, %ne3A_272 : i32
      %and3A = arith.andi %ne3A, %ne3A_273 : i1
      %sub3A_274 = arith.constant 1 : i32
      %sub3A_275 = arith.subi %div3A_258, %sub3A_274 : i32
      %select_n3A = arith.select %and3A, %sub3A_275, %div3A_258 : i32
      %mul3A_276 = arith.constant 2 : i32
      %mul3A_277 = arith.muli %select_n3A, %mul3A_276 : i32
      %sub3A_278 = arith.subi %arg1, %mul3A_277 : i32
      %mul3A_279 = arith.constant 10240 : i32
      %mul3A_280 = arith.muli %select_n3A, %mul3A_279 : i32
      %mul3A_281 = arith.constant 2560 : i32
      %mul3A_282 = arith.muli %add3A_39, %mul3A_281 : i32
      %add3A_283 = arith.addi %mul3A_280, %mul3A_282 : i32
      %mul3A_284 = arith.constant 1280 : i32
      %mul3A_285 = arith.muli %sub3A_278, %mul3A_284 : i32
      %add3A_286 = arith.addi %add3A_283, %mul3A_285 : i32
      %multiple_of3A_287 = tpu.assume_multiple %add3A_286, 128 : i32
      "tpu.region"() ({
        %run_scoped3A_288 = tpu.sem_alloc : memref<!tpu.dma_semaphore, #tpu.memory_space<semaphore_mem>>
        %dma_start3A = tpu.memref_slice %arg5[%multiple_of3A_287] : memref<30720xf32, #tpu.memory_space<hbm>> -> memref<1280xf32, #tpu.memory_space<hbm>>
        %dma_start3A_289 = tpu.memref_slice %arg7[%multiple_of3A] : memref<7680xf32, #tpu.memory_space<vmem_shared>> -> memref<1280xf32, #tpu.memory_space<vmem_shared>>
        tpu.enqueue_dma source(%dma_start3A_289 : memref<1280xf32, #tpu.memory_space<vmem_shared>>) target(%dma_start3A : memref<1280xf32, #tpu.memory_space<hbm>>) target_semaphore(%run_scoped3A_288 : memref<!tpu.dma_semaphore, #tpu.memory_space<semaphore_mem>>)
        %dma_wait3A = tpu.memref_slice %arg5[%multiple_of3A_287] : memref<30720xf32, #tpu.memory_space<hbm>> -> memref<1280xf32, #tpu.memory_space<hbm>>
        %dma_wait3A_290 = tpu.memref_slice %arg7[%multiple_of3A] : memref<7680xf32, #tpu.memory_space<vmem_shared>> -> memref<1280xf32, #tpu.memory_space<vmem_shared>>
        tpu.wait_dma2 semaphore(%run_scoped3A_288 : memref<!tpu.dma_semaphore, #tpu.memory_space<semaphore_mem>>) src(%dma_wait3A_290 : memref<1280xf32, #tpu.memory_space<vmem_shared>>) dst(%dma_wait3A : memref<1280xf32, #tpu.memory_space<hbm>>)
        tpu.yield
      }) : () -> ()
    } else {
    }
    %barrier3A_143 = arith.constant 0 : index
    tpu.barrier barrier_id(%barrier3A_143)
    %mul3A_144 = arith.constant 2 : i32
    %mul3A_145 = arith.muli %arg0, %mul3A_144 : i32
    %add3A_146 = arith.constant 1 : i32
    %add3A_147 = arith.addi %mul3A_145, %add3A_146 : i32
    %mul3A_148 = arith.constant 2500 : i32
    %mul3A_149 = arith.muli %add3A_147, %mul3A_148 : i32
    %mul3A_150 = arith.constant 157 : i32
    %mul3A_151 = arith.muli %arg1, %mul3A_150 : i32
    %sub3A_152 = arith.constant 128 : i32
    %sub3A_153 = arith.constant 0 : i32
    %sub3A_154 = arith.subi %sub3A_152, %sub3A_153 : i32
    %sub3A_155 = arith.constant 1 : i32
    %sub3A_156 = arith.constant 1 : i32
    %sub3A_157 = arith.subi %sub3A_155, %sub3A_156 : i32
    %add3A_158 = arith.addi %sub3A_154, %sub3A_157 : i32
    %div3A_159 = arith.constant 1 : i32
    %div3A_160 = arith.divsi %add3A_158, %div3A_159 : i32
    %while3A_161 = arith.constant 1 : i32
    %while3A_162 = arith.constant 0 : i32
    %while3A_163 = arith.constant 0 : i32
    %while3A_164 = arith.subi %div3A_160, %while3A_163 : i32
    %while3A_165 = arith.addi %while3A_163, %while3A_164 : i32
    %while3A_166 = arith.constant 1 : i32
    %while3A_167 = arith.divsi %while3A_164, %while3A_166 : i32
    %while3A_168 = arith.muli %while3A_167, %while3A_166 : i32
    %while3A_169 = arith.addi %while3A_163, %while3A_168 : i32
    %while3A_170 = arith.constant 1 : i32
    scf.for %while3A_256 = %while3A_163 to %while3A_169 step %while3A_170  : i32 {
      %mul3A_257 = arith.muli %while3A_256, %while3A_161 : i32
      %add3A_258 = arith.addi %while3A_162, %mul3A_257 : i32
      %swap3A = arith.index_cast %add3A_258 : i32 to index
      %swap3A_259 = arith.constant 0 : index
      %swap3A_260 = tpu.vector_load %arg12[%swap3A, %swap3A_259] {strides = array<i32>} : memref<128x128xf32, #tpu.memory_space<vmem>>, vector<1x16xf32>,
      %swap3A_261 = vector.shape_cast %swap3A_260 : vector<1x16xf32> to vector<16xf32>
      %swap3A_262 = vector.shape_cast %broadcast_in_dim3A_0 : vector<16xf32> to vector<1x16xf32>
      tpu.vector_store %arg12[%swap3A, %swap3A_259], %swap3A_262 {strides = array<i32>} : memref<128x128xf32, #tpu.memory_space<vmem>>, vector<1x16xf32>,
      %swap3A_263 = arith.index_cast %add3A_258 : i32 to index
      %swap3A_264 = arith.constant 16 : index
      %swap3A_265 = tpu.vector_load %arg12[%swap3A_263, %swap3A_264] {strides = array<i32>} : memref<128x128xf32, #tpu.memory_space<vmem>>, vector<1x16xf32>,
      %swap3A_266 = vector.shape_cast %swap3A_265 : vector<1x16xf32> to vector<16xf32>
      %swap3A_267 = vector.shape_cast %broadcast_in_dim3A_0 : vector<16xf32> to vector<1x16xf32>
      tpu.vector_store %arg12[%swap3A_263, %swap3A_264], %swap3A_267 {strides = array<i32>} : memref<128x128xf32, #tpu.memory_space<vmem>>, vector<1x16xf32>,
      %swap3A_268 = arith.index_cast %add3A_258 : i32 to index
      %swap3A_269 = arith.constant 32 : index
      %swap3A_270 = tpu.vector_load %arg12[%swap3A_268, %swap3A_269] {strides = array<i32>} : memref<128x128xf32, #tpu.memory_space<vmem>>, vector<1x16xf32>,
      %swap3A_271 = vector.shape_cast %swap3A_270 : vector<1x16xf32> to vector<16xf32>
      %swap3A_272 = vector.shape_cast %broadcast_in_dim3A_0 : vector<16xf32> to vector<1x16xf32>
      tpu.vector_store %arg12[%swap3A_268, %swap3A_269], %swap3A_272 {strides = array<i32>} : memref<128x128xf32, #tpu.memory_space<vmem>>, vector<1x16xf32>,
      %swap3A_273 = arith.index_cast %add3A_258 : i32 to index
      %swap3A_274 = arith.constant 48 : index
      %swap3A_275 = tpu.vector_load %arg12[%swap3A_273, %swap3A_274] {strides = array<i32>} : memref<128x128xf32, #tpu.memory_space<vmem>>, vector<1x16xf32>,
      %swap3A_276 = vector.shape_cast %swap3A_275 : vector<1x16xf32> to vector<16xf32>
      %swap3A_277 = vector.shape_cast %broadcast_in_dim3A_0 : vector<16xf32> to vector<1x16xf32>
      tpu.vector_store %arg12[%swap3A_273, %swap3A_274], %swap3A_277 {strides = array<i32>} : memref<128x128xf32, #tpu.memory_space<vmem>>, vector<1x16xf32>,
      %swap3A_278 = arith.index_cast %add3A_258 : i32 to index
      %swap3A_279 = arith.constant 64 : index
      %swap3A_280 = tpu.vector_load %arg12[%swap3A_278, %swap3A_279] {strides = array<i32>} : memref<128x128xf32, #tpu.memory_space<vmem>>, vector<1x16xf32>,
      %swap3A_281 = vector.shape_cast %swap3A_280 : vector<1x16xf32> to vector<16xf32>
      %swap3A_282 = vector.shape_cast %broadcast_in_dim3A_0 : vector<16xf32> to vector<1x16xf32>
      tpu.vector_store %arg12[%swap3A_278, %swap3A_279], %swap3A_282 {strides = array<i32>} : memref<128x128xf32, #tpu.memory_space<vmem>>, vector<1x16xf32>,
      %swap3A_283 = arith.index_cast %add3A_258 : i32 to index
      %swap3A_284 = arith.constant 80 : index
      %swap3A_285 = tpu.vector_load %arg12[%swap3A_283, %swap3A_284] {strides = array<i32>} : memref<128x128xf32, #tpu.memory_space<vmem>>, vector<1x16xf32>,
      %swap3A_286 = vector.shape_cast %swap3A_285 : vector<1x16xf32> to vector<16xf32>
      %swap3A_287 = vector.shape_cast %broadcast_in_dim3A_0 : vector<16xf32> to vector<1x16xf32>
      tpu.vector_store %arg12[%swap3A_283, %swap3A_284], %swap3A_287 {strides = array<i32>} : memref<128x128xf32, #tpu.memory_space<vmem>>, vector<1x16xf32>,
      %swap3A_288 = arith.index_cast %add3A_258 : i32 to index
      %swap3A_289 = arith.constant 96 : index
      %swap3A_290 = tpu.vector_load %arg12[%swap3A_288, %swap3A_289] {strides = array<i32>} : memref<128x128xf32, #tpu.memory_space<vmem>>, vector<1x16xf32>,
      %swap3A_291 = vector.shape_cast %swap3A_290 : vector<1x16xf32> to vector<16xf32>
      %swap3A_292 = vector.shape_cast %broadcast_in_dim3A_0 : vector<16xf32> to vector<1x16xf32>
      tpu.vector_store %arg12[%swap3A_288, %swap3A_289], %swap3A_292 {strides = array<i32>} : memref<128x128xf32, #tpu.memory_space<vmem>>, vector<1x16xf32>,
      %swap3A_293 = arith.index_cast %add3A_258 : i32 to index
      %swap3A_294 = arith.constant 112 : index
      %swap3A_295 = tpu.vector_load %arg12[%swap3A_293, %swap3A_294] {strides = array<i32>} : memref<128x128xf32, #tpu.memory_space<vmem>>, vector<1x16xf32>,
      %swap3A_296 = vector.shape_cast %swap3A_295 : vector<1x16xf32> to vector<16xf32>
      %swap3A_297 = vector.shape_cast %broadcast_in_dim3A_0 : vector<16xf32> to vector<1x16xf32>
      tpu.vector_store %arg12[%swap3A_293, %swap3A_294], %swap3A_297 {strides = array<i32>} : memref<128x128xf32, #tpu.memory_space<vmem>>, vector<1x16xf32>,
    }
    %while3A_171 = arith.constant 1 : i32
    scf.for %while3A_256 = %while3A_169 to %while3A_165 step %while3A_171  : i32 {
      %mul3A_257 = arith.muli %while3A_256, %while3A_161 : i32
      %add3A_258 = arith.addi %while3A_162, %mul3A_257 : i32
      %swap3A = arith.index_cast %add3A_258 : i32 to index
      %swap3A_259 = arith.constant 0 : index
      %swap3A_260 = tpu.vector_load %arg12[%swap3A, %swap3A_259] {strides = array<i32>} : memref<128x128xf32, #tpu.memory_space<vmem>>, vector<1x16xf32>,
      %swap3A_261 = vector.shape_cast %swap3A_260 : vector<1x16xf32> to vector<16xf32>
      %swap3A_262 = vector.shape_cast %broadcast_in_dim3A_0 : vector<16xf32> to vector<1x16xf32>
      tpu.vector_store %arg12[%swap3A, %swap3A_259], %swap3A_262 {strides = array<i32>} : memref<128x128xf32, #tpu.memory_space<vmem>>, vector<1x16xf32>,
      %swap3A_263 = arith.index_cast %add3A_258 : i32 to index
      %swap3A_264 = arith.constant 16 : index
      %swap3A_265 = tpu.vector_load %arg12[%swap3A_263, %swap3A_264] {strides = array<i32>} : memref<128x128xf32, #tpu.memory_space<vmem>>, vector<1x16xf32>,
      %swap3A_266 = vector.shape_cast %swap3A_265 : vector<1x16xf32> to vector<16xf32>
      %swap3A_267 = vector.shape_cast %broadcast_in_dim3A_0 : vector<16xf32> to vector<1x16xf32>
      tpu.vector_store %arg12[%swap3A_263, %swap3A_264], %swap3A_267 {strides = array<i32>} : memref<128x128xf32, #tpu.memory_space<vmem>>, vector<1x16xf32>,
      %swap3A_268 = arith.index_cast %add3A_258 : i32 to index
      %swap3A_269 = arith.constant 32 : index
      %swap3A_270 = tpu.vector_load %arg12[%swap3A_268, %swap3A_269] {strides = array<i32>} : memref<128x128xf32, #tpu.memory_space<vmem>>, vector<1x16xf32>,
      %swap3A_271 = vector.shape_cast %swap3A_270 : vector<1x16xf32> to vector<16xf32>
      %swap3A_272 = vector.shape_cast %broadcast_in_dim3A_0 : vector<16xf32> to vector<1x16xf32>
      tpu.vector_store %arg12[%swap3A_268, %swap3A_269], %swap3A_272 {strides = array<i32>} : memref<128x128xf32, #tpu.memory_space<vmem>>, vector<1x16xf32>,
      %swap3A_273 = arith.index_cast %add3A_258 : i32 to index
      %swap3A_274 = arith.constant 48 : index
      %swap3A_275 = tpu.vector_load %arg12[%swap3A_273, %swap3A_274] {strides = array<i32>} : memref<128x128xf32, #tpu.memory_space<vmem>>, vector<1x16xf32>,
      %swap3A_276 = vector.shape_cast %swap3A_275 : vector<1x16xf32> to vector<16xf32>
      %swap3A_277 = vector.shape_cast %broadcast_in_dim3A_0 : vector<16xf32> to vector<1x16xf32>
      tpu.vector_store %arg12[%swap3A_273, %swap3A_274], %swap3A_277 {strides = array<i32>} : memref<128x128xf32, #tpu.memory_space<vmem>>, vector<1x16xf32>,
      %swap3A_278 = arith.index_cast %add3A_258 : i32 to index
      %swap3A_279 = arith.constant 64 : index
      %swap3A_280 = tpu.vector_load %arg12[%swap3A_278, %swap3A_279] {strides = array<i32>} : memref<128x128xf32, #tpu.memory_space<vmem>>, vector<1x16xf32>,
      %swap3A_281 = vector.shape_cast %swap3A_280 : vector<1x16xf32> to vector<16xf32>
      %swap3A_282 = vector.shape_cast %broadcast_in_dim3A_0 : vector<16xf32> to vector<1x16xf32>
      tpu.vector_store %arg12[%swap3A_278, %swap3A_279], %swap3A_282 {strides = array<i32>} : memref<128x128xf32, #tpu.memory_space<vmem>>, vector<1x16xf32>,
      %swap3A_283 = arith.index_cast %add3A_258 : i32 to index
      %swap3A_284 = arith.constant 80 : index
      %swap3A_285 = tpu.vector_load %arg12[%swap3A_283, %swap3A_284] {strides = array<i32>} : memref<128x128xf32, #tpu.memory_space<vmem>>, vector<1x16xf32>,
      %swap3A_286 = vector.shape_cast %swap3A_285 : vector<1x16xf32> to vector<16xf32>
      %swap3A_287 = vector.shape_cast %broadcast_in_dim3A_0 : vector<16xf32> to vector<1x16xf32>
      tpu.vector_store %arg12[%swap3A_283, %swap3A_284], %swap3A_287 {strides = array<i32>} : memref<128x128xf32, #tpu.memory_space<vmem>>, vector<1x16xf32>,
      %swap3A_288 = arith.index_cast %add3A_258 : i32 to index
      %swap3A_289 = arith.constant 96 : index
      %swap3A_290 = tpu.vector_load %arg12[%swap3A_288, %swap3A_289] {strides = array<i32>} : memref<128x128xf32, #tpu.memory_space<vmem>>, vector<1x16xf32>,
      %swap3A_291 = vector.shape_cast %swap3A_290 : vector<1x16xf32> to vector<16xf32>
      %swap3A_292 = vector.shape_cast %broadcast_in_dim3A_0 : vector<16xf32> to vector<1x16xf32>
      tpu.vector_store %arg12[%swap3A_288, %swap3A_289], %swap3A_292 {strides = array<i32>} : memref<128x128xf32, #tpu.memory_space<vmem>>, vector<1x16xf32>,
      %swap3A_293 = arith.index_cast %add3A_258 : i32 to index
      %swap3A_294 = arith.constant 112 : index
      %swap3A_295 = tpu.vector_load %arg12[%swap3A_293, %swap3A_294] {strides = array<i32>} : memref<128x128xf32, #tpu.memory_space<vmem>>, vector<1x16xf32>,
      %swap3A_296 = vector.shape_cast %swap3A_295 : vector<1x16xf32> to vector<16xf32>
      %swap3A_297 = vector.shape_cast %broadcast_in_dim3A_0 : vector<16xf32> to vector<1x16xf32>
      tpu.vector_store %arg12[%swap3A_293, %swap3A_294], %swap3A_297 {strides = array<i32>} : memref<128x128xf32, #tpu.memory_space<vmem>>, vector<1x16xf32>,
    }
    %mul3A_172 = arith.constant 480 : i32
    %mul3A_173 = arith.muli %arg1, %mul3A_172 : i32
    %mul3A_174 = arith.constant 0 : i32
    %mul3A_175 = arith.constant 128 : i32
    %mul3A_176 = arith.muli %mul3A_174, %mul3A_175 : i32
    %add3A_177 = arith.addi %mul3A_173, %mul3A_176 : i32
    "tpu.region"() ({
      %run_scoped3A_256 = tpu.sem_alloc : memref<!tpu.dma_semaphore, #tpu.memory_space<semaphore_mem>>
      %dma_start3A = arith.constant 0 : i32
      %dma_start3A_257 = tpu.memref_slice %arg6[%add3A_177, %dma_start3A] : memref<7680x128xf32, #tpu.memory_space<vmem_shared>> -> memref<128x128xf32, #tpu.memory_space<vmem_shared>>
      %dma_start3A_258 = arith.constant 0 : i32
      %dma_start3A_259 = tpu.memref_slice %arg6[%add3A_177, %dma_start3A_258] : memref<7680x128xf32, #tpu.memory_space<vmem_shared>> -> memref<128x128xf32, #tpu.memory_space<vmem_shared>>
      tpu.enqueue_dma source(%arg12 : memref<128x128xf32, #tpu.memory_space<vmem>>) target(%dma_start3A_259 : memref<128x128xf32, #tpu.memory_space<vmem_shared>>) target_semaphore(%run_scoped3A_256 : memref<!tpu.dma_semaphore, #tpu.memory_space<semaphore_mem>>)
      %dma_wait3A = arith.constant 0 : i32
      %dma_wait3A_260 = tpu.memref_slice %arg6[%add3A_177, %dma_wait3A] : memref<7680x128xf32, #tpu.memory_space<vmem_shared>> -> memref<128x128xf32, #tpu.memory_space<vmem_shared>>
      %dma_wait3A_261 = arith.constant 0 : i32
      %dma_wait3A_262 = tpu.memref_slice %arg6[%add3A_177, %dma_wait3A_261] : memref<7680x128xf32, #tpu.memory_space<vmem_shared>> -> memref<128x128xf32, #tpu.memory_space<vmem_shared>>
      tpu.wait_dma2 semaphore(%run_scoped3A_256 : memref<!tpu.dma_semaphore, #tpu.memory_space<semaphore_mem>>) src(%arg12 : memref<128x128xf32, #tpu.memory_space<vmem>>) dst(%dma_wait3A_262 : memref<128x128xf32, #tpu.memory_space<vmem_shared>>)
      tpu.yield
    }) : () -> ()
    %mul3A_178 = arith.constant 480 : i32
    %mul3A_179 = arith.muli %arg1, %mul3A_178 : i32
    %mul3A_180 = arith.constant 1 : i32
    %mul3A_181 = arith.constant 128 : i32
    %mul3A_182 = arith.muli %mul3A_180, %mul3A_181 : i32
    %add3A_183 = arith.addi %mul3A_179, %mul3A_182 : i32
    "tpu.region"() ({
      %run_scoped3A_256 = tpu.sem_alloc : memref<!tpu.dma_semaphore, #tpu.memory_space<semaphore_mem>>
      %dma_start3A = arith.constant 0 : i32
      %dma_start3A_257 = tpu.memref_slice %arg6[%add3A_183, %dma_start3A] : memref<7680x128xf32, #tpu.memory_space<vmem_shared>> -> memref<128x128xf32, #tpu.memory_space<vmem_shared>>
      %dma_start3A_258 = arith.constant 0 : i32
      %dma_start3A_259 = tpu.memref_slice %arg6[%add3A_183, %dma_start3A_258] : memref<7680x128xf32, #tpu.memory_space<vmem_shared>> -> memref<128x128xf32, #tpu.memory_space<vmem_shared>>
      tpu.enqueue_dma source(%arg12 : memref<128x128xf32, #tpu.memory_space<vmem>>) target(%dma_start3A_259 : memref<128x128xf32, #tpu.memory_space<vmem_shared>>) target_semaphore(%run_scoped3A_256 : memref<!tpu.dma_semaphore, #tpu.memory_space<semaphore_mem>>)
      %dma_wait3A = arith.constant 0 : i32
      %dma_wait3A_260 = tpu.memref_slice %arg6[%add3A_183, %dma_wait3A] : memref<7680x128xf32, #tpu.memory_space<vmem_shared>> -> memref<128x128xf32, #tpu.memory_space<vmem_shared>>
      %dma_wait3A_261 = arith.constant 0 : i32
      %dma_wait3A_262 = tpu.memref_slice %arg6[%add3A_183, %dma_wait3A_261] : memref<7680x128xf32, #tpu.memory_space<vmem_shared>> -> memref<128x128xf32, #tpu.memory_space<vmem_shared>>
      tpu.wait_dma2 semaphore(%run_scoped3A_256 : memref<!tpu.dma_semaphore, #tpu.memory_space<semaphore_mem>>) src(%arg12 : memref<128x128xf32, #tpu.memory_space<vmem>>) dst(%dma_wait3A_262 : memref<128x128xf32, #tpu.memory_space<vmem_shared>>)
      tpu.yield
    }) : () -> ()
    %mul3A_184 = arith.constant 480 : i32
    %mul3A_185 = arith.muli %arg1, %mul3A_184 : i32
    %mul3A_186 = arith.constant 2 : i32
    %mul3A_187 = arith.constant 128 : i32
    %mul3A_188 = arith.muli %mul3A_186, %mul3A_187 : i32
    %add3A_189 = arith.addi %mul3A_185, %mul3A_188 : i32
    "tpu.region"() ({
      %run_scoped3A_256 = tpu.sem_alloc : memref<!tpu.dma_semaphore, #tpu.memory_space<semaphore_mem>>
      %dma_start3A = arith.constant 0 : i32
      %dma_start3A_257 = tpu.memref_slice %arg6[%add3A_189, %dma_start3A] : memref<7680x128xf32, #tpu.memory_space<vmem_shared>> -> memref<128x128xf32, #tpu.memory_space<vmem_shared>>
      %dma_start3A_258 = arith.constant 0 : i32
      %dma_start3A_259 = tpu.memref_slice %arg6[%add3A_189, %dma_start3A_258] : memref<7680x128xf32, #tpu.memory_space<vmem_shared>> -> memref<128x128xf32, #tpu.memory_space<vmem_shared>>
      tpu.enqueue_dma source(%arg12 : memref<128x128xf32, #tpu.memory_space<vmem>>) target(%dma_start3A_259 : memref<128x128xf32, #tpu.memory_space<vmem_shared>>) target_semaphore(%run_scoped3A_256 : memref<!tpu.dma_semaphore, #tpu.memory_space<semaphore_mem>>)
      %dma_wait3A = arith.constant 0 : i32
      %dma_wait3A_260 = tpu.memref_slice %arg6[%add3A_189, %dma_wait3A] : memref<7680x128xf32, #tpu.memory_space<vmem_shared>> -> memref<128x128xf32, #tpu.memory_space<vmem_shared>>
      %dma_wait3A_261 = arith.constant 0 : i32
      %dma_wait3A_262 = tpu.memref_slice %arg6[%add3A_189, %dma_wait3A_261] : memref<7680x128xf32, #tpu.memory_space<vmem_shared>> -> memref<128x128xf32, #tpu.memory_space<vmem_shared>>
      tpu.wait_dma2 semaphore(%run_scoped3A_256 : memref<!tpu.dma_semaphore, #tpu.memory_space<semaphore_mem>>) src(%arg12 : memref<128x128xf32, #tpu.memory_space<vmem>>) dst(%dma_wait3A_262 : memref<128x128xf32, #tpu.memory_space<vmem_shared>>)
      tpu.yield
    }) : () -> ()
    %mul3A_190 = arith.constant 480 : i32
    %mul3A_191 = arith.muli %arg1, %mul3A_190 : i32
    %add3A_192 = arith.constant 384 : i32
    %add3A_193 = arith.addi %mul3A_191, %add3A_192 : i32
    "tpu.region"() ({
      %run_scoped3A_256 = tpu.sem_alloc : memref<!tpu.dma_semaphore, #tpu.memory_space<semaphore_mem>>
      %dma_start3A = arith.constant 0 : i32
      %dma_start3A_257 = arith.constant 0 : i32
      %dma_start3A_258 = tpu.memref_slice %arg12[%dma_start3A, %dma_start3A_257] : memref<128x128xf32, #tpu.memory_space<vmem>> -> memref<96x128xf32, #tpu.memory_space<vmem>>
      %dma_start3A_259 = arith.constant 0 : i32
      %dma_start3A_260 = tpu.memref_slice %arg6[%add3A_193, %dma_start3A_259] : memref<7680x128xf32, #tpu.memory_space<vmem_shared>> -> memref<96x128xf32, #tpu.memory_space<vmem_shared>>
      %dma_start3A_261 = arith.constant 0 : i32
      %dma_start3A_262 = tpu.memref_slice %arg6[%add3A_193, %dma_start3A_261] : memref<7680x128xf32, #tpu.memory_space<vmem_shared>> -> memref<96x128xf32, #tpu.memory_space<vmem_shared>>
      %dma_start3A_263 = arith.constant 0 : i32
      %dma_start3A_264 = arith.constant 0 : i32
      %dma_start3A_265 = tpu.memref_slice %arg12[%dma_start3A_263, %dma_start3A_264] : memref<128x128xf32, #tpu.memory_space<vmem>> -> memref<96x128xf32, #tpu.memory_space<vmem>>
      tpu.enqueue_dma source(%dma_start3A_265 : memref<96x128xf32, #tpu.memory_space<vmem>>) target(%dma_start3A_262 : memref<96x128xf32, #tpu.memory_space<vmem_shared>>) target_semaphore(%run_scoped3A_256 : memref<!tpu.dma_semaphore, #tpu.memory_space<semaphore_mem>>)
      %dma_wait3A = arith.constant 0 : i32
      %dma_wait3A_266 = arith.constant 0 : i32
      %dma_wait3A_267 = tpu.memref_slice %arg12[%dma_wait3A, %dma_wait3A_266] : memref<128x128xf32, #tpu.memory_space<vmem>> -> memref<96x128xf32, #tpu.memory_space<vmem>>
      %dma_wait3A_268 = arith.constant 0 : i32
      %dma_wait3A_269 = tpu.memref_slice %arg6[%add3A_193, %dma_wait3A_268] : memref<7680x128xf32, #tpu.memory_space<vmem_shared>> -> memref<96x128xf32, #tpu.memory_space<vmem_shared>>
      %dma_wait3A_270 = arith.constant 0 : i32
      %dma_wait3A_271 = tpu.memref_slice %arg6[%add3A_193, %dma_wait3A_270] : memref<7680x128xf32, #tpu.memory_space<vmem_shared>> -> memref<96x128xf32, #tpu.memory_space<vmem_shared>>
      %dma_wait3A_272 = arith.constant 0 : i32
      %dma_wait3A_273 = arith.constant 0 : i32
      %dma_wait3A_274 = tpu.memref_slice %arg12[%dma_wait3A_272, %dma_wait3A_273] : memref<128x128xf32, #tpu.memory_space<vmem>> -> memref<96x128xf32, #tpu.memory_space<vmem>>
      tpu.wait_dma2 semaphore(%run_scoped3A_256 : memref<!tpu.dma_semaphore, #tpu.memory_space<semaphore_mem>>) src(%dma_wait3A_274 : memref<96x128xf32, #tpu.memory_space<vmem>>) dst(%dma_wait3A_271 : memref<96x128xf32, #tpu.memory_space<vmem_shared>>)
      tpu.yield
    }) : () -> ()
    %lt3A_194 = arith.constant 6 : i32
    %lt3A_195 = arith.cmpi slt, %arg1, %lt3A_194 : i32
    %convert_element_type3A_196 = arith.extui %lt3A_195 : i1 to i32
    %cond3A_197 = arith.constant 0 : i32
    %cond3A_198 = arith.cmpi ne, %convert_element_type3A_196, %cond3A_197 : i32
    scf.if %cond3A_198 {
      %mul3A_256 = arith.constant 1280 : i32
      %mul3A_257 = arith.muli %arg1, %mul3A_256 : i32
      %multiple_of3A = tpu.assume_multiple %mul3A_257, 128 : i32
      "tpu.region"() ({
        %run_scoped3A_258 = tpu.sem_alloc : memref<!tpu.dma_semaphore, #tpu.memory_space<semaphore_mem>>
        %dma_start3A = tpu.memref_slice %arg7[%multiple_of3A] : memref<7680xf32, #tpu.memory_space<vmem_shared>> -> memref<1280xf32, #tpu.memory_space<vmem_shared>>
        %dma_start3A_259 = tpu.memref_slice %arg7[%multiple_of3A] : memref<7680xf32, #tpu.memory_space<vmem_shared>> -> memref<1280xf32, #tpu.memory_space<vmem_shared>>
        tpu.enqueue_dma source(%arg8 : memref<1280xf32, #tpu.memory_space<vmem>>) target(%dma_start3A_259 : memref<1280xf32, #tpu.memory_space<vmem_shared>>) target_semaphore(%run_scoped3A_258 : memref<!tpu.dma_semaphore, #tpu.memory_space<semaphore_mem>>)
        %dma_wait3A = tpu.memref_slice %arg7[%multiple_of3A] : memref<7680xf32, #tpu.memory_space<vmem_shared>> -> memref<1280xf32, #tpu.memory_space<vmem_shared>>
        %dma_wait3A_260 = tpu.memref_slice %arg7[%multiple_of3A] : memref<7680xf32, #tpu.memory_space<vmem_shared>> -> memref<1280xf32, #tpu.memory_space<vmem_shared>>
        tpu.wait_dma2 semaphore(%run_scoped3A_258 : memref<!tpu.dma_semaphore, #tpu.memory_space<semaphore_mem>>) src(%arg8 : memref<1280xf32, #tpu.memory_space<vmem>>) dst(%dma_wait3A_260 : memref<1280xf32, #tpu.memory_space<vmem_shared>>)
        tpu.yield
      }) : () -> ()
    } else {
    }
    %barrier3A_199 = arith.constant 0 : index
    tpu.barrier barrier_id(%barrier3A_199)
    %sub3A_200 = arith.constant 157 : i32
    %sub3A_201 = arith.constant 0 : i32
    %sub3A_202 = arith.subi %sub3A_200, %sub3A_201 : i32
    %sub3A_203 = arith.constant 1 : i32
    %sub3A_204 = arith.constant 1 : i32
    %sub3A_205 = arith.subi %sub3A_203, %sub3A_204 : i32
    %add3A_206 = arith.addi %sub3A_202, %sub3A_205 : i32
    %div3A_207 = arith.constant 1 : i32
    %div3A_208 = arith.divsi %add3A_206, %div3A_207 : i32
    %while3A_209 = arith.constant 1 : i32
    %while3A_210 = arith.constant 0 : i32
    %while3A_211 = arith.constant 0 : i32
    %while3A_212 = arith.subi %div3A_208, %while3A_211 : i32
    %while3A_213 = arith.addi %while3A_211, %while3A_212 : i32
    %while3A_214 = arith.constant 1 : i32
    %while3A_215 = arith.divsi %while3A_212, %while3A_214 : i32
    %while3A_216 = arith.muli %while3A_215, %while3A_214 : i32
    %while3A_217 = arith.addi %while3A_211, %while3A_216 : i32
    %while3A_218 = arith.constant 1 : i32
    scf.for %while3A_256 = %while3A_211 to %while3A_217 step %while3A_218  : i32 {
      %mul3A_257 = arith.muli %while3A_256, %while3A_209 : i32
      %add3A_258 = arith.addi %while3A_210, %mul3A_257 : i32
      %add3A_259 = arith.addi %mul3A_151, %add3A_258 : i32
      "tpu.region"() ({
        %run_scoped3A_528 = tpu.sem_alloc : memref<!tpu.dma_semaphore, #tpu.memory_space<semaphore_mem>>
        %dma_start3A = arith.constant 0 : i32
        %dma_start3A_529 = tpu.memref_slice %arg3[%add3A_259, %dma_start3A] : memref<2512x384xi32, #tpu.memory_space<hbm>> -> memref<1x384xi32, #tpu.memory_space<hbm>>
        %dma_start3A_530 = tpu.memref_squeeze %dma_start3A_529 : memref<1x384xi32, #tpu.memory_space<hbm>> -> memref<384xi32, #tpu.memory_space<hbm>>
        %dma_start3A_531 = arith.constant 0 : i32
        %dma_start3A_532 = tpu.memref_slice %arg3[%add3A_259, %dma_start3A_531] : memref<2512x384xi32, #tpu.memory_space<hbm>> -> memref<1x384xi32, #tpu.memory_space<hbm>>
        %dma_start3A_533 = tpu.memref_squeeze %dma_start3A_532 : memref<1x384xi32, #tpu.memory_space<hbm>> -> memref<384xi32, #tpu.memory_space<hbm>>
        tpu.enqueue_dma source(%dma_start3A_533 : memref<384xi32, #tpu.memory_space<hbm>>) target(%arg10 : memref<384xi32, #tpu.memory_space<vmem>>) target_semaphore(%run_scoped3A_528 : memref<!tpu.dma_semaphore, #tpu.memory_space<semaphore_mem>>)
        %dma_wait3A = arith.constant 0 : i32
        %dma_wait3A_534 = tpu.memref_slice %arg3[%add3A_259, %dma_wait3A] : memref<2512x384xi32, #tpu.memory_space<hbm>> -> memref<1x384xi32, #tpu.memory_space<hbm>>
        %dma_wait3A_535 = tpu.memref_squeeze %dma_wait3A_534 : memref<1x384xi32, #tpu.memory_space<hbm>> -> memref<384xi32, #tpu.memory_space<hbm>>
        %dma_wait3A_536 = arith.constant 0 : i32
        %dma_wait3A_537 = tpu.memref_slice %arg3[%add3A_259, %dma_wait3A_536] : memref<2512x384xi32, #tpu.memory_space<hbm>> -> memref<1x384xi32, #tpu.memory_space<hbm>>
        %dma_wait3A_538 = tpu.memref_squeeze %dma_wait3A_537 : memref<1x384xi32, #tpu.memory_space<hbm>> -> memref<384xi32, #tpu.memory_space<hbm>>
        tpu.wait_dma2 semaphore(%run_scoped3A_528 : memref<!tpu.dma_semaphore, #tpu.memory_space<semaphore_mem>>) src(%dma_wait3A_538 : memref<384xi32, #tpu.memory_space<hbm>>) dst(%arg10 : memref<384xi32, #tpu.memory_space<vmem>>)
        tpu.yield
      }) : () -> ()
      %add3A_260 = arith.constant 128 : i32
      %add3A_261 = arith.constant 0 : i32
      %add3A_262 = arith.addi %add3A_260, %add3A_261 : i32
      %get3A = arith.index_cast %add3A_262 : i32 to index
      %get3A_263 = tpu.vector_load %arg10[%get3A] {strides = array<i32>} : memref<384xi32, #tpu.memory_space<vmem>>, vector<16xi32>,
      %get3A_264 = vector.shape_cast %get3A_263 : vector<16xi32> to vector<16xi32>
      %add3A_265 = arith.constant 256 : i32
      %add3A_266 = arith.constant 0 : i32
      %add3A_267 = arith.addi %add3A_265, %add3A_266 : i32
      %get3A_268 = arith.index_cast %add3A_267 : i32 to index
      %get3A_269 = tpu.vector_load %arg10[%get3A_268] {strides = array<i32>} : memref<384xi32, #tpu.memory_space<vmem>>, vector<16xi32>,
      %get3A_270 = vector.shape_cast %get3A_269 : vector<16xi32> to vector<16xi32>
      %ge3A = vector.broadcast %mul3A_149 : i32 to vector<16xi32>
      %ge3A_271 = arith.cmpi sge, %get3A_264, %ge3A : vector<16xi32>
      %add3A_272 = arith.constant 2500 : i32
      %add3A_273 = arith.addi %mul3A_149, %add3A_272 : i32
      %lt3A_274 = vector.broadcast %add3A_273 : i32 to vector<16xi32>
      %lt3A_275 = arith.cmpi slt, %get3A_264, %lt3A_274 : vector<16xi32>
      %and3A = arith.andi %ge3A_271, %lt3A_275 : vector<16xi1>
      %mul3A_276 = arith.constant 2560 : i32
      %mul3A_277 = vector.broadcast %mul3A_276 : i32 to vector<16xi32>
      %mul3A_278 = arith.muli %get3A_270, %mul3A_277 : vector<16xi32>
      %sub3A_279 = vector.broadcast %mul3A_149 : i32 to vector<16xi32>
      %sub3A_280 = arith.subi %get3A_264, %sub3A_279 : vector<16xi32>
      %add3A_281 = arith.addi %mul3A_278, %sub3A_280 : vector<16xi32>
      %jit3A = arith.constant 2500 : i32
      %broadcast_in_dim3A_282 = vector.broadcast %jit3A : i32 to vector<16xi32>
      %select_n3A = arith.select %and3A, %add3A_281, %broadcast_in_dim3A_282 : vector<16xi1>, vector<16xi32>
      %swap3A = arith.constant 0 : i64
      %swap3A_283 = arith.index_cast %swap3A : i64 to index
      %swap3A_284 = arith.constant 0 : index
      %swap3A_285 = tpu.vector_load %arg11[%swap3A_283, %swap3A_284] {strides = array<i32>} : memref<1x128xi32, #tpu.memory_space<vmem>>, vector<1x16xi32>,
      %swap3A_286 = vector.shape_cast %swap3A_285 : vector<1x16xi32> to vector<16xi32>
      %swap3A_287 = vector.shape_cast %select_n3A : vector<16xi32> to vector<1x16xi32>
      tpu.vector_store %arg11[%swap3A_283, %swap3A_284], %swap3A_287 {strides = array<i32>} : memref<1x128xi32, #tpu.memory_space<vmem>>, vector<1x16xi32>,
      %add3A_288 = arith.constant 128 : i32
      %add3A_289 = arith.constant 16 : i32
      %add3A_290 = arith.addi %add3A_288, %add3A_289 : i32
      %get3A_291 = arith.index_cast %add3A_290 : i32 to index
      %get3A_292 = tpu.vector_load %arg10[%get3A_291] {strides = array<i32>} : memref<384xi32, #tpu.memory_space<vmem>>, vector<16xi32>,
      %get3A_293 = vector.shape_cast %get3A_292 : vector<16xi32> to vector<16xi32>
      %add3A_294 = arith.constant 256 : i32
      %add3A_295 = arith.constant 16 : i32
      %add3A_296 = arith.addi %add3A_294, %add3A_295 : i32
      %get3A_297 = arith.index_cast %add3A_296 : i32 to index
      %get3A_298 = tpu.vector_load %arg10[%get3A_297] {strides = array<i32>} : memref<384xi32, #tpu.memory_space<vmem>>, vector<16xi32>,
      %get3A_299 = vector.shape_cast %get3A_298 : vector<16xi32> to vector<16xi32>
      %ge3A_300 = vector.broadcast %mul3A_149 : i32 to vector<16xi32>
      %ge3A_301 = arith.cmpi sge, %get3A_293, %ge3A_300 : vector<16xi32>
      %add3A_302 = arith.constant 2500 : i32
      %add3A_303 = arith.addi %mul3A_149, %add3A_302 : i32
      %lt3A_304 = vector.broadcast %add3A_303 : i32 to vector<16xi32>
      %lt3A_305 = arith.cmpi slt, %get3A_293, %lt3A_304 : vector<16xi32>
      %and3A_306 = arith.andi %ge3A_301, %lt3A_305 : vector<16xi1>
      %mul3A_307 = arith.constant 2560 : i32
      %mul3A_308 = vector.broadcast %mul3A_307 : i32 to vector<16xi32>
      %mul3A_309 = arith.muli %get3A_299, %mul3A_308 : vector<16xi32>
      %sub3A_310 = vector.broadcast %mul3A_149 : i32 to vector<16xi32>
      %sub3A_311 = arith.subi %get3A_293, %sub3A_310 : vector<16xi32>
      %add3A_312 = arith.addi %mul3A_309, %sub3A_311 : vector<16xi32>
      %jit3A_313 = arith.constant 2500 : i32
      %broadcast_in_dim3A_314 = vector.broadcast %jit3A_313 : i32 to vector<16xi32>
      %select_n3A_315 = arith.select %and3A_306, %add3A_312, %broadcast_in_dim3A_314 : vector<16xi1>, vector<16xi32>
      %swap3A_316 = arith.constant 0 : i64
      %swap3A_317 = arith.index_cast %swap3A_316 : i64 to index
      %swap3A_318 = arith.constant 16 : index
      %swap3A_319 = tpu.vector_load %arg11[%swap3A_317, %swap3A_318] {strides = array<i32>} : memref<1x128xi32, #tpu.memory_space<vmem>>, vector<1x16xi32>,
      %swap3A_320 = vector.shape_cast %swap3A_319 : vector<1x16xi32> to vector<16xi32>
      %swap3A_321 = vector.shape_cast %select_n3A_315 : vector<16xi32> to vector<1x16xi32>
      tpu.vector_store %arg11[%swap3A_317, %swap3A_318], %swap3A_321 {strides = array<i32>} : memref<1x128xi32, #tpu.memory_space<vmem>>, vector<1x16xi32>,
      %add3A_322 = arith.constant 128 : i32
      %add3A_323 = arith.constant 32 : i32
      %add3A_324 = arith.addi %add3A_322, %add3A_323 : i32
      %get3A_325 = arith.index_cast %add3A_324 : i32 to index
      %get3A_326 = tpu.vector_load %arg10[%get3A_325] {strides = array<i32>} : memref<384xi32, #tpu.memory_space<vmem>>, vector<16xi32>,
      %get3A_327 = vector.shape_cast %get3A_326 : vector<16xi32> to vector<16xi32>
      %add3A_328 = arith.constant 256 : i32
      %add3A_329 = arith.constant 32 : i32
      %add3A_330 = arith.addi %add3A_328, %add3A_329 : i32
      %get3A_331 = arith.index_cast %add3A_330 : i32 to index
      %get3A_332 = tpu.vector_load %arg10[%get3A_331] {strides = array<i32>} : memref<384xi32, #tpu.memory_space<vmem>>, vector<16xi32>,
      %get3A_333 = vector.shape_cast %get3A_332 : vector<16xi32> to vector<16xi32>
      %ge3A_334 = vector.broadcast %mul3A_149 : i32 to vector<16xi32>
      %ge3A_335 = arith.cmpi sge, %get3A_327, %ge3A_334 : vector<16xi32>
      %add3A_336 = arith.constant 2500 : i32
      %add3A_337 = arith.addi %mul3A_149, %add3A_336 : i32
      %lt3A_338 = vector.broadcast %add3A_337 : i32 to vector<16xi32>
      %lt3A_339 = arith.cmpi slt, %get3A_327, %lt3A_338 : vector<16xi32>
      %and3A_340 = arith.andi %ge3A_335, %lt3A_339 : vector<16xi1>
      %mul3A_341 = arith.constant 2560 : i32
      %mul3A_342 = vector.broadcast %mul3A_341 : i32 to vector<16xi32>
      %mul3A_343 = arith.muli %get3A_333, %mul3A_342 : vector<16xi32>
      %sub3A_344 = vector.broadcast %mul3A_149 : i32 to vector<16xi32>
      %sub3A_345 = arith.subi %get3A_327, %sub3A_344 : vector<16xi32>
      %add3A_346 = arith.addi %mul3A_343, %sub3A_345 : vector<16xi32>
      %jit3A_347 = arith.constant 2500 : i32
      %broadcast_in_dim3A_348 = vector.broadcast %jit3A_347 : i32 to vector<16xi32>
      %select_n3A_349 = arith.select %and3A_340, %add3A_346, %broadcast_in_dim3A_348 : vector<16xi1>, vector<16xi32>
      %swap3A_350 = arith.constant 0 : i64
      %swap3A_351 = arith.index_cast %swap3A_350 : i64 to index
      %swap3A_352 = arith.constant 32 : index
      %swap3A_353 = tpu.vector_load %arg11[%swap3A_351, %swap3A_352] {strides = array<i32>} : memref<1x128xi32, #tpu.memory_space<vmem>>, vector<1x16xi32>,
      %swap3A_354 = vector.shape_cast %swap3A_353 : vector<1x16xi32> to vector<16xi32>
      %swap3A_355 = vector.shape_cast %select_n3A_349 : vector<16xi32> to vector<1x16xi32>
      tpu.vector_store %arg11[%swap3A_351, %swap3A_352], %swap3A_355 {strides = array<i32>} : memref<1x128xi32, #tpu.memory_space<vmem>>, vector<1x16xi32>,
      %add3A_356 = arith.constant 128 : i32
      %add3A_357 = arith.constant 48 : i32
      %add3A_358 = arith.addi %add3A_356, %add3A_357 : i32
      %get3A_359 = arith.index_cast %add3A_358 : i32 to index
      %get3A_360 = tpu.vector_load %arg10[%get3A_359] {strides = array<i32>} : memref<384xi32, #tpu.memory_space<vmem>>, vector<16xi32>,
      %get3A_361 = vector.shape_cast %get3A_360 : vector<16xi32> to vector<16xi32>
      %add3A_362 = arith.constant 256 : i32
      %add3A_363 = arith.constant 48 : i32
      %add3A_364 = arith.addi %add3A_362, %add3A_363 : i32
      %get3A_365 = arith.index_cast %add3A_364 : i32 to index
      %get3A_366 = tpu.vector_load %arg10[%get3A_365] {strides = array<i32>} : memref<384xi32, #tpu.memory_space<vmem>>, vector<16xi32>,
      %get3A_367 = vector.shape_cast %get3A_366 : vector<16xi32> to vector<16xi32>
      %ge3A_368 = vector.broadcast %mul3A_149 : i32 to vector<16xi32>
      %ge3A_369 = arith.cmpi sge, %get3A_361, %ge3A_368 : vector<16xi32>
      %add3A_370 = arith.constant 2500 : i32
      %add3A_371 = arith.addi %mul3A_149, %add3A_370 : i32
      %lt3A_372 = vector.broadcast %add3A_371 : i32 to vector<16xi32>
      %lt3A_373 = arith.cmpi slt, %get3A_361, %lt3A_372 : vector<16xi32>
      %and3A_374 = arith.andi %ge3A_369, %lt3A_373 : vector<16xi1>
      %mul3A_375 = arith.constant 2560 : i32
      %mul3A_376 = vector.broadcast %mul3A_375 : i32 to vector<16xi32>
      %mul3A_377 = arith.muli %get3A_367, %mul3A_376 : vector<16xi32>
      %sub3A_378 = vector.broadcast %mul3A_149 : i32 to vector<16xi32>
      %sub3A_379 = arith.subi %get3A_361, %sub3A_378 : vector<16xi32>
      %add3A_380 = arith.addi %mul3A_377, %sub3A_379 : vector<16xi32>
      %jit3A_381 = arith.constant 2500 : i32
      %broadcast_in_dim3A_382 = vector.broadcast %jit3A_381 : i32 to vector<16xi32>
      %select_n3A_383 = arith.select %and3A_374, %add3A_380, %broadcast_in_dim3A_382 : vector<16xi1>, vector<16xi32>
      %swap3A_384 = arith.constant 0 : i64
      %swap3A_385 = arith.index_cast %swap3A_384 : i64 to index
      %swap3A_386 = arith.constant 48 : index
      %swap3A_387 = tpu.vector_load %arg11[%swap3A_385, %swap3A_386] {strides = array<i32>} : memref<1x128xi32, #tpu.memory_space<vmem>>, vector<1x16xi32>,
      %swap3A_388 = vector.shape_cast %swap3A_387 : vector<1x16xi32> to vector<16xi32>
      %swap3A_389 = vector.shape_cast %select_n3A_383 : vector<16xi32> to vector<1x16xi32>
      tpu.vector_store %arg11[%swap3A_385, %swap3A_386], %swap3A_389 {strides = array<i32>} : memref<1x128xi32, #tpu.memory_space<vmem>>, vector<1x16xi32>,
      %add3A_390 = arith.constant 128 : i32
      %add3A_391 = arith.constant 64 : i32
      %add3A_392 = arith.addi %add3A_390, %add3A_391 : i32
      %get3A_393 = arith.index_cast %add3A_392 : i32 to index
      %get3A_394 = tpu.vector_load %arg10[%get3A_393] {strides = array<i32>} : memref<384xi32, #tpu.memory_space<vmem>>, vector<16xi32>,
      %get3A_395 = vector.shape_cast %get3A_394 : vector<16xi32> to vector<16xi32>
      %add3A_396 = arith.constant 256 : i32
      %add3A_397 = arith.constant 64 : i32
      %add3A_398 = arith.addi %add3A_396, %add3A_397 : i32
      %get3A_399 = arith.index_cast %add3A_398 : i32 to index
      %get3A_400 = tpu.vector_load %arg10[%get3A_399] {strides = array<i32>} : memref<384xi32, #tpu.memory_space<vmem>>, vector<16xi32>,
      %get3A_401 = vector.shape_cast %get3A_400 : vector<16xi32> to vector<16xi32>
      %ge3A_402 = vector.broadcast %mul3A_149 : i32 to vector<16xi32>
      %ge3A_403 = arith.cmpi sge, %get3A_395, %ge3A_402 : vector<16xi32>
      %add3A_404 = arith.constant 2500 : i32
      %add3A_405 = arith.addi %mul3A_149, %add3A_404 : i32
      %lt3A_406 = vector.broadcast %add3A_405 : i32 to vector<16xi32>
      %lt3A_407 = arith.cmpi slt, %get3A_395, %lt3A_406 : vector<16xi32>
      %and3A_408 = arith.andi %ge3A_403, %lt3A_407 : vector<16xi1>
      %mul3A_409 = arith.constant 2560 : i32
      %mul3A_410 = vector.broadcast %mul3A_409 : i32 to vector<16xi32>
      %mul3A_411 = arith.muli %get3A_401, %mul3A_410 : vector<16xi32>
      %sub3A_412 = vector.broadcast %mul3A_149 : i32 to vector<16xi32>
      %sub3A_413 = arith.subi %get3A_395, %sub3A_412 : vector<16xi32>
      %add3A_414 = arith.addi %mul3A_411, %sub3A_413 : vector<16xi32>
      %jit3A_415 = arith.constant 2500 : i32
      %broadcast_in_dim3A_416 = vector.broadcast %jit3A_415 : i32 to vector<16xi32>
      %select_n3A_417 = arith.select %and3A_408, %add3A_414, %broadcast_in_dim3A_416 : vector<16xi1>, vector<16xi32>
      %swap3A_418 = arith.constant 0 : i64
      %swap3A_419 = arith.index_cast %swap3A_418 : i64 to index
      %swap3A_420 = arith.constant 64 : index
      %swap3A_421 = tpu.vector_load %arg11[%swap3A_419, %swap3A_420] {strides = array<i32>} : memref<1x128xi32, #tpu.memory_space<vmem>>, vector<1x16xi32>,
      %swap3A_422 = vector.shape_cast %swap3A_421 : vector<1x16xi32> to vector<16xi32>
      %swap3A_423 = vector.shape_cast %select_n3A_417 : vector<16xi32> to vector<1x16xi32>
      tpu.vector_store %arg11[%swap3A_419, %swap3A_420], %swap3A_423 {strides = array<i32>} : memref<1x128xi32, #tpu.memory_space<vmem>>, vector<1x16xi32>,
      %add3A_424 = arith.constant 128 : i32
      %add3A_425 = arith.constant 80 : i32
      %add3A_426 = arith.addi %add3A_424, %add3A_425 : i32
      %get3A_427 = arith.index_cast %add3A_426 : i32 to index
      %get3A_428 = tpu.vector_load %arg10[%get3A_427] {strides = array<i32>} : memref<384xi32, #tpu.memory_space<vmem>>, vector<16xi32>,
      %get3A_429 = vector.shape_cast %get3A_428 : vector<16xi32> to vector<16xi32>
      %add3A_430 = arith.constant 256 : i32
      %add3A_431 = arith.constant 80 : i32
      %add3A_432 = arith.addi %add3A_430, %add3A_431 : i32
      %get3A_433 = arith.index_cast %add3A_432 : i32 to index
      %get3A_434 = tpu.vector_load %arg10[%get3A_433] {strides = array<i32>} : memref<384xi32, #tpu.memory_space<vmem>>, vector<16xi32>,
      %get3A_435 = vector.shape_cast %get3A_434 : vector<16xi32> to vector<16xi32>
      %ge3A_436 = vector.broadcast %mul3A_149 : i32 to vector<16xi32>
      %ge3A_437 = arith.cmpi sge, %get3A_429, %ge3A_436 : vector<16xi32>
      %add3A_438 = arith.constant 2500 : i32
      %add3A_439 = arith.addi %mul3A_149, %add3A_438 : i32
      %lt3A_440 = vector.broadcast %add3A_439 : i32 to vector<16xi32>
      %lt3A_441 = arith.cmpi slt, %get3A_429, %lt3A_440 : vector<16xi32>
      %and3A_442 = arith.andi %ge3A_437, %lt3A_441 : vector<16xi1>
      %mul3A_443 = arith.constant 2560 : i32
      %mul3A_444 = vector.broadcast %mul3A_443 : i32 to vector<16xi32>
      %mul3A_445 = arith.muli %get3A_435, %mul3A_444 : vector<16xi32>
      %sub3A_446 = vector.broadcast %mul3A_149 : i32 to vector<16xi32>
      %sub3A_447 = arith.subi %get3A_429, %sub3A_446 : vector<16xi32>
      %add3A_448 = arith.addi %mul3A_445, %sub3A_447 : vector<16xi32>
      %jit3A_449 = arith.constant 2500 : i32
      %broadcast_in_dim3A_450 = vector.broadcast %jit3A_449 : i32 to vector<16xi32>
      %select_n3A_451 = arith.select %and3A_442, %add3A_448, %broadcast_in_dim3A_450 : vector<16xi1>, vector<16xi32>
      %swap3A_452 = arith.constant 0 : i64
      %swap3A_453 = arith.index_cast %swap3A_452 : i64 to index
      %swap3A_454 = arith.constant 80 : index
      %swap3A_455 = tpu.vector_load %arg11[%swap3A_453, %swap3A_454] {strides = array<i32>} : memref<1x128xi32, #tpu.memory_space<vmem>>, vector<1x16xi32>,
      %swap3A_456 = vector.shape_cast %swap3A_455 : vector<1x16xi32> to vector<16xi32>
      %swap3A_457 = vector.shape_cast %select_n3A_451 : vector<16xi32> to vector<1x16xi32>
      tpu.vector_store %arg11[%swap3A_453, %swap3A_454], %swap3A_457 {strides = array<i32>} : memref<1x128xi32, #tpu.memory_space<vmem>>, vector<1x16xi32>,
      %add3A_458 = arith.constant 128 : i32
      %add3A_459 = arith.constant 96 : i32
      %add3A_460 = arith.addi %add3A_458, %add3A_459 : i32
      %get3A_461 = arith.index_cast %add3A_460 : i32 to index
      %get3A_462 = tpu.vector_load %arg10[%get3A_461] {strides = array<i32>} : memref<384xi32, #tpu.memory_space<vmem>>, vector<16xi32>,
      %get3A_463 = vector.shape_cast %get3A_462 : vector<16xi32> to vector<16xi32>
      %add3A_464 = arith.constant 256 : i32
      %add3A_465 = arith.constant 96 : i32
      %add3A_466 = arith.addi %add3A_464, %add3A_465 : i32
      %get3A_467 = arith.index_cast %add3A_466 : i32 to index
      %get3A_468 = tpu.vector_load %arg10[%get3A_467] {strides = array<i32>} : memref<384xi32, #tpu.memory_space<vmem>>, vector<16xi32>,
      %get3A_469 = vector.shape_cast %get3A_468 : vector<16xi32> to vector<16xi32>
      %ge3A_470 = vector.broadcast %mul3A_149 : i32 to vector<16xi32>
      %ge3A_471 = arith.cmpi sge, %get3A_463, %ge3A_470 : vector<16xi32>
      %add3A_472 = arith.constant 2500 : i32
      %add3A_473 = arith.addi %mul3A_149, %add3A_472 : i32
      %lt3A_474 = vector.broadcast %add3A_473 : i32 to vector<16xi32>
      %lt3A_475 = arith.cmpi slt, %get3A_463, %lt3A_474 : vector<16xi32>
      %and3A_476 = arith.andi %ge3A_471, %lt3A_475 : vector<16xi1>
      %mul3A_477 = arith.constant 2560 : i32
      %mul3A_478 = vector.broadcast %mul3A_477 : i32 to vector<16xi32>
      %mul3A_479 = arith.muli %get3A_469, %mul3A_478 : vector<16xi32>
      %sub3A_480 = vector.broadcast %mul3A_149 : i32 to vector<16xi32>
      %sub3A_481 = arith.subi %get3A_463, %sub3A_480 : vector<16xi32>
      %add3A_482 = arith.addi %mul3A_479, %sub3A_481 : vector<16xi32>
      %jit3A_483 = arith.constant 2500 : i32
      %broadcast_in_dim3A_484 = vector.broadcast %jit3A_483 : i32 to vector<16xi32>
      %select_n3A_485 = arith.select %and3A_476, %add3A_482, %broadcast_in_dim3A_484 : vector<16xi1>, vector<16xi32>
      %swap3A_486 = arith.constant 0 : i64
      %swap3A_487 = arith.index_cast %swap3A_486 : i64 to index
      %swap3A_488 = arith.constant 96 : index
      %swap3A_489 = tpu.vector_load %arg11[%swap3A_487, %swap3A_488] {strides = array<i32>} : memref<1x128xi32, #tpu.memory_space<vmem>>, vector<1x16xi32>,
      %swap3A_490 = vector.shape_cast %swap3A_489 : vector<1x16xi32> to vector<16xi32>
      %swap3A_491 = vector.shape_cast %select_n3A_485 : vector<16xi32> to vector<1x16xi32>
      tpu.vector_store %arg11[%swap3A_487, %swap3A_488], %swap3A_491 {strides = array<i32>} : memref<1x128xi32, #tpu.memory_space<vmem>>, vector<1x16xi32>,
      %add3A_492 = arith.constant 128 : i32
      %add3A_493 = arith.constant 112 : i32
      %add3A_494 = arith.addi %add3A_492, %add3A_493 : i32
      %get3A_495 = arith.index_cast %add3A_494 : i32 to index
      %get3A_496 = tpu.vector_load %arg10[%get3A_495] {strides = array<i32>} : memref<384xi32, #tpu.memory_space<vmem>>, vector<16xi32>,
      %get3A_497 = vector.shape_cast %get3A_496 : vector<16xi32> to vector<16xi32>
      %add3A_498 = arith.constant 256 : i32
      %add3A_499 = arith.constant 112 : i32
      %add3A_500 = arith.addi %add3A_498, %add3A_499 : i32
      %get3A_501 = arith.index_cast %add3A_500 : i32 to index
      %get3A_502 = tpu.vector_load %arg10[%get3A_501] {strides = array<i32>} : memref<384xi32, #tpu.memory_space<vmem>>, vector<16xi32>,
      %get3A_503 = vector.shape_cast %get3A_502 : vector<16xi32> to vector<16xi32>
      %ge3A_504 = vector.broadcast %mul3A_149 : i32 to vector<16xi32>
      %ge3A_505 = arith.cmpi sge, %get3A_497, %ge3A_504 : vector<16xi32>
      %add3A_506 = arith.constant 2500 : i32
      %add3A_507 = arith.addi %mul3A_149, %add3A_506 : i32
      %lt3A_508 = vector.broadcast %add3A_507 : i32 to vector<16xi32>
      %lt3A_509 = arith.cmpi slt, %get3A_497, %lt3A_508 : vector<16xi32>
      %and3A_510 = arith.andi %ge3A_505, %lt3A_509 : vector<16xi1>
      %mul3A_511 = arith.constant 2560 : i32
      %mul3A_512 = vector.broadcast %mul3A_511 : i32 to vector<16xi32>
      %mul3A_513 = arith.muli %get3A_503, %mul3A_512 : vector<16xi32>
      %sub3A_514 = vector.broadcast %mul3A_149 : i32 to vector<16xi32>
      %sub3A_515 = arith.subi %get3A_497, %sub3A_514 : vector<16xi32>
      %add3A_516 = arith.addi %mul3A_513, %sub3A_515 : vector<16xi32>
      %jit3A_517 = arith.constant 2500 : i32
      %broadcast_in_dim3A_518 = vector.broadcast %jit3A_517 : i32 to vector<16xi32>
      %select_n3A_519 = arith.select %and3A_510, %add3A_516, %broadcast_in_dim3A_518 : vector<16xi1>, vector<16xi32>
      %swap3A_520 = arith.constant 0 : i64
      %swap3A_521 = arith.index_cast %swap3A_520 : i64 to index
      %swap3A_522 = arith.constant 112 : index
      %swap3A_523 = tpu.vector_load %arg11[%swap3A_521, %swap3A_522] {strides = array<i32>} : memref<1x128xi32, #tpu.memory_space<vmem>>, vector<1x16xi32>,
      %swap3A_524 = vector.shape_cast %swap3A_523 : vector<1x16xi32> to vector<16xi32>
      %swap3A_525 = vector.shape_cast %select_n3A_519 : vector<16xi32> to vector<1x16xi32>
      tpu.vector_store %arg11[%swap3A_521, %swap3A_522], %swap3A_525 {strides = array<i32>} : memref<1x128xi32, #tpu.memory_space<vmem>>, vector<1x16xi32>,
      "tpu.region"() ({
        %run_scoped3A_528 = tpu.sem_alloc : memref<!tpu.dma_semaphore, #tpu.memory_space<semaphore_mem>>
        %dma_start3A = arith.constant 0 : i32
        %dma_start3A_529 = tpu.memref_slice %arg10[%dma_start3A] : memref<384xi32, #tpu.memory_space<vmem>> -> memref<128xi32, #tpu.memory_space<vmem>>
        %dma_start3A_530 = arith.constant 0 : i32
        %dma_start3A_531 = arith.constant 0 : i32
        %dma_start3A_532 = tpu.memref_slice %arg2[%dma_start3A_530, %dma_start3A_531] : memref<10000x128xf32, #tpu.memory_space<hbm>> -> memref<10000x128xf32, #tpu.memory_space<hbm>>
        tpu.enqueue_indirect_dma source(%dma_start3A_532 : memref<10000x128xf32, #tpu.memory_space<hbm>>) target(%arg12 : memref<128x128xf32, #tpu.memory_space<vmem>>) offsets(%dma_start3A_529 : memref<128xi32, #tpu.memory_space<vmem>>) semaphore(%run_scoped3A_528 : memref<!tpu.dma_semaphore, #tpu.memory_space<semaphore_mem>>)
        %dma_wait3A = arith.constant 0 : i32
        %dma_wait3A_533 = tpu.memref_slice %arg10[%dma_wait3A] : memref<384xi32, #tpu.memory_space<vmem>> -> memref<128xi32, #tpu.memory_space<vmem>>
        %dma_wait3A_534 = arith.constant 0 : i32
        %dma_wait3A_535 = arith.constant 0 : i32
        %dma_wait3A_536 = tpu.memref_slice %arg2[%dma_wait3A_534, %dma_wait3A_535] : memref<10000x128xf32, #tpu.memory_space<hbm>> -> memref<10000x128xf32, #tpu.memory_space<hbm>>
        tpu.wait_indirect_dma semaphore(%run_scoped3A_528 : memref<!tpu.dma_semaphore, #tpu.memory_space<semaphore_mem>>) src(%dma_wait3A_536 : memref<10000x128xf32, #tpu.memory_space<hbm>>) dst(%arg12 : memref<128x128xf32, #tpu.memory_space<vmem>>)
        tpu.yield
      }) : () -> ()
      %run_scoped3A_526 = arith.constant 0 : i32
      "tpu.region"() ({
        %run_scoped3A_528 = tpu.sem_alloc : memref<!tpu.dma_semaphore, #tpu.memory_space<semaphore_mem>>
        %dma_start3A = arith.constant 0 : i32
        %dma_start3A_529 = tpu.memref_slice %arg11[%run_scoped3A_526, %dma_start3A] : memref<1x128xi32, #tpu.memory_space<vmem>> -> memref<1x128xi32, #tpu.memory_space<vmem>>
        %dma_start3A_530 = tpu.memref_squeeze %dma_start3A_529 : memref<1x128xi32, #tpu.memory_space<vmem>> -> memref<128xi32, #tpu.memory_space<vmem>>
        %dma_start3A_531 = arith.constant 0 : i32
        %dma_start3A_532 = arith.constant 0 : i32
        %dma_start3A_533 = tpu.memref_slice %arg6[%dma_start3A_531, %dma_start3A_532] : memref<7680x128xf32, #tpu.memory_space<vmem_shared>> -> memref<7680x128xf32, #tpu.memory_space<vmem_shared>>
        tpu.enqueue_indirect_dma source(%arg12 : memref<128x128xf32, #tpu.memory_space<vmem>>) target(%dma_start3A_533 : memref<7680x128xf32, #tpu.memory_space<vmem_shared>>) offsets(%dma_start3A_530 : memref<128xi32, #tpu.memory_space<vmem>>) semaphore(%run_scoped3A_528 : memref<!tpu.dma_semaphore, #tpu.memory_space<semaphore_mem>>) {add = true}
        %dma_wait3A = arith.constant 0 : i32
        %dma_wait3A_534 = tpu.memref_slice %arg11[%run_scoped3A_526, %dma_wait3A] : memref<1x128xi32, #tpu.memory_space<vmem>> -> memref<1x128xi32, #tpu.memory_space<vmem>>
        %dma_wait3A_535 = tpu.memref_squeeze %dma_wait3A_534 : memref<1x128xi32, #tpu.memory_space<vmem>> -> memref<128xi32, #tpu.memory_space<vmem>>
        %dma_wait3A_536 = arith.constant 0 : i32
        %dma_wait3A_537 = arith.constant 0 : i32
        %dma_wait3A_538 = tpu.memref_slice %arg6[%dma_wait3A_536, %dma_wait3A_537] : memref<7680x128xf32, #tpu.memory_space<vmem_shared>> -> memref<7680x128xf32, #tpu.memory_space<vmem_shared>>
        tpu.wait_indirect_dma semaphore(%run_scoped3A_528 : memref<!tpu.dma_semaphore, #tpu.memory_space<semaphore_mem>>) src(%arg12 : memref<128x128xf32, #tpu.memory_space<vmem>>) dst(%dma_wait3A_538 : memref<7680x128xf32, #tpu.memory_space<vmem_shared>>)
        tpu.yield
      }) : () -> ()
      %run_scoped3A_527 = arith.constant 0 : i32
      "tpu.region"() ({
        %run_scoped3A_528 = tpu.sem_alloc : memref<!tpu.dma_semaphore, #tpu.memory_space<semaphore_mem>>
        %dma_start3A = arith.constant 0 : i32
        %dma_start3A_529 = tpu.memref_slice %arg11[%run_scoped3A_527, %dma_start3A] : memref<1x128xi32, #tpu.memory_space<vmem>> -> memref<1x128xi32, #tpu.memory_space<vmem>>
        %dma_start3A_530 = tpu.memref_squeeze %dma_start3A_529 : memref<1x128xi32, #tpu.memory_space<vmem>> -> memref<128xi32, #tpu.memory_space<vmem>>
        %dma_start3A_531 = arith.constant 0 : i32
        %dma_start3A_532 = tpu.memref_slice %arg7[%dma_start3A_531] : memref<7680xf32, #tpu.memory_space<vmem_shared>> -> memref<7680xf32, #tpu.memory_space<vmem_shared>>
        tpu.enqueue_indirect_dma source(%arg9 : memref<128xf32, #tpu.memory_space<vmem>>) target(%dma_start3A_532 : memref<7680xf32, #tpu.memory_space<vmem_shared>>) offsets(%dma_start3A_530 : memref<128xi32, #tpu.memory_space<vmem>>) semaphore(%run_scoped3A_528 : memref<!tpu.dma_semaphore, #tpu.memory_space<semaphore_mem>>) {add = true}
        %dma_wait3A = arith.constant 0 : i32
        %dma_wait3A_533 = tpu.memref_slice %arg11[%run_scoped3A_527, %dma_wait3A] : memref<1x128xi32, #tpu.memory_space<vmem>> -> memref<1x128xi32, #tpu.memory_space<vmem>>
        %dma_wait3A_534 = tpu.memref_squeeze %dma_wait3A_533 : memref<1x128xi32, #tpu.memory_space<vmem>> -> memref<128xi32, #tpu.memory_space<vmem>>
        %dma_wait3A_535 = arith.constant 0 : i32
        %dma_wait3A_536 = tpu.memref_slice %arg7[%dma_wait3A_535] : memref<7680xf32, #tpu.memory_space<vmem_shared>> -> memref<7680xf32, #tpu.memory_space<vmem_shared>>
        tpu.wait_indirect_dma semaphore(%run_scoped3A_528 : memref<!tpu.dma_semaphore, #tpu.memory_space<semaphore_mem>>) src(%arg9 : memref<128xf32, #tpu.memory_space<vmem>>) dst(%dma_wait3A_536 : memref<7680xf32, #tpu.memory_space<vmem_shared>>)
        tpu.yield
      }) : () -> ()
    }
    %while3A_219 = arith.constant 1 : i32
    scf.for %while3A_256 = %while3A_217 to %while3A_213 step %while3A_219  : i32 {
      %mul3A_257 = arith.muli %while3A_256, %while3A_209 : i32
      %add3A_258 = arith.addi %while3A_210, %mul3A_257 : i32
      %add3A_259 = arith.addi %mul3A_151, %add3A_258 : i32
      "tpu.region"() ({
        %run_scoped3A_528 = tpu.sem_alloc : memref<!tpu.dma_semaphore, #tpu.memory_space<semaphore_mem>>
        %dma_start3A = arith.constant 0 : i32
        %dma_start3A_529 = tpu.memref_slice %arg3[%add3A_259, %dma_start3A] : memref<2512x384xi32, #tpu.memory_space<hbm>> -> memref<1x384xi32, #tpu.memory_space<hbm>>
        %dma_start3A_530 = tpu.memref_squeeze %dma_start3A_529 : memref<1x384xi32, #tpu.memory_space<hbm>> -> memref<384xi32, #tpu.memory_space<hbm>>
        %dma_start3A_531 = arith.constant 0 : i32
        %dma_start3A_532 = tpu.memref_slice %arg3[%add3A_259, %dma_start3A_531] : memref<2512x384xi32, #tpu.memory_space<hbm>> -> memref<1x384xi32, #tpu.memory_space<hbm>>
        %dma_start3A_533 = tpu.memref_squeeze %dma_start3A_532 : memref<1x384xi32, #tpu.memory_space<hbm>> -> memref<384xi32, #tpu.memory_space<hbm>>
        tpu.enqueue_dma source(%dma_start3A_533 : memref<384xi32, #tpu.memory_space<hbm>>) target(%arg10 : memref<384xi32, #tpu.memory_space<vmem>>) target_semaphore(%run_scoped3A_528 : memref<!tpu.dma_semaphore, #tpu.memory_space<semaphore_mem>>)
        %dma_wait3A = arith.constant 0 : i32
        %dma_wait3A_534 = tpu.memref_slice %arg3[%add3A_259, %dma_wait3A] : memref<2512x384xi32, #tpu.memory_space<hbm>> -> memref<1x384xi32, #tpu.memory_space<hbm>>
        %dma_wait3A_535 = tpu.memref_squeeze %dma_wait3A_534 : memref<1x384xi32, #tpu.memory_space<hbm>> -> memref<384xi32, #tpu.memory_space<hbm>>
        %dma_wait3A_536 = arith.constant 0 : i32
        %dma_wait3A_537 = tpu.memref_slice %arg3[%add3A_259, %dma_wait3A_536] : memref<2512x384xi32, #tpu.memory_space<hbm>> -> memref<1x384xi32, #tpu.memory_space<hbm>>
        %dma_wait3A_538 = tpu.memref_squeeze %dma_wait3A_537 : memref<1x384xi32, #tpu.memory_space<hbm>> -> memref<384xi32, #tpu.memory_space<hbm>>
        tpu.wait_dma2 semaphore(%run_scoped3A_528 : memref<!tpu.dma_semaphore, #tpu.memory_space<semaphore_mem>>) src(%dma_wait3A_538 : memref<384xi32, #tpu.memory_space<hbm>>) dst(%arg10 : memref<384xi32, #tpu.memory_space<vmem>>)
        tpu.yield
      }) : () -> ()
      %add3A_260 = arith.constant 128 : i32
      %add3A_261 = arith.constant 0 : i32
      %add3A_262 = arith.addi %add3A_260, %add3A_261 : i32
      %get3A = arith.index_cast %add3A_262 : i32 to index
      %get3A_263 = tpu.vector_load %arg10[%get3A] {strides = array<i32>} : memref<384xi32, #tpu.memory_space<vmem>>, vector<16xi32>,
      %get3A_264 = vector.shape_cast %get3A_263 : vector<16xi32> to vector<16xi32>
      %add3A_265 = arith.constant 256 : i32
      %add3A_266 = arith.constant 0 : i32
      %add3A_267 = arith.addi %add3A_265, %add3A_266 : i32
      %get3A_268 = arith.index_cast %add3A_267 : i32 to index
      %get3A_269 = tpu.vector_load %arg10[%get3A_268] {strides = array<i32>} : memref<384xi32, #tpu.memory_space<vmem>>, vector<16xi32>,
      %get3A_270 = vector.shape_cast %get3A_269 : vector<16xi32> to vector<16xi32>
      %ge3A = vector.broadcast %mul3A_149 : i32 to vector<16xi32>
      %ge3A_271 = arith.cmpi sge, %get3A_264, %ge3A : vector<16xi32>
      %add3A_272 = arith.constant 2500 : i32
      %add3A_273 = arith.addi %mul3A_149, %add3A_272 : i32
      %lt3A_274 = vector.broadcast %add3A_273 : i32 to vector<16xi32>
      %lt3A_275 = arith.cmpi slt, %get3A_264, %lt3A_274 : vector<16xi32>
      %and3A = arith.andi %ge3A_271, %lt3A_275 : vector<16xi1>
      %mul3A_276 = arith.constant 2560 : i32
      %mul3A_277 = vector.broadcast %mul3A_276 : i32 to vector<16xi32>
      %mul3A_278 = arith.muli %get3A_270, %mul3A_277 : vector<16xi32>
      %sub3A_279 = vector.broadcast %mul3A_149 : i32 to vector<16xi32>
      %sub3A_280 = arith.subi %get3A_264, %sub3A_279 : vector<16xi32>
      %add3A_281 = arith.addi %mul3A_278, %sub3A_280 : vector<16xi32>
      %jit3A = arith.constant 2500 : i32
      %broadcast_in_dim3A_282 = vector.broadcast %jit3A : i32 to vector<16xi32>
      %select_n3A = arith.select %and3A, %add3A_281, %broadcast_in_dim3A_282 : vector<16xi1>, vector<16xi32>
      %swap3A = arith.constant 0 : i64
      %swap3A_283 = arith.index_cast %swap3A : i64 to index
      %swap3A_284 = arith.constant 0 : index
      %swap3A_285 = tpu.vector_load %arg11[%swap3A_283, %swap3A_284] {strides = array<i32>} : memref<1x128xi32, #tpu.memory_space<vmem>>, vector<1x16xi32>,
      %swap3A_286 = vector.shape_cast %swap3A_285 : vector<1x16xi32> to vector<16xi32>
      %swap3A_287 = vector.shape_cast %select_n3A : vector<16xi32> to vector<1x16xi32>
      tpu.vector_store %arg11[%swap3A_283, %swap3A_284], %swap3A_287 {strides = array<i32>} : memref<1x128xi32, #tpu.memory_space<vmem>>, vector<1x16xi32>,
      %add3A_288 = arith.constant 128 : i32
      %add3A_289 = arith.constant 16 : i32
      %add3A_290 = arith.addi %add3A_288, %add3A_289 : i32
      %get3A_291 = arith.index_cast %add3A_290 : i32 to index
      %get3A_292 = tpu.vector_load %arg10[%get3A_291] {strides = array<i32>} : memref<384xi32, #tpu.memory_space<vmem>>, vector<16xi32>,
      %get3A_293 = vector.shape_cast %get3A_292 : vector<16xi32> to vector<16xi32>
      %add3A_294 = arith.constant 256 : i32
      %add3A_295 = arith.constant 16 : i32
      %add3A_296 = arith.addi %add3A_294, %add3A_295 : i32
      %get3A_297 = arith.index_cast %add3A_296 : i32 to index
      %get3A_298 = tpu.vector_load %arg10[%get3A_297] {strides = array<i32>} : memref<384xi32, #tpu.memory_space<vmem>>, vector<16xi32>,
      %get3A_299 = vector.shape_cast %get3A_298 : vector<16xi32> to vector<16xi32>
      %ge3A_300 = vector.broadcast %mul3A_149 : i32 to vector<16xi32>
      %ge3A_301 = arith.cmpi sge, %get3A_293, %ge3A_300 : vector<16xi32>
      %add3A_302 = arith.constant 2500 : i32
      %add3A_303 = arith.addi %mul3A_149, %add3A_302 : i32
      %lt3A_304 = vector.broadcast %add3A_303 : i32 to vector<16xi32>
      %lt3A_305 = arith.cmpi slt, %get3A_293, %lt3A_304 : vector<16xi32>
      %and3A_306 = arith.andi %ge3A_301, %lt3A_305 : vector<16xi1>
      %mul3A_307 = arith.constant 2560 : i32
      %mul3A_308 = vector.broadcast %mul3A_307 : i32 to vector<16xi32>
      %mul3A_309 = arith.muli %get3A_299, %mul3A_308 : vector<16xi32>
      %sub3A_310 = vector.broadcast %mul3A_149 : i32 to vector<16xi32>
      %sub3A_311 = arith.subi %get3A_293, %sub3A_310 : vector<16xi32>
      %add3A_312 = arith.addi %mul3A_309, %sub3A_311 : vector<16xi32>
      %jit3A_313 = arith.constant 2500 : i32
      %broadcast_in_dim3A_314 = vector.broadcast %jit3A_313 : i32 to vector<16xi32>
      %select_n3A_315 = arith.select %and3A_306, %add3A_312, %broadcast_in_dim3A_314 : vector<16xi1>, vector<16xi32>
      %swap3A_316 = arith.constant 0 : i64
      %swap3A_317 = arith.index_cast %swap3A_316 : i64 to index
      %swap3A_318 = arith.constant 16 : index
      %swap3A_319 = tpu.vector_load %arg11[%swap3A_317, %swap3A_318] {strides = array<i32>} : memref<1x128xi32, #tpu.memory_space<vmem>>, vector<1x16xi32>,
      %swap3A_320 = vector.shape_cast %swap3A_319 : vector<1x16xi32> to vector<16xi32>
      %swap3A_321 = vector.shape_cast %select_n3A_315 : vector<16xi32> to vector<1x16xi32>
      tpu.vector_store %arg11[%swap3A_317, %swap3A_318], %swap3A_321 {strides = array<i32>} : memref<1x128xi32, #tpu.memory_space<vmem>>, vector<1x16xi32>,
      %add3A_322 = arith.constant 128 : i32
      %add3A_323 = arith.constant 32 : i32
      %add3A_324 = arith.addi %add3A_322, %add3A_323 : i32
      %get3A_325 = arith.index_cast %add3A_324 : i32 to index
      %get3A_326 = tpu.vector_load %arg10[%get3A_325] {strides = array<i32>} : memref<384xi32, #tpu.memory_space<vmem>>, vector<16xi32>,
      %get3A_327 = vector.shape_cast %get3A_326 : vector<16xi32> to vector<16xi32>
      %add3A_328 = arith.constant 256 : i32
      %add3A_329 = arith.constant 32 : i32
      %add3A_330 = arith.addi %add3A_328, %add3A_329 : i32
      %get3A_331 = arith.index_cast %add3A_330 : i32 to index
      %get3A_332 = tpu.vector_load %arg10[%get3A_331] {strides = array<i32>} : memref<384xi32, #tpu.memory_space<vmem>>, vector<16xi32>,
      %get3A_333 = vector.shape_cast %get3A_332 : vector<16xi32> to vector<16xi32>
      %ge3A_334 = vector.broadcast %mul3A_149 : i32 to vector<16xi32>
      %ge3A_335 = arith.cmpi sge, %get3A_327, %ge3A_334 : vector<16xi32>
      %add3A_336 = arith.constant 2500 : i32
      %add3A_337 = arith.addi %mul3A_149, %add3A_336 : i32
      %lt3A_338 = vector.broadcast %add3A_337 : i32 to vector<16xi32>
      %lt3A_339 = arith.cmpi slt, %get3A_327, %lt3A_338 : vector<16xi32>
      %and3A_340 = arith.andi %ge3A_335, %lt3A_339 : vector<16xi1>
      %mul3A_341 = arith.constant 2560 : i32
      %mul3A_342 = vector.broadcast %mul3A_341 : i32 to vector<16xi32>
      %mul3A_343 = arith.muli %get3A_333, %mul3A_342 : vector<16xi32>
      %sub3A_344 = vector.broadcast %mul3A_149 : i32 to vector<16xi32>
      %sub3A_345 = arith.subi %get3A_327, %sub3A_344 : vector<16xi32>
      %add3A_346 = arith.addi %mul3A_343, %sub3A_345 : vector<16xi32>
      %jit3A_347 = arith.constant 2500 : i32
      %broadcast_in_dim3A_348 = vector.broadcast %jit3A_347 : i32 to vector<16xi32>
      %select_n3A_349 = arith.select %and3A_340, %add3A_346, %broadcast_in_dim3A_348 : vector<16xi1>, vector<16xi32>
      %swap3A_350 = arith.constant 0 : i64
      %swap3A_351 = arith.index_cast %swap3A_350 : i64 to index
      %swap3A_352 = arith.constant 32 : index
      %swap3A_353 = tpu.vector_load %arg11[%swap3A_351, %swap3A_352] {strides = array<i32>} : memref<1x128xi32, #tpu.memory_space<vmem>>, vector<1x16xi32>,
      %swap3A_354 = vector.shape_cast %swap3A_353 : vector<1x16xi32> to vector<16xi32>
      %swap3A_355 = vector.shape_cast %select_n3A_349 : vector<16xi32> to vector<1x16xi32>
      tpu.vector_store %arg11[%swap3A_351, %swap3A_352], %swap3A_355 {strides = array<i32>} : memref<1x128xi32, #tpu.memory_space<vmem>>, vector<1x16xi32>,
      %add3A_356 = arith.constant 128 : i32
      %add3A_357 = arith.constant 48 : i32
      %add3A_358 = arith.addi %add3A_356, %add3A_357 : i32
      %get3A_359 = arith.index_cast %add3A_358 : i32 to index
      %get3A_360 = tpu.vector_load %arg10[%get3A_359] {strides = array<i32>} : memref<384xi32, #tpu.memory_space<vmem>>, vector<16xi32>,
      %get3A_361 = vector.shape_cast %get3A_360 : vector<16xi32> to vector<16xi32>
      %add3A_362 = arith.constant 256 : i32
      %add3A_363 = arith.constant 48 : i32
      %add3A_364 = arith.addi %add3A_362, %add3A_363 : i32
      %get3A_365 = arith.index_cast %add3A_364 : i32 to index
      %get3A_366 = tpu.vector_load %arg10[%get3A_365] {strides = array<i32>} : memref<384xi32, #tpu.memory_space<vmem>>, vector<16xi32>,
      %get3A_367 = vector.shape_cast %get3A_366 : vector<16xi32> to vector<16xi32>
      %ge3A_368 = vector.broadcast %mul3A_149 : i32 to vector<16xi32>
      %ge3A_369 = arith.cmpi sge, %get3A_361, %ge3A_368 : vector<16xi32>
      %add3A_370 = arith.constant 2500 : i32
      %add3A_371 = arith.addi %mul3A_149, %add3A_370 : i32
      %lt3A_372 = vector.broadcast %add3A_371 : i32 to vector<16xi32>
      %lt3A_373 = arith.cmpi slt, %get3A_361, %lt3A_372 : vector<16xi32>
      %and3A_374 = arith.andi %ge3A_369, %lt3A_373 : vector<16xi1>
      %mul3A_375 = arith.constant 2560 : i32
      %mul3A_376 = vector.broadcast %mul3A_375 : i32 to vector<16xi32>
      %mul3A_377 = arith.muli %get3A_367, %mul3A_376 : vector<16xi32>
      %sub3A_378 = vector.broadcast %mul3A_149 : i32 to vector<16xi32>
      %sub3A_379 = arith.subi %get3A_361, %sub3A_378 : vector<16xi32>
      %add3A_380 = arith.addi %mul3A_377, %sub3A_379 : vector<16xi32>
      %jit3A_381 = arith.constant 2500 : i32
      %broadcast_in_dim3A_382 = vector.broadcast %jit3A_381 : i32 to vector<16xi32>
      %select_n3A_383 = arith.select %and3A_374, %add3A_380, %broadcast_in_dim3A_382 : vector<16xi1>, vector<16xi32>
      %swap3A_384 = arith.constant 0 : i64
      %swap3A_385 = arith.index_cast %swap3A_384 : i64 to index
      %swap3A_386 = arith.constant 48 : index
      %swap3A_387 = tpu.vector_load %arg11[%swap3A_385, %swap3A_386] {strides = array<i32>} : memref<1x128xi32, #tpu.memory_space<vmem>>, vector<1x16xi32>,
      %swap3A_388 = vector.shape_cast %swap3A_387 : vector<1x16xi32> to vector<16xi32>
      %swap3A_389 = vector.shape_cast %select_n3A_383 : vector<16xi32> to vector<1x16xi32>
      tpu.vector_store %arg11[%swap3A_385, %swap3A_386], %swap3A_389 {strides = array<i32>} : memref<1x128xi32, #tpu.memory_space<vmem>>, vector<1x16xi32>,
      %add3A_390 = arith.constant 128 : i32
      %add3A_391 = arith.constant 64 : i32
      %add3A_392 = arith.addi %add3A_390, %add3A_391 : i32
      %get3A_393 = arith.index_cast %add3A_392 : i32 to index
      %get3A_394 = tpu.vector_load %arg10[%get3A_393] {strides = array<i32>} : memref<384xi32, #tpu.memory_space<vmem>>, vector<16xi32>,
      %get3A_395 = vector.shape_cast %get3A_394 : vector<16xi32> to vector<16xi32>
      %add3A_396 = arith.constant 256 : i32
      %add3A_397 = arith.constant 64 : i32
      %add3A_398 = arith.addi %add3A_396, %add3A_397 : i32
      %get3A_399 = arith.index_cast %add3A_398 : i32 to index
      %get3A_400 = tpu.vector_load %arg10[%get3A_399] {strides = array<i32>} : memref<384xi32, #tpu.memory_space<vmem>>, vector<16xi32>,
      %get3A_401 = vector.shape_cast %get3A_400 : vector<16xi32> to vector<16xi32>
      %ge3A_402 = vector.broadcast %mul3A_149 : i32 to vector<16xi32>
      %ge3A_403 = arith.cmpi sge, %get3A_395, %ge3A_402 : vector<16xi32>
      %add3A_404 = arith.constant 2500 : i32
      %add3A_405 = arith.addi %mul3A_149, %add3A_404 : i32
      %lt3A_406 = vector.broadcast %add3A_405 : i32 to vector<16xi32>
      %lt3A_407 = arith.cmpi slt, %get3A_395, %lt3A_406 : vector<16xi32>
      %and3A_408 = arith.andi %ge3A_403, %lt3A_407 : vector<16xi1>
      %mul3A_409 = arith.constant 2560 : i32
      %mul3A_410 = vector.broadcast %mul3A_409 : i32 to vector<16xi32>
      %mul3A_411 = arith.muli %get3A_401, %mul3A_410 : vector<16xi32>
      %sub3A_412 = vector.broadcast %mul3A_149 : i32 to vector<16xi32>
      %sub3A_413 = arith.subi %get3A_395, %sub3A_412 : vector<16xi32>
      %add3A_414 = arith.addi %mul3A_411, %sub3A_413 : vector<16xi32>
      %jit3A_415 = arith.constant 2500 : i32
      %broadcast_in_dim3A_416 = vector.broadcast %jit3A_415 : i32 to vector<16xi32>
      %select_n3A_417 = arith.select %and3A_408, %add3A_414, %broadcast_in_dim3A_416 : vector<16xi1>, vector<16xi32>
      %swap3A_418 = arith.constant 0 : i64
      %swap3A_419 = arith.index_cast %swap3A_418 : i64 to index
      %swap3A_420 = arith.constant 64 : index
      %swap3A_421 = tpu.vector_load %arg11[%swap3A_419, %swap3A_420] {strides = array<i32>} : memref<1x128xi32, #tpu.memory_space<vmem>>, vector<1x16xi32>,
      %swap3A_422 = vector.shape_cast %swap3A_421 : vector<1x16xi32> to vector<16xi32>
      %swap3A_423 = vector.shape_cast %select_n3A_417 : vector<16xi32> to vector<1x16xi32>
      tpu.vector_store %arg11[%swap3A_419, %swap3A_420], %swap3A_423 {strides = array<i32>} : memref<1x128xi32, #tpu.memory_space<vmem>>, vector<1x16xi32>,
      %add3A_424 = arith.constant 128 : i32
      %add3A_425 = arith.constant 80 : i32
      %add3A_426 = arith.addi %add3A_424, %add3A_425 : i32
      %get3A_427 = arith.index_cast %add3A_426 : i32 to index
      %get3A_428 = tpu.vector_load %arg10[%get3A_427] {strides = array<i32>} : memref<384xi32, #tpu.memory_space<vmem>>, vector<16xi32>,
      %get3A_429 = vector.shape_cast %get3A_428 : vector<16xi32> to vector<16xi32>
      %add3A_430 = arith.constant 256 : i32
      %add3A_431 = arith.constant 80 : i32
      %add3A_432 = arith.addi %add3A_430, %add3A_431 : i32
      %get3A_433 = arith.index_cast %add3A_432 : i32 to index
      %get3A_434 = tpu.vector_load %arg10[%get3A_433] {strides = array<i32>} : memref<384xi32, #tpu.memory_space<vmem>>, vector<16xi32>,
      %get3A_435 = vector.shape_cast %get3A_434 : vector<16xi32> to vector<16xi32>
      %ge3A_436 = vector.broadcast %mul3A_149 : i32 to vector<16xi32>
      %ge3A_437 = arith.cmpi sge, %get3A_429, %ge3A_436 : vector<16xi32>
      %add3A_438 = arith.constant 2500 : i32
      %add3A_439 = arith.addi %mul3A_149, %add3A_438 : i32
      %lt3A_440 = vector.broadcast %add3A_439 : i32 to vector<16xi32>
      %lt3A_441 = arith.cmpi slt, %get3A_429, %lt3A_440 : vector<16xi32>
      %and3A_442 = arith.andi %ge3A_437, %lt3A_441 : vector<16xi1>
      %mul3A_443 = arith.constant 2560 : i32
      %mul3A_444 = vector.broadcast %mul3A_443 : i32 to vector<16xi32>
      %mul3A_445 = arith.muli %get3A_435, %mul3A_444 : vector<16xi32>
      %sub3A_446 = vector.broadcast %mul3A_149 : i32 to vector<16xi32>
      %sub3A_447 = arith.subi %get3A_429, %sub3A_446 : vector<16xi32>
      %add3A_448 = arith.addi %mul3A_445, %sub3A_447 : vector<16xi32>
      %jit3A_449 = arith.constant 2500 : i32
      %broadcast_in_dim3A_450 = vector.broadcast %jit3A_449 : i32 to vector<16xi32>
      %select_n3A_451 = arith.select %and3A_442, %add3A_448, %broadcast_in_dim3A_450 : vector<16xi1>, vector<16xi32>
      %swap3A_452 = arith.constant 0 : i64
      %swap3A_453 = arith.index_cast %swap3A_452 : i64 to index
      %swap3A_454 = arith.constant 80 : index
      %swap3A_455 = tpu.vector_load %arg11[%swap3A_453, %swap3A_454] {strides = array<i32>} : memref<1x128xi32, #tpu.memory_space<vmem>>, vector<1x16xi32>,
      %swap3A_456 = vector.shape_cast %swap3A_455 : vector<1x16xi32> to vector<16xi32>
      %swap3A_457 = vector.shape_cast %select_n3A_451 : vector<16xi32> to vector<1x16xi32>
      tpu.vector_store %arg11[%swap3A_453, %swap3A_454], %swap3A_457 {strides = array<i32>} : memref<1x128xi32, #tpu.memory_space<vmem>>, vector<1x16xi32>,
      %add3A_458 = arith.constant 128 : i32
      %add3A_459 = arith.constant 96 : i32
      %add3A_460 = arith.addi %add3A_458, %add3A_459 : i32
      %get3A_461 = arith.index_cast %add3A_460 : i32 to index
      %get3A_462 = tpu.vector_load %arg10[%get3A_461] {strides = array<i32>} : memref<384xi32, #tpu.memory_space<vmem>>, vector<16xi32>,
      %get3A_463 = vector.shape_cast %get3A_462 : vector<16xi32> to vector<16xi32>
      %add3A_464 = arith.constant 256 : i32
      %add3A_465 = arith.constant 96 : i32
      %add3A_466 = arith.addi %add3A_464, %add3A_465 : i32
      %get3A_467 = arith.index_cast %add3A_466 : i32 to index
      %get3A_468 = tpu.vector_load %arg10[%get3A_467] {strides = array<i32>} : memref<384xi32, #tpu.memory_space<vmem>>, vector<16xi32>,
      %get3A_469 = vector.shape_cast %get3A_468 : vector<16xi32> to vector<16xi32>
      %ge3A_470 = vector.broadcast %mul3A_149 : i32 to vector<16xi32>
      %ge3A_471 = arith.cmpi sge, %get3A_463, %ge3A_470 : vector<16xi32>
      %add3A_472 = arith.constant 2500 : i32
      %add3A_473 = arith.addi %mul3A_149, %add3A_472 : i32
      %lt3A_474 = vector.broadcast %add3A_473 : i32 to vector<16xi32>
      %lt3A_475 = arith.cmpi slt, %get3A_463, %lt3A_474 : vector<16xi32>
      %and3A_476 = arith.andi %ge3A_471, %lt3A_475 : vector<16xi1>
      %mul3A_477 = arith.constant 2560 : i32
      %mul3A_478 = vector.broadcast %mul3A_477 : i32 to vector<16xi32>
      %mul3A_479 = arith.muli %get3A_469, %mul3A_478 : vector<16xi32>
      %sub3A_480 = vector.broadcast %mul3A_149 : i32 to vector<16xi32>
      %sub3A_481 = arith.subi %get3A_463, %sub3A_480 : vector<16xi32>
      %add3A_482 = arith.addi %mul3A_479, %sub3A_481 : vector<16xi32>
      %jit3A_483 = arith.constant 2500 : i32
      %broadcast_in_dim3A_484 = vector.broadcast %jit3A_483 : i32 to vector<16xi32>
      %select_n3A_485 = arith.select %and3A_476, %add3A_482, %broadcast_in_dim3A_484 : vector<16xi1>, vector<16xi32>
      %swap3A_486 = arith.constant 0 : i64
      %swap3A_487 = arith.index_cast %swap3A_486 : i64 to index
      %swap3A_488 = arith.constant 96 : index
      %swap3A_489 = tpu.vector_load %arg11[%swap3A_487, %swap3A_488] {strides = array<i32>} : memref<1x128xi32, #tpu.memory_space<vmem>>, vector<1x16xi32>,
      %swap3A_490 = vector.shape_cast %swap3A_489 : vector<1x16xi32> to vector<16xi32>
      %swap3A_491 = vector.shape_cast %select_n3A_485 : vector<16xi32> to vector<1x16xi32>
      tpu.vector_store %arg11[%swap3A_487, %swap3A_488], %swap3A_491 {strides = array<i32>} : memref<1x128xi32, #tpu.memory_space<vmem>>, vector<1x16xi32>,
      %add3A_492 = arith.constant 128 : i32
      %add3A_493 = arith.constant 112 : i32
      %add3A_494 = arith.addi %add3A_492, %add3A_493 : i32
      %get3A_495 = arith.index_cast %add3A_494 : i32 to index
      %get3A_496 = tpu.vector_load %arg10[%get3A_495] {strides = array<i32>} : memref<384xi32, #tpu.memory_space<vmem>>, vector<16xi32>,
      %get3A_497 = vector.shape_cast %get3A_496 : vector<16xi32> to vector<16xi32>
      %add3A_498 = arith.constant 256 : i32
      %add3A_499 = arith.constant 112 : i32
      %add3A_500 = arith.addi %add3A_498, %add3A_499 : i32
      %get3A_501 = arith.index_cast %add3A_500 : i32 to index
      %get3A_502 = tpu.vector_load %arg10[%get3A_501] {strides = array<i32>} : memref<384xi32, #tpu.memory_space<vmem>>, vector<16xi32>,
      %get3A_503 = vector.shape_cast %get3A_502 : vector<16xi32> to vector<16xi32>
      %ge3A_504 = vector.broadcast %mul3A_149 : i32 to vector<16xi32>
      %ge3A_505 = arith.cmpi sge, %get3A_497, %ge3A_504 : vector<16xi32>
      %add3A_506 = arith.constant 2500 : i32
      %add3A_507 = arith.addi %mul3A_149, %add3A_506 : i32
      %lt3A_508 = vector.broadcast %add3A_507 : i32 to vector<16xi32>
      %lt3A_509 = arith.cmpi slt, %get3A_497, %lt3A_508 : vector<16xi32>
      %and3A_510 = arith.andi %ge3A_505, %lt3A_509 : vector<16xi1>
      %mul3A_511 = arith.constant 2560 : i32
      %mul3A_512 = vector.broadcast %mul3A_511 : i32 to vector<16xi32>
      %mul3A_513 = arith.muli %get3A_503, %mul3A_512 : vector<16xi32>
      %sub3A_514 = vector.broadcast %mul3A_149 : i32 to vector<16xi32>
      %sub3A_515 = arith.subi %get3A_497, %sub3A_514 : vector<16xi32>
      %add3A_516 = arith.addi %mul3A_513, %sub3A_515 : vector<16xi32>
      %jit3A_517 = arith.constant 2500 : i32
      %broadcast_in_dim3A_518 = vector.broadcast %jit3A_517 : i32 to vector<16xi32>
      %select_n3A_519 = arith.select %and3A_510, %add3A_516, %broadcast_in_dim3A_518 : vector<16xi1>, vector<16xi32>
      %swap3A_520 = arith.constant 0 : i64
      %swap3A_521 = arith.index_cast %swap3A_520 : i64 to index
      %swap3A_522 = arith.constant 112 : index
      %swap3A_523 = tpu.vector_load %arg11[%swap3A_521, %swap3A_522] {strides = array<i32>} : memref<1x128xi32, #tpu.memory_space<vmem>>, vector<1x16xi32>,
      %swap3A_524 = vector.shape_cast %swap3A_523 : vector<1x16xi32> to vector<16xi32>
      %swap3A_525 = vector.shape_cast %select_n3A_519 : vector<16xi32> to vector<1x16xi32>
      tpu.vector_store %arg11[%swap3A_521, %swap3A_522], %swap3A_525 {strides = array<i32>} : memref<1x128xi32, #tpu.memory_space<vmem>>, vector<1x16xi32>,
      "tpu.region"() ({
        %run_scoped3A_528 = tpu.sem_alloc : memref<!tpu.dma_semaphore, #tpu.memory_space<semaphore_mem>>
        %dma_start3A = arith.constant 0 : i32
        %dma_start3A_529 = tpu.memref_slice %arg10[%dma_start3A] : memref<384xi32, #tpu.memory_space<vmem>> -> memref<128xi32, #tpu.memory_space<vmem>>
        %dma_start3A_530 = arith.constant 0 : i32
        %dma_start3A_531 = arith.constant 0 : i32
        %dma_start3A_532 = tpu.memref_slice %arg2[%dma_start3A_530, %dma_start3A_531] : memref<10000x128xf32, #tpu.memory_space<hbm>> -> memref<10000x128xf32, #tpu.memory_space<hbm>>
        tpu.enqueue_indirect_dma source(%dma_start3A_532 : memref<10000x128xf32, #tpu.memory_space<hbm>>) target(%arg12 : memref<128x128xf32, #tpu.memory_space<vmem>>) offsets(%dma_start3A_529 : memref<128xi32, #tpu.memory_space<vmem>>) semaphore(%run_scoped3A_528 : memref<!tpu.dma_semaphore, #tpu.memory_space<semaphore_mem>>)
        %dma_wait3A = arith.constant 0 : i32
        %dma_wait3A_533 = tpu.memref_slice %arg10[%dma_wait3A] : memref<384xi32, #tpu.memory_space<vmem>> -> memref<128xi32, #tpu.memory_space<vmem>>
        %dma_wait3A_534 = arith.constant 0 : i32
        %dma_wait3A_535 = arith.constant 0 : i32
        %dma_wait3A_536 = tpu.memref_slice %arg2[%dma_wait3A_534, %dma_wait3A_535] : memref<10000x128xf32, #tpu.memory_space<hbm>> -> memref<10000x128xf32, #tpu.memory_space<hbm>>
        tpu.wait_indirect_dma semaphore(%run_scoped3A_528 : memref<!tpu.dma_semaphore, #tpu.memory_space<semaphore_mem>>) src(%dma_wait3A_536 : memref<10000x128xf32, #tpu.memory_space<hbm>>) dst(%arg12 : memref<128x128xf32, #tpu.memory_space<vmem>>)
        tpu.yield
      }) : () -> ()
      %run_scoped3A_526 = arith.constant 0 : i32
      "tpu.region"() ({
        %run_scoped3A_528 = tpu.sem_alloc : memref<!tpu.dma_semaphore, #tpu.memory_space<semaphore_mem>>
        %dma_start3A = arith.constant 0 : i32
        %dma_start3A_529 = tpu.memref_slice %arg11[%run_scoped3A_526, %dma_start3A] : memref<1x128xi32, #tpu.memory_space<vmem>> -> memref<1x128xi32, #tpu.memory_space<vmem>>
        %dma_start3A_530 = tpu.memref_squeeze %dma_start3A_529 : memref<1x128xi32, #tpu.memory_space<vmem>> -> memref<128xi32, #tpu.memory_space<vmem>>
        %dma_start3A_531 = arith.constant 0 : i32
        %dma_start3A_532 = arith.constant 0 : i32
        %dma_start3A_533 = tpu.memref_slice %arg6[%dma_start3A_531, %dma_start3A_532] : memref<7680x128xf32, #tpu.memory_space<vmem_shared>> -> memref<7680x128xf32, #tpu.memory_space<vmem_shared>>
        tpu.enqueue_indirect_dma source(%arg12 : memref<128x128xf32, #tpu.memory_space<vmem>>) target(%dma_start3A_533 : memref<7680x128xf32, #tpu.memory_space<vmem_shared>>) offsets(%dma_start3A_530 : memref<128xi32, #tpu.memory_space<vmem>>) semaphore(%run_scoped3A_528 : memref<!tpu.dma_semaphore, #tpu.memory_space<semaphore_mem>>) {add = true}
        %dma_wait3A = arith.constant 0 : i32
        %dma_wait3A_534 = tpu.memref_slice %arg11[%run_scoped3A_526, %dma_wait3A] : memref<1x128xi32, #tpu.memory_space<vmem>> -> memref<1x128xi32, #tpu.memory_space<vmem>>
        %dma_wait3A_535 = tpu.memref_squeeze %dma_wait3A_534 : memref<1x128xi32, #tpu.memory_space<vmem>> -> memref<128xi32, #tpu.memory_space<vmem>>
        %dma_wait3A_536 = arith.constant 0 : i32
        %dma_wait3A_537 = arith.constant 0 : i32
        %dma_wait3A_538 = tpu.memref_slice %arg6[%dma_wait3A_536, %dma_wait3A_537] : memref<7680x128xf32, #tpu.memory_space<vmem_shared>> -> memref<7680x128xf32, #tpu.memory_space<vmem_shared>>
        tpu.wait_indirect_dma semaphore(%run_scoped3A_528 : memref<!tpu.dma_semaphore, #tpu.memory_space<semaphore_mem>>) src(%arg12 : memref<128x128xf32, #tpu.memory_space<vmem>>) dst(%dma_wait3A_538 : memref<7680x128xf32, #tpu.memory_space<vmem_shared>>)
        tpu.yield
      }) : () -> ()
      %run_scoped3A_527 = arith.constant 0 : i32
      "tpu.region"() ({
        %run_scoped3A_528 = tpu.sem_alloc : memref<!tpu.dma_semaphore, #tpu.memory_space<semaphore_mem>>
        %dma_start3A = arith.constant 0 : i32
        %dma_start3A_529 = tpu.memref_slice %arg11[%run_scoped3A_527, %dma_start3A] : memref<1x128xi32, #tpu.memory_space<vmem>> -> memref<1x128xi32, #tpu.memory_space<vmem>>
        %dma_start3A_530 = tpu.memref_squeeze %dma_start3A_529 : memref<1x128xi32, #tpu.memory_space<vmem>> -> memref<128xi32, #tpu.memory_space<vmem>>
        %dma_start3A_531 = arith.constant 0 : i32
        %dma_start3A_532 = tpu.memref_slice %arg7[%dma_start3A_531] : memref<7680xf32, #tpu.memory_space<vmem_shared>> -> memref<7680xf32, #tpu.memory_space<vmem_shared>>
        tpu.enqueue_indirect_dma source(%arg9 : memref<128xf32, #tpu.memory_space<vmem>>) target(%dma_start3A_532 : memref<7680xf32, #tpu.memory_space<vmem_shared>>) offsets(%dma_start3A_530 : memref<128xi32, #tpu.memory_space<vmem>>) semaphore(%run_scoped3A_528 : memref<!tpu.dma_semaphore, #tpu.memory_space<semaphore_mem>>) {add = true}
        %dma_wait3A = arith.constant 0 : i32
        %dma_wait3A_533 = tpu.memref_slice %arg11[%run_scoped3A_527, %dma_wait3A] : memref<1x128xi32, #tpu.memory_space<vmem>> -> memref<1x128xi32, #tpu.memory_space<vmem>>
        %dma_wait3A_534 = tpu.memref_squeeze %dma_wait3A_533 : memref<1x128xi32, #tpu.memory_space<vmem>> -> memref<128xi32, #tpu.memory_space<vmem>>
        %dma_wait3A_535 = arith.constant 0 : i32
        %dma_wait3A_536 = tpu.memref_slice %arg7[%dma_wait3A_535] : memref<7680xf32, #tpu.memory_space<vmem_shared>> -> memref<7680xf32, #tpu.memory_space<vmem_shared>>
        tpu.wait_indirect_dma semaphore(%run_scoped3A_528 : memref<!tpu.dma_semaphore, #tpu.memory_space<semaphore_mem>>) src(%arg9 : memref<128xf32, #tpu.memory_space<vmem>>) dst(%dma_wait3A_536 : memref<7680xf32, #tpu.memory_space<vmem_shared>>)
        tpu.yield
      }) : () -> ()
    }
    %barrier3A_220 = arith.constant 0 : index
    tpu.barrier barrier_id(%barrier3A_220)
    %mul3A_221 = arith.constant 160 : i32
    %mul3A_222 = arith.muli %arg1, %mul3A_221 : i32
    %add3A_223 = arith.constant 0 : i32
    %add3A_224 = arith.addi %add3A_223, %mul3A_222 : i32
    %mul3A_225 = arith.constant 2560 : i32
    %mul3A_226 = arith.muli %add3A_147, %mul3A_225 : i32
    %mul3A_227 = arith.constant 160 : i32
    %mul3A_228 = arith.muli %arg1, %mul3A_227 : i32
    %add3A_229 = arith.addi %mul3A_226, %mul3A_228 : i32
    %run_scoped3A_230 = arith.constant 0 : i32
    "tpu.region"() ({
      %run_scoped3A_256 = tpu.sem_alloc : memref<!tpu.dma_semaphore, #tpu.memory_space<semaphore_mem>>
      %dma_start3A = arith.constant 0 : i32
      %dma_start3A_257 = arith.constant 0 : i32
      %dma_start3A_258 = tpu.memref_slice %arg4[%run_scoped3A_230, %dma_start3A, %dma_start3A_257] : memref<3x10240x128xf32, #tpu.memory_space<hbm>> -> memref<1x10240x128xf32, #tpu.memory_space<hbm>>
      %dma_start3A_259 = tpu.memref_squeeze %dma_start3A_258 : memref<1x10240x128xf32, #tpu.memory_space<hbm>> -> memref<10240x128xf32, #tpu.memory_space<hbm>>
      %dma_start3A_260 = arith.constant 0 : i32
      %dma_start3A_261 = tpu.memref_slice %dma_start3A_259[%add3A_229, %dma_start3A_260] : memref<10240x128xf32, #tpu.memory_space<hbm>> -> memref<160x128xf32, #tpu.memory_space<hbm>>
      %dma_start3A_262 = arith.constant 0 : i32
      %dma_start3A_263 = tpu.memref_slice %arg6[%add3A_224, %dma_start3A_262] : memref<7680x128xf32, #tpu.memory_space<vmem_shared>> -> memref<160x128xf32, #tpu.memory_space<vmem_shared>>
      tpu.enqueue_dma source(%dma_start3A_263 : memref<160x128xf32, #tpu.memory_space<vmem_shared>>) target(%dma_start3A_261 : memref<160x128xf32, #tpu.memory_space<hbm>>) target_semaphore(%run_scoped3A_256 : memref<!tpu.dma_semaphore, #tpu.memory_space<semaphore_mem>>)
      %dma_wait3A = arith.constant 0 : i32
      %dma_wait3A_264 = arith.constant 0 : i32
      %dma_wait3A_265 = tpu.memref_slice %arg4[%run_scoped3A_230, %dma_wait3A, %dma_wait3A_264] : memref<3x10240x128xf32, #tpu.memory_space<hbm>> -> memref<1x10240x128xf32, #tpu.memory_space<hbm>>
      %dma_wait3A_266 = tpu.memref_squeeze %dma_wait3A_265 : memref<1x10240x128xf32, #tpu.memory_space<hbm>> -> memref<10240x128xf32, #tpu.memory_space<hbm>>
      %dma_wait3A_267 = arith.constant 0 : i32
      %dma_wait3A_268 = tpu.memref_slice %dma_wait3A_266[%add3A_229, %dma_wait3A_267] : memref<10240x128xf32, #tpu.memory_space<hbm>> -> memref<160x128xf32, #tpu.memory_space<hbm>>
      %dma_wait3A_269 = arith.constant 0 : i32
      %dma_wait3A_270 = tpu.memref_slice %arg6[%add3A_224, %dma_wait3A_269] : memref<7680x128xf32, #tpu.memory_space<vmem_shared>> -> memref<160x128xf32, #tpu.memory_space<vmem_shared>>
      tpu.wait_dma2 semaphore(%run_scoped3A_256 : memref<!tpu.dma_semaphore, #tpu.memory_space<semaphore_mem>>) src(%dma_wait3A_270 : memref<160x128xf32, #tpu.memory_space<vmem_shared>>) dst(%dma_wait3A_268 : memref<160x128xf32, #tpu.memory_space<hbm>>)
      tpu.yield
    }) : () -> ()
    %mul3A_231 = arith.constant 160 : i32
    %mul3A_232 = arith.muli %arg1, %mul3A_231 : i32
    %add3A_233 = arith.constant 2560 : i32
    %add3A_234 = arith.addi %add3A_233, %mul3A_232 : i32
    %mul3A_235 = arith.constant 2560 : i32
    %mul3A_236 = arith.muli %add3A_147, %mul3A_235 : i32
    %mul3A_237 = arith.constant 160 : i32
    %mul3A_238 = arith.muli %arg1, %mul3A_237 : i32
    %add3A_239 = arith.addi %mul3A_236, %mul3A_238 : i32
    %run_scoped3A_240 = arith.constant 1 : i32
    "tpu.region"() ({
      %run_scoped3A_256 = tpu.sem_alloc : memref<!tpu.dma_semaphore, #tpu.memory_space<semaphore_mem>>
      %dma_start3A = arith.constant 0 : i32
      %dma_start3A_257 = arith.constant 0 : i32
      %dma_start3A_258 = tpu.memref_slice %arg4[%run_scoped3A_240, %dma_start3A, %dma_start3A_257] : memref<3x10240x128xf32, #tpu.memory_space<hbm>> -> memref<1x10240x128xf32, #tpu.memory_space<hbm>>
      %dma_start3A_259 = tpu.memref_squeeze %dma_start3A_258 : memref<1x10240x128xf32, #tpu.memory_space<hbm>> -> memref<10240x128xf32, #tpu.memory_space<hbm>>
      %dma_start3A_260 = arith.constant 0 : i32
      %dma_start3A_261 = tpu.memref_slice %dma_start3A_259[%add3A_239, %dma_start3A_260] : memref<10240x128xf32, #tpu.memory_space<hbm>> -> memref<160x128xf32, #tpu.memory_space<hbm>>
      %dma_start3A_262 = arith.constant 0 : i32
      %dma_start3A_263 = tpu.memref_slice %arg6[%add3A_234, %dma_start3A_262] : memref<7680x128xf32, #tpu.memory_space<vmem_shared>> -> memref<160x128xf32, #tpu.memory_space<vmem_shared>>
      tpu.enqueue_dma source(%dma_start3A_263 : memref<160x128xf32, #tpu.memory_space<vmem_shared>>) target(%dma_start3A_261 : memref<160x128xf32, #tpu.memory_space<hbm>>) target_semaphore(%run_scoped3A_256 : memref<!tpu.dma_semaphore, #tpu.memory_space<semaphore_mem>>)
      %dma_wait3A = arith.constant 0 : i32
      %dma_wait3A_264 = arith.constant 0 : i32
      %dma_wait3A_265 = tpu.memref_slice %arg4[%run_scoped3A_240, %dma_wait3A, %dma_wait3A_264] : memref<3x10240x128xf32, #tpu.memory_space<hbm>> -> memref<1x10240x128xf32, #tpu.memory_space<hbm>>
      %dma_wait3A_266 = tpu.memref_squeeze %dma_wait3A_265 : memref<1x10240x128xf32, #tpu.memory_space<hbm>> -> memref<10240x128xf32, #tpu.memory_space<hbm>>
      %dma_wait3A_267 = arith.constant 0 : i32
      %dma_wait3A_268 = tpu.memref_slice %dma_wait3A_266[%add3A_239, %dma_wait3A_267] : memref<10240x128xf32, #tpu.memory_space<hbm>> -> memref<160x128xf32, #tpu.memory_space<hbm>>
      %dma_wait3A_269 = arith.constant 0 : i32
      %dma_wait3A_270 = tpu.memref_slice %arg6[%add3A_234, %dma_wait3A_269] : memref<7680x128xf32, #tpu.memory_space<vmem_shared>> -> memref<160x128xf32, #tpu.memory_space<vmem_shared>>
      tpu.wait_dma2 semaphore(%run_scoped3A_256 : memref<!tpu.dma_semaphore, #tpu.memory_space<semaphore_mem>>) src(%dma_wait3A_270 : memref<160x128xf32, #tpu.memory_space<vmem_shared>>) dst(%dma_wait3A_268 : memref<160x128xf32, #tpu.memory_space<hbm>>)
      tpu.yield
    }) : () -> ()
    %mul3A_241 = arith.constant 160 : i32
    %mul3A_242 = arith.muli %arg1, %mul3A_241 : i32
    %add3A_243 = arith.constant 5120 : i32
    %add3A_244 = arith.addi %add3A_243, %mul3A_242 : i32
    %mul3A_245 = arith.constant 2560 : i32
    %mul3A_246 = arith.muli %add3A_147, %mul3A_245 : i32
    %mul3A_247 = arith.constant 160 : i32
    %mul3A_248 = arith.muli %arg1, %mul3A_247 : i32
    %add3A_249 = arith.addi %mul3A_246, %mul3A_248 : i32
    %run_scoped3A_250 = arith.constant 2 : i32
    "tpu.region"() ({
      %run_scoped3A_256 = tpu.sem_alloc : memref<!tpu.dma_semaphore, #tpu.memory_space<semaphore_mem>>
      %dma_start3A = arith.constant 0 : i32
      %dma_start3A_257 = arith.constant 0 : i32
      %dma_start3A_258 = tpu.memref_slice %arg4[%run_scoped3A_250, %dma_start3A, %dma_start3A_257] : memref<3x10240x128xf32, #tpu.memory_space<hbm>> -> memref<1x10240x128xf32, #tpu.memory_space<hbm>>
      %dma_start3A_259 = tpu.memref_squeeze %dma_start3A_258 : memref<1x10240x128xf32, #tpu.memory_space<hbm>> -> memref<10240x128xf32, #tpu.memory_space<hbm>>
      %dma_start3A_260 = arith.constant 0 : i32
      %dma_start3A_261 = tpu.memref_slice %dma_start3A_259[%add3A_249, %dma_start3A_260] : memref<10240x128xf32, #tpu.memory_space<hbm>> -> memref<160x128xf32, #tpu.memory_space<hbm>>
      %dma_start3A_262 = arith.constant 0 : i32
      %dma_start3A_263 = tpu.memref_slice %arg6[%add3A_244, %dma_start3A_262] : memref<7680x128xf32, #tpu.memory_space<vmem_shared>> -> memref<160x128xf32, #tpu.memory_space<vmem_shared>>
      tpu.enqueue_dma source(%dma_start3A_263 : memref<160x128xf32, #tpu.memory_space<vmem_shared>>) target(%dma_start3A_261 : memref<160x128xf32, #tpu.memory_space<hbm>>) target_semaphore(%run_scoped3A_256 : memref<!tpu.dma_semaphore, #tpu.memory_space<semaphore_mem>>)
      %dma_wait3A = arith.constant 0 : i32
      %dma_wait3A_264 = arith.constant 0 : i32
      %dma_wait3A_265 = tpu.memref_slice %arg4[%run_scoped3A_250, %dma_wait3A, %dma_wait3A_264] : memref<3x10240x128xf32, #tpu.memory_space<hbm>> -> memref<1x10240x128xf32, #tpu.memory_space<hbm>>
      %dma_wait3A_266 = tpu.memref_squeeze %dma_wait3A_265 : memref<1x10240x128xf32, #tpu.memory_space<hbm>> -> memref<10240x128xf32, #tpu.memory_space<hbm>>
      %dma_wait3A_267 = arith.constant 0 : i32
      %dma_wait3A_268 = tpu.memref_slice %dma_wait3A_266[%add3A_249, %dma_wait3A_267] : memref<10240x128xf32, #tpu.memory_space<hbm>> -> memref<160x128xf32, #tpu.memory_space<hbm>>
      %dma_wait3A_269 = arith.constant 0 : i32
      %dma_wait3A_270 = tpu.memref_slice %arg6[%add3A_244, %dma_wait3A_269] : memref<7680x128xf32, #tpu.memory_space<vmem_shared>> -> memref<160x128xf32, #tpu.memory_space<vmem_shared>>
      tpu.wait_dma2 semaphore(%run_scoped3A_256 : memref<!tpu.dma_semaphore, #tpu.memory_space<semaphore_mem>>) src(%dma_wait3A_270 : memref<160x128xf32, #tpu.memory_space<vmem_shared>>) dst(%dma_wait3A_268 : memref<160x128xf32, #tpu.memory_space<hbm>>)
      tpu.yield
    }) : () -> ()
    %lt3A_251 = arith.constant 6 : i32
    %lt3A_252 = arith.cmpi slt, %arg1, %lt3A_251 : i32
    %convert_element_type3A_253 = arith.extui %lt3A_252 : i1 to i32
    %cond3A_254 = arith.constant 0 : i32
    %cond3A_255 = arith.cmpi ne, %convert_element_type3A_253, %cond3A_254 : i32
    scf.if %cond3A_255 {
      %mul3A_256 = arith.constant 1280 : i32
      %mul3A_257 = arith.muli %arg1, %mul3A_256 : i32
      %multiple_of3A = tpu.assume_multiple %mul3A_257, 128 : i32
      %jit3A = arith.constant 2 : i32
      %div3A_258 = arith.divsi %arg1, %jit3A : i32
      %sign3A = arith.constant 0 : i32
      %sign3A_259 = arith.cmpi sgt, %arg1, %sign3A : i32
      %sign3A_260 = arith.extui %sign3A_259 : i1 to i32
      %sign3A_261 = arith.constant 0 : i32
      %sign3A_262 = arith.cmpi slt, %arg1, %sign3A_261 : i32
      %sign3A_263 = arith.extui %sign3A_262 : i1 to i32
      %sign3A_264 = arith.subi %sign3A_260, %sign3A_263 : i32
      %sign3A_265 = arith.constant 0 : i32
      %sign3A_266 = arith.cmpi sgt, %jit3A, %sign3A_265 : i32
      %sign3A_267 = arith.extui %sign3A_266 : i1 to i32
      %sign3A_268 = arith.constant 0 : i32
      %sign3A_269 = arith.cmpi slt, %jit3A, %sign3A_268 : i32
      %sign3A_270 = arith.extui %sign3A_269 : i1 to i32
      %sign3A_271 = arith.subi %sign3A_267, %sign3A_270 : i32
      %ne3A = arith.cmpi ne, %sign3A_264, %sign3A_271 : i32
      %rem3A = arith.remsi %arg1, %jit3A : i32
      %ne3A_272 = arith.constant 0 : i32
      %ne3A_273 = arith.cmpi ne, %rem3A, %ne3A_272 : i32
      %and3A = arith.andi %ne3A, %ne3A_273 : i1
      %sub3A_274 = arith.constant 1 : i32
      %sub3A_275 = arith.subi %div3A_258, %sub3A_274 : i32
      %select_n3A = arith.select %and3A, %sub3A_275, %div3A_258 : i32
      %mul3A_276 = arith.constant 2 : i32
      %mul3A_277 = arith.muli %select_n3A, %mul3A_276 : i32
      %sub3A_278 = arith.subi %arg1, %mul3A_277 : i32
      %mul3A_279 = arith.constant 10240 : i32
      %mul3A_280 = arith.muli %select_n3A, %mul3A_279 : i32
      %mul3A_281 = arith.constant 2560 : i32
      %mul3A_282 = arith.muli %add3A_147, %mul3A_281 : i32
      %add3A_283 = arith.addi %mul3A_280, %mul3A_282 : i32
      %mul3A_284 = arith.constant 1280 : i32
      %mul3A_285 = arith.muli %sub3A_278, %mul3A_284 : i32
      %add3A_286 = arith.addi %add3A_283, %mul3A_285 : i32
      %multiple_of3A_287 = tpu.assume_multiple %add3A_286, 128 : i32
      "tpu.region"() ({
        %run_scoped3A_288 = tpu.sem_alloc : memref<!tpu.dma_semaphore, #tpu.memory_space<semaphore_mem>>
        %dma_start3A = tpu.memref_slice %arg5[%multiple_of3A_287] : memref<30720xf32, #tpu.memory_space<hbm>> -> memref<1280xf32, #tpu.memory_space<hbm>>
        %dma_start3A_289 = tpu.memref_slice %arg7[%multiple_of3A] : memref<7680xf32, #tpu.memory_space<vmem_shared>> -> memref<1280xf32, #tpu.memory_space<vmem_shared>>
        tpu.enqueue_dma source(%dma_start3A_289 : memref<1280xf32, #tpu.memory_space<vmem_shared>>) target(%dma_start3A : memref<1280xf32, #tpu.memory_space<hbm>>) target_semaphore(%run_scoped3A_288 : memref<!tpu.dma_semaphore, #tpu.memory_space<semaphore_mem>>)
        %dma_wait3A = tpu.memref_slice %arg5[%multiple_of3A_287] : memref<30720xf32, #tpu.memory_space<hbm>> -> memref<1280xf32, #tpu.memory_space<hbm>>
        %dma_wait3A_290 = tpu.memref_slice %arg7[%multiple_of3A] : memref<7680xf32, #tpu.memory_space<vmem_shared>> -> memref<1280xf32, #tpu.memory_space<vmem_shared>>
        tpu.wait_dma2 semaphore(%run_scoped3A_288 : memref<!tpu.dma_semaphore, #tpu.memory_space<semaphore_mem>>) src(%dma_wait3A_290 : memref<1280xf32, #tpu.memory_space<vmem_shared>>) dst(%dma_wait3A : memref<1280xf32, #tpu.memory_space<hbm>>)
        tpu.yield
      }) : () -> ()
    } else {
    }
    return
  }
}

module attributes {stable_mosaic.version = 14 : i64} {
  func.func @_tc_body(%arg0: i32, %arg1: memref<3x1024x128xf32, #tpu.memory_space<vmem>>, %arg2: memref<3x1024xf32, #tpu.memory_space<vmem>>, %arg3: memref<1024x128xf32, #tpu.memory_space<vmem>>, %arg4: memref<3x128x128xf32, #tpu.memory_space<vmem>>, %arg5: memref<128x128xf32, #tpu.memory_space<vmem>>, %arg6: memref<1x128xf32, #tpu.memory_space<vmem>>, %arg7: memref<1024x128xf32, #tpu.memory_space<vmem>>) attributes {dimension_semantics = [#tpu.dimension_semantics<arbitrary>], iteration_bounds = array<i64: 10>, scalar_prefetch = 0 : i64, scratch_operands = 0 : i64, tpu.core_type = #tpu.core_type<tc>, window_params = [{transform_indices = @transform_0, window_bounds = array<i64: 3, 1024, 128>}, {transform_indices = @transform_1, window_bounds = array<i64: 3, 1024>}, {transform_indices = @transform_2, window_bounds = array<i64: 1024, 128>}, {transform_indices = @transform_3, window_bounds = array<i64: 3, 128, 128>}, {transform_indices = @transform_4, window_bounds = array<i64: 128, 128>}, {transform_indices = @transform_5, window_bounds = array<i64: 1, 128>}, {transform_indices = @transform_6, window_bounds = array<i64: 1024, 128>}]} {
    %get3A = arith.constant 0 : index
    %get3A_0 = arith.constant 0 : index
    %get3A_1 = vector.load %arg3[%get3A, %get3A_0] : memref<1024x128xf32, #tpu.memory_space<vmem>>, vector<1024x128xf32>
    %get3A_2 = arith.constant 0 : index
    %get3A_3 = arith.constant 0 : index
    %get3A_4 = vector.load %arg5[%get3A_2, %get3A_3] : memref<128x128xf32, #tpu.memory_space<vmem>>, vector<128x128xf32>
    %dot_general3A = arith.constant dense<0.000000e+00> : vector<1024x128xf32>
    %dot_general3A_5 = tpu.matmul %get3A_1, %get3A_4, %dot_general3A {dimension_numbers = #tpu.dot_dimension_numbers<[1], [0], [0], [1], [0, 0, 1, 1], [], []>, transpose_lhs_hint = false} : vector<1024x128xf32>, vector<128x128xf32>, vector<1024x128xf32> -> vector<1024x128xf32>
    %get3A_6 = arith.constant 0 : index
    %get3A_7 = arith.constant 0 : index
    %get3A_8 = arith.constant 0 : index
    %get3A_9 = vector.load %arg1[%get3A_6, %get3A_7, %get3A_8] : memref<3x1024x128xf32, #tpu.memory_space<vmem>>, vector<1x1024x128xf32>
    %get3A_10 = vector.shape_cast %get3A_9 : vector<1x1024x128xf32> to vector<1024x128xf32>
    %get3A_11 = arith.constant 0 : index
    %get3A_12 = arith.constant 0 : index
    %get3A_13 = vector.load %arg2[%get3A_11, %get3A_12] : memref<3x1024xf32, #tpu.memory_space<vmem>>, vector<1x1024xf32>
    %get3A_14 = vector.shape_cast %get3A_13 : vector<1x1024xf32> to vector<1024xf32>
    %max3A = arith.constant 1.000000e+00 : f32
    %max3A_15 = vector.broadcast %max3A : f32 to vector<1024xf32>
    %max3A_16 = arith.maximumf %get3A_14, %max3A_15 : vector<1024xf32>
    %broadcast_in_dim3A = vector.shape_cast %max3A_16 : vector<1024xf32> to vector<1024x1xf32>
    %div3A = vector.broadcast %broadcast_in_dim3A : vector<1024x1xf32> to vector<1024x128xf32>
    %div3A_17 = arith.divf %get3A_10, %div3A : vector<1024x128xf32>
    %get3A_18 = arith.constant 0 : index
    %get3A_19 = arith.constant 0 : index
    %get3A_20 = arith.constant 0 : index
    %get3A_21 = vector.load %arg4[%get3A_18, %get3A_19, %get3A_20] : memref<3x128x128xf32, #tpu.memory_space<vmem>>, vector<1x128x128xf32>
    %get3A_22 = vector.shape_cast %get3A_21 : vector<1x128x128xf32> to vector<128x128xf32>
    %dot_general3A_23 = arith.constant dense<0.000000e+00> : vector<1024x128xf32>
    %dot_general3A_24 = tpu.matmul %div3A_17, %get3A_22, %dot_general3A_23 {dimension_numbers = #tpu.dot_dimension_numbers<[1], [0], [0], [1], [0, 0, 1, 1], [], []>, transpose_lhs_hint = false} : vector<1024x128xf32>, vector<128x128xf32>, vector<1024x128xf32> -> vector<1024x128xf32>
    %add3A = arith.addf %dot_general3A_5, %dot_general3A_24 : vector<1024x128xf32>
    %get3A_25 = arith.constant 1 : index
    %get3A_26 = arith.constant 0 : index
    %get3A_27 = arith.constant 0 : index
    %get3A_28 = vector.load %arg1[%get3A_25, %get3A_26, %get3A_27] : memref<3x1024x128xf32, #tpu.memory_space<vmem>>, vector<1x1024x128xf32>
    %get3A_29 = vector.shape_cast %get3A_28 : vector<1x1024x128xf32> to vector<1024x128xf32>
    %get3A_30 = arith.constant 1 : index
    %get3A_31 = arith.constant 0 : index
    %get3A_32 = vector.load %arg2[%get3A_30, %get3A_31] : memref<3x1024xf32, #tpu.memory_space<vmem>>, vector<1x1024xf32>
    %get3A_33 = vector.shape_cast %get3A_32 : vector<1x1024xf32> to vector<1024xf32>
    %max3A_34 = arith.constant 1.000000e+00 : f32
    %max3A_35 = vector.broadcast %max3A_34 : f32 to vector<1024xf32>
    %max3A_36 = arith.maximumf %get3A_33, %max3A_35 : vector<1024xf32>
    %broadcast_in_dim3A_37 = vector.shape_cast %max3A_36 : vector<1024xf32> to vector<1024x1xf32>
    %div3A_38 = vector.broadcast %broadcast_in_dim3A_37 : vector<1024x1xf32> to vector<1024x128xf32>
    %div3A_39 = arith.divf %get3A_29, %div3A_38 : vector<1024x128xf32>
    %get3A_40 = arith.constant 1 : index
    %get3A_41 = arith.constant 0 : index
    %get3A_42 = arith.constant 0 : index
    %get3A_43 = vector.load %arg4[%get3A_40, %get3A_41, %get3A_42] : memref<3x128x128xf32, #tpu.memory_space<vmem>>, vector<1x128x128xf32>
    %get3A_44 = vector.shape_cast %get3A_43 : vector<1x128x128xf32> to vector<128x128xf32>
    %dot_general3A_45 = arith.constant dense<0.000000e+00> : vector<1024x128xf32>
    %dot_general3A_46 = tpu.matmul %div3A_39, %get3A_44, %dot_general3A_45 {dimension_numbers = #tpu.dot_dimension_numbers<[1], [0], [0], [1], [0, 0, 1, 1], [], []>, transpose_lhs_hint = false} : vector<1024x128xf32>, vector<128x128xf32>, vector<1024x128xf32> -> vector<1024x128xf32>
    %add3A_47 = arith.addf %add3A, %dot_general3A_46 : vector<1024x128xf32>
    %get3A_48 = arith.constant 2 : index
    %get3A_49 = arith.constant 0 : index
    %get3A_50 = arith.constant 0 : index
    %get3A_51 = vector.load %arg1[%get3A_48, %get3A_49, %get3A_50] : memref<3x1024x128xf32, #tpu.memory_space<vmem>>, vector<1x1024x128xf32>
    %get3A_52 = vector.shape_cast %get3A_51 : vector<1x1024x128xf32> to vector<1024x128xf32>
    %get3A_53 = arith.constant 2 : index
    %get3A_54 = arith.constant 0 : index
    %get3A_55 = vector.load %arg2[%get3A_53, %get3A_54] : memref<3x1024xf32, #tpu.memory_space<vmem>>, vector<1x1024xf32>
    %get3A_56 = vector.shape_cast %get3A_55 : vector<1x1024xf32> to vector<1024xf32>
    %max3A_57 = arith.constant 1.000000e+00 : f32
    %max3A_58 = vector.broadcast %max3A_57 : f32 to vector<1024xf32>
    %max3A_59 = arith.maximumf %get3A_56, %max3A_58 : vector<1024xf32>
    %broadcast_in_dim3A_60 = vector.shape_cast %max3A_59 : vector<1024xf32> to vector<1024x1xf32>
    %div3A_61 = vector.broadcast %broadcast_in_dim3A_60 : vector<1024x1xf32> to vector<1024x128xf32>
    %div3A_62 = arith.divf %get3A_52, %div3A_61 : vector<1024x128xf32>
    %get3A_63 = arith.constant 2 : index
    %get3A_64 = arith.constant 0 : index
    %get3A_65 = arith.constant 0 : index
    %get3A_66 = vector.load %arg4[%get3A_63, %get3A_64, %get3A_65] : memref<3x128x128xf32, #tpu.memory_space<vmem>>, vector<1x128x128xf32>
    %get3A_67 = vector.shape_cast %get3A_66 : vector<1x128x128xf32> to vector<128x128xf32>
    %dot_general3A_68 = arith.constant dense<0.000000e+00> : vector<1024x128xf32>
    %dot_general3A_69 = tpu.matmul %div3A_62, %get3A_67, %dot_general3A_68 {dimension_numbers = #tpu.dot_dimension_numbers<[1], [0], [0], [1], [0, 0, 1, 1], [], []>, transpose_lhs_hint = false} : vector<1024x128xf32>, vector<128x128xf32>, vector<1024x128xf32> -> vector<1024x128xf32>
    %add3A_70 = arith.addf %add3A_47, %dot_general3A_69 : vector<1024x128xf32>
    %get3A_71 = arith.constant 0 : index
    %get3A_72 = arith.constant 0 : index
    %get3A_73 = vector.load %arg6[%get3A_71, %get3A_72] : memref<1x128xf32, #tpu.memory_space<vmem>>, vector<1x128xf32>
    %add3A_74 = vector.broadcast %get3A_73 : vector<1x128xf32> to vector<1024x128xf32>
    %add3A_75 = arith.addf %add3A_70, %add3A_74 : vector<1024x128xf32>
    %max3A_76 = arith.constant 0.000000e+00 : f32
    %max3A_77 = vector.broadcast %max3A_76 : f32 to vector<1024x128xf32>
    %max3A_78 = arith.maximumf %add3A_75, %max3A_77 : vector<1024x128xf32>
    %swap3A = arith.constant 0 : index
    %swap3A_79 = arith.constant 0 : index
    %swap3A_80 = vector.load %arg7[%swap3A, %swap3A_79] : memref<1024x128xf32, #tpu.memory_space<vmem>>, vector<1024x128xf32>
    tpu.vector_store %arg7[%swap3A, %swap3A_79], %max3A_78 {strides = array<i32>} : memref<1024x128xf32, #tpu.memory_space<vmem>>, vector<1024x128xf32>,
    return
  }
  func.func @transform_0(%arg0: i32) -> (i32, i32, i32) {
    %mul3A = arith.constant 0 : i32
    %mul3A_0 = arith.muli %arg0, %mul3A : i32
    %mul3A_1 = arith.constant 0 : i32
    %mul3A_2 = arith.muli %arg0, %mul3A_1 : i32
    %c0_i32 = arith.constant 0 : i32
    return %mul3A_0, %arg0, %mul3A_2 : i32, i32, i32
  }
  func.func @transform_1(%arg0: i32) -> (i32, i32) {
    %mul3A = arith.constant 0 : i32
    %mul3A_0 = arith.muli %arg0, %mul3A : i32
    %c0_i32 = arith.constant 0 : i32
    return %mul3A_0, %arg0 : i32, i32
  }
  func.func @transform_2(%arg0: i32) -> (i32, i32) {
    %mul3A = arith.constant 0 : i32
    %mul3A_0 = arith.muli %arg0, %mul3A : i32
    %c0_i32 = arith.constant 0 : i32
    return %arg0, %mul3A_0 : i32, i32
  }
  func.func @transform_3(%arg0: i32) -> (i32, i32, i32) {
    %mul3A = arith.constant 0 : i32
    %mul3A_0 = arith.muli %arg0, %mul3A : i32
    %mul3A_1 = arith.constant 0 : i32
    %mul3A_2 = arith.muli %arg0, %mul3A_1 : i32
    %mul3A_3 = arith.constant 0 : i32
    %mul3A_4 = arith.muli %arg0, %mul3A_3 : i32
    %c0_i32 = arith.constant 0 : i32
    return %mul3A_0, %mul3A_2, %mul3A_4 : i32, i32, i32
  }
  func.func @transform_4(%arg0: i32) -> (i32, i32) {
    %mul3A = arith.constant 0 : i32
    %mul3A_0 = arith.muli %arg0, %mul3A : i32
    %mul3A_1 = arith.constant 0 : i32
    %mul3A_2 = arith.muli %arg0, %mul3A_1 : i32
    %c0_i32 = arith.constant 0 : i32
    return %mul3A_0, %mul3A_2 : i32, i32
  }
  func.func @transform_5(%arg0: i32) -> (i32, i32) {
    %mul3A = arith.constant 0 : i32
    %mul3A_0 = arith.muli %arg0, %mul3A : i32
    %mul3A_1 = arith.constant 0 : i32
    %mul3A_2 = arith.muli %arg0, %mul3A_1 : i32
    %c0_i32 = arith.constant 0 : i32
    return %mul3A_0, %mul3A_2 : i32, i32
  }
  func.func @transform_6(%arg0: i32) -> (i32, i32) {
    %mul3A = arith.constant 0 : i32
    %mul3A_0 = arith.muli %arg0, %mul3A : i32
    %c0_i32 = arith.constant 0 : i32
    return %arg0, %mul3A_0 : i32, i32
  }
}

</mosaic_0001>

<sc_bundles>
// kernel: kernel.4.cloned.1.call-start
scs
__scs_entry_jumppad:
0x0: {  	(pc) =	sbr.rel $0x88, $3  }
0x1: {  	(tag) =	ssettag $0x0;
	lr =	simm.s32 $0x1  }
0x2: {  	[smem:$0x3F9B] =	sst lr;
	_ =	strace $0xD0000000  }
0x3: {  	_ = 	snop  }
0x4: {  	_ = 	snop  }
0x5: {  	_ = 	snop  }
0x6: {  	_ = 	snop  }
0x7: {  	_ = 	snop  }
__scs_overlays_trampoline_lowered:
0x8: {  	[smem:$0x3FAA] =	sst s0  }
0x9: {  	[smem:$0x3FAB] =	sst s1  }
0xa: {  	[smem:$0x3FAC] =	sst s2  }
0xb: {  	[smem:$0x3FAD] =	sst s3  }
0xc: {  	[smem:$0x3FAE] =	sst s4  }
0xd: {  	[smem:$0x3FAF] =	sst s5  }
0xe: {  	[smem:$0x3FB0] =	sst s6  }
0xf: {  	[smem:$0x3FB1] =	sst s7  }
0x10: {  	[smem:$0x3FB2] =	sst s8  }
0x11: {  	[smem:$0x3FB3] =	sst s9;
	s0 =	simm.s32 @!p0 $0x0  }
0x12: {  	s1 =	sld [smem:$0x3F99];
	s0 =	simm.s32 @p0 $0x1  }
0x13: {  	[smem:$0x3FB4] =	sst s0;
	s0 =	simm.s32 @!p1 $0x0  }
0x14: {  	s2 =	sld [smem:$0x3F98];
	s0 =	simm.s32 @p1 $0x1  }
0x15: {  	[smem:$0x3FB5] =	sst s0;
	s0 =	simm.s32 @!p2 $0x0  }
0x16: {  	s3 =	sld [smem:$0x3FDB];
	s0 =	simm.s32 @p2 $0x1  }
0x17: {  	s4 =	simm.s32 $0x1BF5;
	[smem:$0x3FB7] =	sst s0  }
0x18: {  	s0 =	sld [smem:$0x3F9A];
	_ =	swait.ge [sflag:s4], $0x0  }
0x19: {  	s7 =	sld [smem:$0x3F9B]  }
0x1a: {  	s8 =	sadd.s32 $0xFFFFE003, lr  }
0x1b: {  	s9 =	sadd.s32 $0xFFFFFEF7, lr;
	s5 =	simm.s32 $0xFFFFFFFF;
	p2 =	slt.u32 s8, $0xFFFFF086  }
0x1c: {  	p1 =	slt.u32 s9, $0xF7A;
	s5 =	simm.s32 @!p2 $0x0  }
0x1d: {  	s5 =	simm.s32 @p1 $0x1;
	p0 =	seq.s32 s7, s2  }
0x1e: {  	s7 =	smul.u32 @!p0 $0xF7A, s2;
	p2 =	seq.s32 @!p0 s5, $0x0  }
0x1f: {  	s9 =	smul.u32 $0xF7A, s1;
	s8 =	simm.s32 @!p0 $0x1BF5;
	p2 =	por !p2, p0  }
0x20: {  	[sflag:s8] =	ssyncset.s32 @!p0 $0xFFFFF086;
	s6 =	sadd.s32 @!p0 s3, s7;
	s7 =	simm.s32 @!p0 $0x108  }
0x21: {  	s3 =	sadd.s32 s3, s9;
	s6 =	sadd.s32 @!p0 $0x88, s6;
	s7 =	simm.s32 @p2 $0x1082  }
0x22: {  	[simem:s7], [sflag:s8] =	dma.local @!p0 [hbm:s6], $0xF7A  }
0x23: {  	s9 =	sor.u32 $0xD0000000, s2;
	s6 =	simm.s32 $0x108;
	_ =	swait.ge @!p0 [sflag:s8], $0x0  }
0x24: {  	s3 =	sadd.s32 $0x88, s3;
	s6 =	simm.s32 @!p1 $0x1082;
	[sflag:s4] =	ssyncset.s32 $0xFFFFF086  }
0x25: {  	[simem:s6], [sflag:s4] =	dma.local [hbm:s3], $0xF7A  }
0x26: {  	[smem:$0x3F9B] =	sst s1;
	(tag) =	ssettag s2;
	_ =	strace s9  }
0x27: {  	s1 =	sld [smem:$0x3FAB]  }
0x28: {  	s2 =	sld [smem:$0x3FAC]  }
0x29: {  	s4 =	sld [smem:$0x3FAE]  }
0x2a: {  	p0 =	seq.s32 s5, $0x0;
	s5 =	sld [smem:$0x3FAF]  }
0x2b: {  	s6 =	sld [smem:$0x3FB0]  }
0x2c: {  	s7 =	sld [smem:$0x3FB1]  }
0x2d: {  	s3 =	simm.s32 $0x108;
	s8 =	sld [smem:$0x3FB2]  }
0x2e: {  	s3 =	simm.s32 @!p0 $0x1082;
	s9 =	sld [smem:$0x3FB3]  }
0x2f: {  	lr =	sadd.s32 s0, s3;
	s0 =	sld [smem:$0x3FAA]  }
0x30: {  	s3 =	sld [smem:$0x3FAD]  }
0x31: {  	[smem:$0x3FB6] =	sst s10  }
0x32: {  	s10 =	sld [smem:$0x3FB4];
	_ =	sdelay $0x3  }
0x33: {  	p0 =	seq.s32 s10, $0x1;
	s10 =	sld [smem:$0x3FB6];
	_ =	sdelay $0x3  }
0x34: {  	[smem:$0x3FB6] =	sst s10  }
0x35: {  	s10 =	sld [smem:$0x3FB5];
	_ =	sdelay $0x3  }
0x36: {  	p1 =	seq.s32 s10, $0x1;
	s10 =	sld [smem:$0x3FB6];
	_ =	sdelay $0x3  }
0x37: {  	[smem:$0x3FB6] =	sst s10  }
0x38: {  	s10 =	sld [smem:$0x3FB7]  }
0x39: {  	_ = 	snop;
	(pc) =	sbr.ind lr, $3  }
0x3a: {  	_ = 	snop  }
0x3b: {  	_ = 	snop  }
0x3c: {  	p2 =	seq.s32 s10, $0x1;
	s10 =	sld [smem:$0x3FB6]  }
0x3d: {  	_ =	shalt  }
0x3e: {  	_ =	shalt  }
0x3f: {  	_ =	shalt  }
0x40: {  	_ =	shalt  }
0x41: {  	_ =	shalt  }
0x42: {  	_ =	shalt  }
0x43: {  	_ =	shalt  }
0x44: {  	_ =	shalt  }
0x45: {  	_ =	shalt  }
0x46: {  	_ =	shalt  }
0x47: {  	_ =	shalt  }
0x48: {  	_ =	shalt  }
0x49: {  	_ =	shalt  }
0x4a: {  	_ =	shalt  }
0x4b: {  	_ =	shalt  }
0x4c: {  	_ =	shalt  }
0x4d: {  	_ =	shalt  }
0x4e: {  	_ =	shalt  }
0x4f: {  	_ =	shalt  }
0x50: {  	_ =	shalt  }
0x51: {  	_ =	shalt  }
0x52: {  	_ =	shalt  }
0x53: {  	_ =	shalt  }
0x54: {  	_ =	shalt  }
0x55: {  	_ =	shalt  }
0x56: {  	_ =	shalt  }
0x57: {  	_ =	shalt  }
0x58: {  	_ =	shalt  }
0x59: {  	_ =	shalt  }
0x5a: {  	_ =	shalt  }
0x5b: {  	_ =	shalt  }
0x5c: {  	_ =	shalt  }
0x5d: {  	_ =	shalt  }
0x5e: {  	_ =	shalt  }
0x5f: {  	_ =	shalt  }
0x60: {  	_ =	shalt  }
0x61: {  	_ =	shalt  }
0x62: {  	_ =	shalt  }
0x63: {  	_ =	shalt  }
0x64: {  	_ =	shalt  }
0x65: {  	_ =	shalt  }
0x66: {  	_ =	shalt  }
0x67: {  	_ =	shalt  }
0x68: {  	_ =	shalt  }
0x69: {  	_ =	shalt  }
0x6a: {  	_ =	shalt  }
0x6b: {  	_ =	shalt  }
0x6c: {  	_ =	shalt  }
0x6d: {  	_ =	shalt  }
0x6e: {  	_ =	shalt  }
0x6f: {  	_ =	shalt  }
0x70: {  	_ =	shalt  }
0x71: {  	_ =	shalt  }
0x72: {  	_ =	shalt  }
0x73: {  	_ =	shalt  }
0x74: {  	_ =	shalt  }
0x75: {  	_ =	shalt  }
0x76: {  	_ =	shalt  }
0x77: {  	_ =	shalt  }
0x78: {  	_ =	shalt  }
0x79: {  	_ =	shalt  }
0x7a: {  	_ =	shalt  }
0x7b: {  	_ =	shalt  }
0x7c: {  	_ =	shalt  }
0x7d: {  	_ =	shalt  }
0x7e: {  	_ =	shalt  }
0x7f: {  	_ =	shalt  }
0x80: {  	_ =	shalt  }
0x81: {  	_ =	shalt  }
0x82: {  	_ =	shalt  }
0x83: {  	_ =	shalt  }
0x84: {  	_ =	shalt  }
0x85: {  	_ =	shalt  }
0x86: {  	_ =	shalt  }
0x87: {  	_ =	shalt  }
.Lfunc_end0:
.L_simem_size_0:
called_computation_lowered:
.L_overlay_start_0:
0x88: {  	s2 =	sld [smem:$0x3FD9]  }
0x89: {  	s3 =	sld [smem:$0x3FFE];
	_ =	sdelay $0x1  }
0x8a: {  	s1 =	srdreg.scid  }
0x8b: {  	s0 =	sand.u32 $0x1, s1  }
0x8c: {  	s17 =	sshll.u32 s0, $0xA;
	s2 =	sadd.s32 s3, s2  }
0x8d: {  	s2 =	sadd.s32 s2, s17  }
0x8e: {  	[smem:$0x3FC2] =	sst s2  }
0x8f: {  	_ = 	snop  }
0x90: {  	s2 =	sld [smem:$0x3FC9]  }
0x91: {  	s18 =	sld [smem:$0x3FD0];
	(tm) =	ssettm $0x1  }
0x92: {  	s4 =	sld [smem:$0x3FFB];
	_ =	sdelay $0x3  }
0x93: {  	_ =	strace s4  }
0x94: {  	s4 =	sld [smem:$0x3FFC];
	_ =	sdelay $0x3  }
0x95: {  	_ =	strace s4  }
0x96: {  	s4 =	sld [smem:$0x3FFD];
	_ =	sdelay $0x3  }
0x97: {  	_ =	strace s4  }
0x98: {  	_ =	strace $0x8FFFFFFF  }
0x99: {  	s19 =	sld [smem:$0x3FDB];
	_ =	sdelay $0x1  }
0x9a: {  	s5 =	simm.s32 $_scs_section_size  }
0x9b: {  	s6 =	simm.s32 $_size__tile_overlayer_lowered;
	s7 =	simm.s32 $_tile_overlayer_lowered  }
0x9c: {  	s22 =	simm.s32 $0x1BFF;
	s21 =	sshll.u32 s7, $0x1;
	s4 =	sadd.s32 s5, s19  }
0x9d: {  	s8 =	simm.s32 $0x0;
	s20 =	sshll.u32 s6, $0x1;
	s6 =	sadd.s32 s21, s4  }
0x9e: {  	[timem:s8], [sflag:s22] =	dma.local [hbm:s6], s20  }
0x9f: {  	_ =	swait.ge [sflag:s22], s20  }
0xa0: {  	s5 =	ssub.s32 $0x0, s20;
	[sflag:s22] =	ssyncset.done $0x0  }
0xa1: {  	[sflag:s22] =	ssyncadd.s32 s5;
	_ =	sdelay $0x1  }
0xa2: {  	s23 =	simm.s32 $0x1B8B  }
0xa3: {  	_ =	swait.ge [sflag:s23], $0x1  }
0xa4: {  	[sflag:s23] =	ssyncset.done $0x0  }
0xa5: {  	s25 =	simm.s32 $0x1B8E;
	s24 =	sld [smem:$0x3FFE];
	[sflag:s23] =	ssyncadd.s32 $0xFFFFFFFF  }
0xa6: {  	s26 =	simm.s32 $execute0_lowered;
	[smem:$0x3FD2] =	sst s25  }
0xa7: {  	s6 =	sshll.u32 s26, $0x1;
	_ =	strace $0x80000046;
	[dreg:$0x1] =	wrdreg $0xFFFFFFFF  }
0xa8: {  	s28 =	simm.s32 $_size_execute0_lowered;
	s4 =	sadd.s32 s4, s6;
	[dreg:$0x0] =	wrdreg $0x0  }
0xa9: {  	s6 =	sshll.u32 s28, $0x1;
	[dreg:$0x2] =	wrdreg s4  }
0xaa: {  	[dreg:$0x3] =	wrdreg s6  }
0xab: {  	[dreg:$0x4] =	wrdreg $0xC0  }
0xac: {  	_ =	task [dreg:s8], $0x5FFFF  }
0xad: {  	[dreg:$0x1] =	wrdreg $0xFFFFFFFF  }
0xae: {  	[dreg:$0x0] =	wrdreg $0x60  }
0xaf: {  	[dreg:$0x2] =	wrdreg s2  }
0xb0: {  	[dreg:$0x3] =	wrdreg s18  }
0xb1: {  	[dreg:$0x4] =	wrdreg s24  }
0xb2: {  	[dreg:$0x5] =	wrdreg $0x0  }
0xb3: {  	[dreg:$0x6] =	wrdreg $0xF0000  }
0xb4: {  	[dreg:$0x7] =	wrdreg $0x9  }
0xb5: {  	_ =	task.clear_ibuf [dreg:s8], $0x8FFFF;
	_ =	strace $0x90000046  }
0xb6: {  	s29 =	simm.s32 $0x9;
	_ =	strace $0x80000048  }
0xb7: {  	_ =	swait.ge [sflag:s29], $0x1  }
0xb8: {  	[sflag:s29] =	ssyncadd.s32 $0xFFFFFFFF  }
0xb9: {  	_ =	strace $0x90000048  }
0xba: {  	_ =	sfence  }
0xbb: {  	s30 =	sld [smem:$0x0];
	_ =	sdelay $0x2  }
0xbc: {  	s31 =	sshll.u32 s1, $0xD;
	s1 =	sshrl.u32 s1, $0x2  }
0xbd: {  	s3 =	sand.u32 $0x4000, s31;
	s1 =	sadd.s32 s1, s30  }
0xbe: {  	s0 =	sor.u32 s3, s0;
	s1 =	sshll.u32 s1, $0x11  }
0xbf: {  	s0 =	sor.u32 s1, s0  }
0xc0: {  	s0 =	sadd.s32 $0x8F2B, s0  }
0xc1: {  	[sflag:s0] =	ssyncadd.remote.s32 $0x1  }
0xc2: {  	_ =	sfence.sel $0xFFFF  }
0xc3: {  	[dreg:$0x0] =	wrdreg $0xFFFFFFFF;
	(pc) =	sbr.abs _section_cstart, $3  }
0xc4: {  	[dreg:$0x1] =	wrdreg $0xFFFFFFFF  }
0xc5: {  	_ =	task.clear_ibuf [dreg:s8], $0x2FFFF;
	_ =	strace $0x9FFFFFFF  }
0xc6: {  	(tm) =	ssettm $0x7FFFFFFF  }
0xc7: {  	_ =	shalt  }
tec
execute0_lowered:
.L_overlay_start_1:
0x0: {  	(tag) =	ssettag $0x1  }
0x1: {  	s1 =	rddreg [dreg:$0x0]  }
0x2: {  	s2 =	rddreg [dreg:$0x1]  }
0x3: {  	s0 =	rddreg [dreg:$0x2]  }
0x4: {  	s3 =	rddreg [dreg:$0x3];
	s24 =	stileid.u32  }
0x5: {  	s5 =	rddreg [dreg:$0x4];
	s6 =	simm.s32 $0x0;
	s7 =	smul.u32 $0x3C000, s24  }
0x6: {  	s4 =	srdreg.scid;
	s28 =	simm.s32 $0x1;
	s12 =	smul.u32 $0x1400, s24  }
0x7: {  	s29 =	simm.s32 $0x80;
	s30 =	simm.s32 $0x400;
	s18 =	smul.u32 $0xA0, s24  }
0x8: {  	s31 =	simm.s32 $0xF760;
	s4 =	sand.u32 $0x1, s4;
	s21 =	smul.u32 $0x14000, s24  }
0x9: {  	[smem:$0x7FF] =	sst s6;
	s13 =	sadd.s32 $0x1C00, s0;
	s16 =	smul.u32 $0x1388, s4  }
0xa: {  	s15 =	sadd.s32 $0xC00, s0;
	s19 =	sshrl.u32 s24, $0x1;
	s14 =	smul.u32 $0x1400, s4  }
0xb: {  	_ =	strace $0x80000047;
	s9 =	ssub.s32 $0x2, s4;
	s19 =	smul.u32 $0x2800, s19  }
0xc: {  	s4 =	sshllo.u32 s4, $0x1;
	s8 =	sshrl.u32 s7, $0x2;
	s7 =	smul.u32 $0x9D, s24  }
0xd: {  	s10 =	sshrl.u32 s9, $0x1;
	s12 =	sshrl.u32 s12, $0x2;
	s23 =	smul.u32 $0xA00, s4  }
0xe: {  	s21 =	sshrl.u32 s21, $0x2;
	s8 =	sadd.s32 s8, s3;
	s17 =	ssub.s32 s9, s10  }
0xf: {  	s12 =	sadd.s32 s12, s5;
	s22 =	sadd.s32 s14, s19;
	s25 =	sadd.s32 $0x9C4, s16  }
0x10: {  	s14 =	sadd.s32 s18, s14;
	s9 =	sadd.s32 s21, s3;
	s20 =	sadd.s32 $0x4000, s8  }
0x11: {  	s10 =	sadd.s32 $0x8000, s8;
	s11 =	sadd.s32 $0xC000, s8;
	s14 =	sshll.u32 s14, $0x4  }
0x12: {  	s21 =	sadd.s32 s18, s23;
	s18 =	sadd.s32 $0x29C00, s0;
	[dreg:$0x7] =	wrdreg s9  }
0x13: {  	s17 =	smax.u32 s17, $0x1;
	[dreg:$0x6] =	wrdreg s20;
	s20 =	sand.u32 $0x1, s24  }
0x14: {  	[dreg:$0xc] =	wrdreg s17;
	p0 =	seq.s32 s20, $0x1;
	s20 =	simm.s32 $0x500  }
0x15: {  	s20 =	simm.s32 @!p0 $0x0;
	p0 =	sgt.u32 s24, $0x5;
	s24 =	smul.u32 $0x4E80, s24  }
0x16: {  	s22 =	sadd.s32 s20, s22;
	s19 =	sor.u32 s19, s20;
	s20 =	sshll.u32 s21, $0x4  }
0x17: {  	s21 =	sadd.s32 $0x50000, s9;
	s19 =	sadd.s32 s23, s19;
	s26 =	sshrl.u32 s22, $0x3  }
0x18: {  	s23 =	sadd.s32 s13, s14;
	[dreg:$0xd] =	wrdreg s21;
	s22 =	sshrl.u32 s19, $0x3  }
0x19: {  	[dreg:$0x8] =	wrdreg s23;
	s26 =	sadd.s32 s15, s26;
	s19 =	sadd.s32 $0x51C00, s0  }
0x1a: {  	s0 =	smul.u32 $0x9C4, s4;
	[dreg:$0x9] =	wrdreg s26;
	s15 =	sadd.s32 s15, s22  }
0x1b: {  	s4 =	simm.s32 $0xF6E0;
	s22 =	sadd.s32 $0xA0000, s9;
	[dreg:$0xa] =	wrdreg s15  }
0x1c: {  	v4 =	vimm.f32 $0.0e+00;
	v5 =	vimm.f32 $1.000000000e+00;
	v0 =	vmov s16;
	s15 =	sadd.s32 s13, s20;
	[dreg:$0xe] =	wrdreg s22;
	s23 =	sadd.s32 $0x9C4, s0  }
0x1d: {  	v1 =	vmov s25;
	s26 =	simm.s32 $0xF960;
	v2 =	vmov s0;
	s0 =	simm.s32 $0xF8E0;
	[dreg:$0xb] =	wrdreg s15;
	v3 =	vmov s23  }
.LBB2_1:
0x1e: {  	s13 =	simm.s32 $0x40;
	s15 =	simm.s32 $0x0  }
.LBB2_2:
0x1f: {  	p1 =	sne.s32 s13, $0x13C0;
	[tilespmem:s15+$0xF1E0] =	vst v4;
	s15 =	smov.u32 s13;
	s13 =	sadd.s32 $0x40, s13  }
.Ltmp0:
0x20: {  	(pc) =	sbr.rel @p1 .LBB2_2-.Ltmp0, $2  }
0x21: {  	_ =	sdelay $0x2  }
0x22: {  	s15 =	sshra.s32 s15, $0x2  }
0x23: {  	[tilespmem:s15+$0xF1E0] =	vst v4  }
0x24: {  	[tilespmem:$0xF6E0] =	vst v5  }
0x25: {  	[tilespmem:$0xF6F0] =	vst v5  }
0x26: {  	[tilespmem:$0xF700] =	vst v5  }
0x27: {  	[tilespmem:$0xF710] =	vst v5  }
0x28: {  	[tilespmem:$0xF720] =	vst v5  }
0x29: {  	[tilespmem:$0xF730] =	vst v5  }
0x2a: {  	[tilespmem:$0xF740] =	vst v5  }
0x2b: {  	s15 =	simm.s32 $0x0;
	s16 =	simm.s32 $0x200;
	[tilespmem:$0xF750] =	vst v5  }
.LBB2_4:
0x2c: {  	p1 =	sne.s32 s16, $0xFE00;
	[tilespmem:s15+$0xF9D0] =	vst v4  }
0x2d: {  	[tilespmem:s15+$0xF960] =	vst v4  }
0x2e: {  	[tilespmem:s15+$0xF970] =	vst v4  }
.Ltmp1:
0x2f: {  	[tilespmem:s15+$0xF980] =	vst v4;
	(pc) =	sbr.rel @p1 .LBB2_4-.Ltmp1, $4  }
0x30: {  	[tilespmem:s15+$0xF990] =	vst v4  }
0x31: {  	[tilespmem:s15+$0xF9A0] =	vst v4  }
0x32: {  	[tilespmem:s15+$0xF9B0] =	vst v4  }
0x33: {  	[tilespmem:s15+$0xF9C0] =	vst v4;
	s15 =	sshra.s32 s16, $0x2;
	s16 =	sadd.s32 $0x200, s16  }
0x34: {  	[tilespmem:s15+$0xF9D0] =	vst v4  }
0x35: {  	[tilespmem:s15+$0xF960] =	vst v4  }
0x36: {  	[tilespmem:s15+$0xF970] =	vst v4  }
0x37: {  	[tilespmem:s15+$0xF980] =	vst v4  }
0x38: {  	[tilespmem:s15+$0xF990] =	vst v4  }
0x39: {  	[tilespmem:s15+$0xF9A0] =	vst v4  }
0x3a: {  	[tilespmem:s15+$0xF9B0] =	vst v4  }
0x3b: {  	[tilespmem:s15+$0xF9C0] =	vst v4  }
0x3c: {  	[spmem:s8] =	stream.linear.scatter [tilespmem:s26], [sflag:$0x1], $0x4000, $0x38;
	[tilespmem:$0x13960] =	vst v63  }
0x3d: {  	_ =	swait.ge [sflag:s28], $0x4000  }
0x3e: {  	[sflag:s28] =	ssyncset.done $0x0  }
0x3f: {  	s9 =	rddreg [dreg:$0x6];
	[sflag:s28] =	ssyncadd.s32 $0xFFFFC000  }
0x40: {  	[spmem:s9] =	stream.linear.scatter [tilespmem:s26], [sflag:$0x1], $0x4000, $0x38;
	[tilespmem:$0x13960] =	vst v63  }
0x41: {  	_ =	swait.ge [sflag:s28], $0x4000  }
0x42: {  	[sflag:s28] =	ssyncset.done $0x0  }
0x43: {  	[sflag:s28] =	ssyncadd.s32 $0xFFFFC000  }
0x44: {  	[spmem:s10] =	stream.linear.scatter [tilespmem:s26], [sflag:$0x1], $0x4000, $0x38;
	[tilespmem:$0x13960] =	vst v63  }
0x45: {  	_ =	swait.ge [sflag:s28], $0x4000  }
0x46: {  	[sflag:s28] =	ssyncset.done $0x0  }
0x47: {  	[sflag:s28] =	ssyncadd.s32 $0xFFFFC000  }
0x48: {  	[spmem:s11] =	stream.linear.scatter [tilespmem:s26], [sflag:$0x1], $0x3000, $0x38;
	[tilespmem:$0x13960] =	vst v63  }
0x49: {  	_ =	swait.ge [sflag:s28], $0x3000  }
0x4a: {  	[sflag:s28] =	ssyncset.done $0x0  }
0x4b: {  	s13 =	simm.s32 @!p0 $0xF1E0;
	s25 =	sadd.s32 $0x0, s7;
	[sflag:s28] =	ssyncadd.s32 $0xFFFFD000  }
0x4c: {  	[spmem:s12] =	stream.linear.scatter @!p0 [tilespmem:s13], [sflag:$0x1], $0x500, $0x38;
	[tilespmem:$0x13960] =	vst v63  }
0x4d: {  	s13 =	sshrl.u32 s25, $0x3  }
0x4e: {  	s15 =	simm.s32 @!p0 $0x1;
	s13 =	smul.u32 $0xC00, s13  }
0x4f: {  	s16 =	sand.u32 $0x380, s24;
	_ =	swait.ge @!p0 [sflag:s15], $0x500  }
0x50: {  	[sflag:s15] =	ssyncset.done @!p0 $0x0;
	s13 =	sor.u32 s16, s13  }
0x51: {  	[sflag:s15] =	ssyncadd.s32 @!p0 $0xFFFFFB00;
	s13 =	sshrl.u32 s13, $0x3  }
0x52: {  	[bflag:$0x0] =	sbarrier.arrive $0xFFFF;
	s13 =	sadd.s32 s2, s13  }
0x53: {  	[tilespmem:s31], [sflag:$0x1] =	stream.strided.gather [hbm4b:s13+s29], $0x180, s30, s29, $0x38;
	[tilespmem:$0x13960] =	vst v63  }
0x54: {  	_ =	swait.ge [sflag:s28], $0x180  }
0x55: {  	[sflag:s28] =	ssyncset.done $0x0  }
0x56: {  	[sflag:s28] =	ssyncadd.s32 $0xFFFFFE80  }
0x57: {  	v6 =	vld [tilespmem:$0xF820]  }
0x58: {  	v7 =	vld [tilespmem:$0xF840]  }
0x59: {  	v8 =	vld [tilespmem:$0xF870]  }
0x5a: {  	v9 =	vld [tilespmem:$0xF850]  }
0x5b: {  	v10 =	vld [tilespmem:$0xF7E0]  }
0x5c: {  	v11 =	vld [tilespmem:$0xF8D0]  }
0x5d: {  	v12 =	vld [tilespmem:$0xF860]  }
0x5e: {  	v13 =	vld [tilespmem:$0xF8C0]  }
0x5f: {  	v14 =	vld [tilespmem:$0xF8A0]  }
0x60: {  	v15 =	vld [tilespmem:$0xF7F0]  }
0x61: {  	v18 =	vld [tilespmem:$0xF890]  }
0x62: {  	vm0 =	vge.s32 v6, v0;
	vm1 =	vlt.s32 v6, v1  }
0x63: {  	vm2 =	vlt.s32 v7, v1;
	vm3 =	vlt.s32 v9, v1;
	vm4 =	vge.s32 v10, v0  }
0x64: {  	v16 =	vsub.s32 v6, v0;
	v6 =	vsub.s32 v10, v0;
	v11 =	vmul.u32 $0xA00, v11  }
0x65: {  	v12 =	vmul.u32 $0xA00, v12;
	v8 =	vmul.u32 $0xA00, v8;
	v59 =	vmul.u32 $0xA00, v14  }
0x66: {  	v17 =	vld [tilespmem:$0xF800];
	v60 =	vsub.s32 v15, v0;
	v13 =	vmul.u32 $0xA00, v13;
	v61 =	vmul.u32 $0xA00, v18  }
0x67: {  	vm1 =	vmand vm0, vm1;
	vm0 =	vge.s32 v7, v0;
	v7 =	vsub.s32 v7, v0  }
0x68: {  	vm0 =	vmand vm0, vm2;
	vm2 =	vge.s32 v9, v0;
	v9 =	vsub.s32 v9, v0  }
0x69: {  	v8 =	vadd.s32 v8, v60;
	vm2 =	vmand vm2, vm3;
	vm3 =	vlt.s32 v10, v1;
	v10 =	vld [tilespmem:$0xF880]  }
0x6a: {  	v7 =	vadd.s32 v13, v7;
	v9 =	vadd.s32 v11, v9;
	v11 =	vadd.s32 v12, v6;
	v6 =	vld [tilespmem:$0xF810]  }
0x6b: {  	v19 =	vld [tilespmem:$0xF8B0];
	v12 =	vadd.s32 v59, v16;
	v63 =	vnsel vm0, $0x9C4, v7;
	vm0 =	vlt.s32 v17, v1  }
0x6c: {  	vm3 =	vmand vm4, vm3;
	v9 =	vnsel vm2, $0x9C4, v9;
	vm2 =	vge.s32 v15, v0;
	[tilespmem:$0xF940] =	vst v63  }
0x6d: {  	v7 =	vld [tilespmem:$0xF830];
	v12 =	vnsel vm1, $0x9C4, v12;
	v11 =	vnsel vm3, $0x9C4, v11;
	vm3 =	vlt.s32 v15, v1;
	[tilespmem:$0xF950] =	vst v9  }
0x6e: {  	[tilespmem:$0xF8E0] =	vst v11;
	v11 =	vsub.s32 v17, v0;
	vm1 =	vmand vm2, vm3;
	v10 =	vmul.u32 $0xA00, v10  }
0x6f: {  	[tilespmem:$0xF920] =	vst v12;
	v8 =	vnsel vm1, $0x9C4, v8;
	vm1 =	vge.s32 v17, v0;
	v62 =	vsub.s32 v6, v0  }
0x70: {  	s17 =	smov.u32 s24;
	s15 =	simm.s32 $0x1;
	[tilespmem:$0xF8F0] =	vst v8;
	v8 =	vmul.u32 $0xA00, v19;
	v9 =	vadd.s32 v10, v11;
	v10 =	vadd.s32 v61, v62  }
.LBB2_6:
0x71: {  	p1 =	sne.s32 s15, $0x9C  }
0x72: {  	vm2 =	vge.s32 v6, v0;
	vm3 =	vlt.s32 v6, v1;
	v6 =	vsub.s32 v7, v0;
	s17 =	sadd.s32 $0x80, s17;
	s13 =	smov.u32 s15;
	s15 =	sadd.s32 $0x1, s15  }
0x73: {  	vm0 =	vmand vm1, vm0;
	vm1 =	vmand vm2, vm3;
	vm2 =	vlt.s32 v7, v1  }
0x74: {  	v9 =	vnsel vm0, $0x9C4, v9;
	vm0 =	vge.s32 v7, v0;
	v10 =	vnsel vm1, $0x9C4, v10  }
0x75: {  	v6 =	vadd.s32 v8, v6;
	vm0 =	vmand vm0, vm2;
	[tilespmem:$0xF910] =	vst v10  }
0x76: {  	v6 =	vnsel vm0, $0x9C4, v6;
	[tilespmem:$0xF900] =	vst v9  }
0x77: {  	[tilespmem:$0xF930] =	vst v6  }
0x78: {  	[tilespmem:s26], [sflag:$0x1] =	stream.indirect.gather [hbm4b:s1+s29], $0x80, s31, s29, $0xb8;
	[tilespmem:$0x13960] =	vst v63  }
0x79: {  	_ =	swait.ge [sflag:s28], $0x4000  }
0x7a: {  	[sflag:s28] =	ssyncset.done $0x0  }
0x7b: {  	[sflag:s28] =	ssyncadd.s32 $0xFFFFC000  }
0x7c: {  	[spmem:s3] =	stream.indirect.scatter.add.f32 [tilespmem:s26], [sflag:$0x1], $0x80, s0, s29, $0xb8;
	[tilespmem:$0x13960] =	vst v63  }
0x7d: {  	s13 =	sadd.s32 s13, s7;
	_ =	swait.ge [sflag:s28], $0x4000  }
0x7e: {  	s13 =	sshrl.u32 s13, $0x3;
	[sflag:s28] =	ssyncset.done $0x0  }
0x7f: {  	s21 =	sand.u32 $0x380, s17;
	s13 =	smul.u32 $0xC00, s13;
	[sflag:s28] =	ssyncadd.s32 $0xFFFFC000  }
0x80: {  	[spmem:s5] =	stream.indirect.scatter.add.f32 [tilespmem:s4], [sflag:$0x1], $0x1, s0, s29, $0xb8;
	[tilespmem:$0x13960] =	vst v63  }
0x81: {  	s13 =	sor.u32 s21, s13;
	_ =	swait.ge [sflag:s28], $0x80  }
0x82: {  	s13 =	sshrl.u32 s13, $0x3;
	[sflag:s28] =	ssyncset.done $0x0  }
0x83: {  	s13 =	sadd.s32 s2, s13;
	[sflag:s28] =	ssyncadd.s32 $0xFFFFFF80  }
0x84: {  	[tilespmem:s31], [sflag:$0x1] =	stream.strided.gather [hbm4b:s13+s29], $0x180, s30, s29, $0x38;
	[tilespmem:$0x13960] =	vst v63  }
0x85: {  	_ =	swait.ge [sflag:s28], $0x180  }
0x86: {  	[sflag:s28] =	ssyncset.done $0x0  }
0x87: {  	[sflag:s28] =	ssyncadd.s32 $0xFFFFFE80  }
0x88: {  	v6 =	vld [tilespmem:$0xF820]  }
0x89: {  	v7 =	vld [tilespmem:$0xF840]  }
0x8a: {  	v8 =	vld [tilespmem:$0xF870]  }
0x8b: {  	v9 =	vld [tilespmem:$0xF850]  }
0x8c: {  	v10 =	vld [tilespmem:$0xF7E0]  }
0x8d: {  	vm0 =	vge.s32 v6, v0;
	vm1 =	vlt.s32 v6, v1;
	v11 =	vld [tilespmem:$0xF8D0]  }
0x8e: {  	v12 =	vld [tilespmem:$0xF860];
	vm1 =	vmand vm0, vm1;
	vm0 =	vge.s32 v7, v0;
	vm2 =	vlt.s32 v7, v1  }
0x8f: {  	v13 =	vld [tilespmem:$0xF8C0];
	vm0 =	vmand vm0, vm2  }
0x90: {  	v14 =	vld [tilespmem:$0xF8A0];
	vm2 =	vge.s32 v9, v0;
	vm3 =	vlt.s32 v9, v1  }
0x91: {  	v16 =	vsub.s32 v6, v0;
	vm4 =	vge.s32 v10, v0;
	v15 =	vld [tilespmem:$0xF7F0];
	vm2 =	vmand vm2, vm3  }
0x92: {  	vm3 =	vlt.s32 v10, v1;
	v6 =	vsub.s32 v10, v0;
	v10 =	vld [tilespmem:$0xF880];
	v11 =	vmul.u32 $0xA00, v11  }
0x93: {  	v18 =	vsub.s32 v7, v0;
	v7 =	vsub.s32 v9, v0;
	v12 =	vmul.u32 $0xA00, v12;
	v17 =	vld [tilespmem:$0xF800]  }
0x94: {  	v8 =	vmul.u32 $0xA00, v8;
	vm3 =	vmand vm4, vm3;
	v9 =	vld [tilespmem:$0xF890];
	v7 =	vadd.s32 v11, v7  }
0x95: {  	v11 =	vadd.s32 v12, v6;
	v6 =	vld [tilespmem:$0xF810];
	v12 =	vmul.u32 $0xA00, v14;
	v14 =	vnsel vm2, $0x9C4, v7  }
0x96: {  	v13 =	vmul.u32 $0xA00, v13;
	v7 =	vnsel vm3, $0x9C4, v11;
	v11 =	vsub.s32 v15, v0;
	v19 =	vld [tilespmem:$0xF8B0]  }
0x97: {  	vm2 =	vge.s32 v15, v0;
	[tilespmem:$0xF8E0] =	vst v7;
	v10 =	vmul.u32 $0xA00, v10;
	v12 =	vadd.s32 v12, v16;
	v7 =	vld [tilespmem:$0xF830]  }
.Ltmp2:
0x98: {  	vm3 =	vlt.s32 v15, v1;
	v15 =	vsub.s32 v17, v0;
	v12 =	vnsel vm1, $0x9C4, v12;
	(pc) =	sbr.rel @p1 .LBB2_6-.Ltmp2, $4  }
0x99: {  	v8 =	vadd.s32 v8, v11;
	vm1 =	vmand vm2, vm3;
	v11 =	vmul.u32 $0xA00, v9;
	[tilespmem:$0xF950] =	vst v14  }
0x9a: {  	v8 =	vnsel vm1, $0x9C4, v8;
	v9 =	vadd.s32 v13, v18;
	v14 =	vsub.s32 v6, v0;
	[tilespmem:$0xF920] =	vst v12  }
0x9b: {  	vm1 =	vge.s32 v17, v0;
	v12 =	vnsel vm0, $0x9C4, v9;
	[tilespmem:$0xF8F0] =	vst v8;
	v8 =	vmul.u32 $0xA00, v19  }
0x9c: {  	vm0 =	vlt.s32 v17, v1;
	v9 =	vadd.s32 v10, v15;
	v10 =	vadd.s32 v11, v14;
	[tilespmem:$0xF940] =	vst v12  }
0x9d: {  	vm2 =	vge.s32 v6, v0;
	vm3 =	vlt.s32 v6, v1  }
0x9e: {  	v6 =	vsub.s32 v7, v0;
	vm0 =	vmand vm1, vm0;
	vm13 =	vlt.s32 v7, v1  }
0x9f: {  	vm14 =	vge.s32 v7, v0;
	vm12 =	vmand vm2, vm3;
	v7 =	vnsel vm0, $0x9C4, v9  }
0xa0: {  	vm15 =	vmand vm14, vm13;
	v6 =	vadd.s32 v8, v6;
	v10 =	vnsel vm12, $0x9C4, v10;
	[tilespmem:$0xF900] =	vst v7  }
0xa1: {  	v6 =	vnsel vm15, $0x9C4, v6;
	[tilespmem:$0xF910] =	vst v10  }
0xa2: {  	[tilespmem:$0xF930] =	vst v6  }
0xa3: {  	[tilespmem:s26], [sflag:$0x1] =	stream.indirect.gather [hbm4b:s1+s29], $0x80, s31, s29, $0xb8;
	[tilespmem:$0x13960] =	vst v63  }
0xa4: {  	_ =	swait.ge [sflag:s28], $0x4000  }
0xa5: {  	[sflag:s28] =	ssyncset.done $0x0  }
0xa6: {  	[sflag:s28] =	ssyncadd.s32 $0xFFFFC000  }
0xa7: {  	[spmem:s3] =	stream.indirect.scatter.add.f32 [tilespmem:s26], [sflag:$0x1], $0x80, s0, s29, $0xb8;
	[tilespmem:$0x13960] =	vst v63  }
0xa8: {  	_ =	swait.ge [sflag:s28], $0x4000  }
0xa9: {  	[sflag:s28] =	ssyncset.done $0x0  }
0xaa: {  	[sflag:s28] =	ssyncadd.s32 $0xFFFFC000  }
0xab: {  	[spmem:s5] =	stream.indirect.scatter.add.f32 [tilespmem:s4], [sflag:$0x1], $0x1, s0, s29, $0xb8;
	[tilespmem:$0x13960] =	vst v63  }
0xac: {  	_ =	swait.ge [sflag:s28], $0x80  }
0xad: {  	[sflag:s28] =	ssyncset.done $0x0  }
0xae: {  	[sflag:s28] =	ssyncadd.s32 $0xFFFFFF80  }
0xaf: {  	s9 =	stileid.u32;
	[bflag:$0x0] =	sbarrier.arrive $0xFFFF  }
0xb0: {  	s13 =	sshll.u32 s9, $0x6;
	s22 =	rddreg [dreg:$0x7]  }
0xb1: {  	s15 =	sor.u32 $0x1C01, s13;
	s23 =	rddreg [dreg:$0x8];
	s17 =	sshrl.u32 s22, $0x3  }
0xb2: {  	[hbm:s23], [sflag:s15] =	dma.local [spmem:s17], $0xA00  }
0xb3: {  	_ =	swait.ge [sflag:s28], $0xA00  }
0xb4: {  	[sflag:s28] =	ssyncset.done $0x0;
	s22 =	rddreg [dreg:$0xd]  }
0xb5: {  	s25 =	sadd.s32 s14, s18;
	[sflag:s28] =	ssyncadd.s32 $0xFFFFF600;
	s21 =	sshrl.u32 s22, $0x3  }
0xb6: {  	[hbm:s25], [sflag:s15] =	dma.local [spmem:s21], $0xA00  }
0xb7: {  	_ =	swait.ge [sflag:s28], $0xA00  }
0xb8: {  	[sflag:s28] =	ssyncset.done $0x0;
	s25 =	rddreg [dreg:$0xe]  }
0xb9: {  	s23 =	sadd.s32 s14, s19;
	[sflag:s28] =	ssyncadd.s32 $0xFFFFF600;
	s22 =	sshrl.u32 s25, $0x3  }
0xba: {  	[hbm:s23], [sflag:s15] =	dma.local [spmem:s22], $0xA00  }
0xbb: {  	_ =	swait.ge [sflag:s28], $0xA00  }
0xbc: {  	s13 =	simm.s32 @!p0 $0x1;
	[sflag:s28] =	ssyncset.done $0x0  }
0xbd: {  	s23 =	sshrl.u32 @!p0 s12, $0x3;
	s9 =	rddreg [dreg:$0x9];
	[sflag:s28] =	ssyncadd.s32 $0xFFFFF600  }
0xbe: {  	[hbm:s9], [sflag:s15] =	dma.local @!p0 [spmem:s23], $0xA0  }
0xbf: {  	_ =	swait.ge @!p0 [sflag:s13], $0xA0  }
0xc0: {  	[sflag:s13] =	ssyncset.done @!p0 $0x0  }
0xc1: {  	[sflag:s13] =	ssyncadd.s32 @!p0 $0xFFFFFF60  }
0xc2: {  	s25 =	simm.s32 $0x0;
	s13 =	simm.s32 $0x200;
	[bflag:$0x0] =	sbarrier.arrive $0xFFFF  }
.LBB2_8:
0xc3: {  	p1 =	sne.s32 s13, $0xFE00;
	[tilespmem:s25+$0xF9D0] =	vst v4  }
0xc4: {  	[tilespmem:s25+$0xF960] =	vst v4  }
0xc5: {  	[tilespmem:s25+$0xF970] =	vst v4  }
.Ltmp3:
0xc6: {  	[tilespmem:s25+$0xF980] =	vst v4;
	(pc) =	sbr.rel @p1 .LBB2_8-.Ltmp3, $4  }
0xc7: {  	[tilespmem:s25+$0xF990] =	vst v4  }
0xc8: {  	[tilespmem:s25+$0xF9A0] =	vst v4  }
0xc9: {  	[tilespmem:s25+$0xF9B0] =	vst v4  }
0xca: {  	[tilespmem:s25+$0xF9C0] =	vst v4;
	s25 =	sshra.s32 s13, $0x2;
	s13 =	sadd.s32 $0x200, s13  }
0xcb: {  	[tilespmem:s25+$0xF9D0] =	vst v4  }
0xcc: {  	[tilespmem:s25+$0xF960] =	vst v4  }
0xcd: {  	[tilespmem:s25+$0xF970] =	vst v4  }
0xce: {  	[tilespmem:s25+$0xF980] =	vst v4  }
0xcf: {  	[tilespmem:s25+$0xF990] =	vst v4  }
0xd0: {  	[tilespmem:s25+$0xF9A0] =	vst v4  }
0xd1: {  	[tilespmem:s25+$0xF9B0] =	vst v4  }
0xd2: {  	[tilespmem:s25+$0xF9C0] =	vst v4  }
0xd3: {  	[spmem:s8] =	stream.linear.scatter [tilespmem:s26], [sflag:$0x1], $0x4000, $0x38;
	[tilespmem:$0x13960] =	vst v63  }
0xd4: {  	_ =	swait.ge [sflag:s28], $0x4000  }
0xd5: {  	[sflag:s28] =	ssyncset.done $0x0  }
0xd6: {  	s9 =	rddreg [dreg:$0x6];
	[sflag:s28] =	ssyncadd.s32 $0xFFFFC000  }
0xd7: {  	[spmem:s9] =	stream.linear.scatter [tilespmem:s26], [sflag:$0x1], $0x4000, $0x38;
	[tilespmem:$0x13960] =	vst v63  }
0xd8: {  	_ =	swait.ge [sflag:s28], $0x4000  }
0xd9: {  	[sflag:s28] =	ssyncset.done $0x0  }
0xda: {  	[sflag:s28] =	ssyncadd.s32 $0xFFFFC000  }
0xdb: {  	[spmem:s10] =	stream.linear.scatter [tilespmem:s26], [sflag:$0x1], $0x4000, $0x38;
	[tilespmem:$0x13960] =	vst v63  }
0xdc: {  	_ =	swait.ge [sflag:s28], $0x4000  }
0xdd: {  	[sflag:s28] =	ssyncset.done $0x0  }
0xde: {  	[sflag:s28] =	ssyncadd.s32 $0xFFFFC000  }
0xdf: {  	[spmem:s11] =	stream.linear.scatter [tilespmem:s26], [sflag:$0x1], $0x3000, $0x38;
	[tilespmem:$0x13960] =	vst v63  }
0xe0: {  	_ =	swait.ge [sflag:s28], $0x3000  }
0xe1: {  	[sflag:s28] =	ssyncset.done $0x0  }
0xe2: {  	s13 =	simm.s32 @!p0 $0xF1E0;
	s25 =	sadd.s32 $0x0, s7;
	[sflag:s28] =	ssyncadd.s32 $0xFFFFD000  }
0xe3: {  	[spmem:s12] =	stream.linear.scatter @!p0 [tilespmem:s13], [sflag:$0x1], $0x500, $0x38;
	[tilespmem:$0x13960] =	vst v63  }
0xe4: {  	s13 =	sshrl.u32 s25, $0x3  }
0xe5: {  	s25 =	simm.s32 @!p0 $0x1;
	s13 =	smul.u32 $0xC00, s13  }
0xe6: {  	_ =	swait.ge @!p0 [sflag:s25], $0x500  }
0xe7: {  	[sflag:s25] =	ssyncset.done @!p0 $0x0;
	s13 =	sor.u32 s16, s13  }
0xe8: {  	[sflag:s25] =	ssyncadd.s32 @!p0 $0xFFFFFB00;
	s13 =	sshrl.u32 s13, $0x3  }
0xe9: {  	[bflag:$0x0] =	sbarrier.arrive $0xFFFF;
	s13 =	sadd.s32 s2, s13  }
0xea: {  	[tilespmem:s31], [sflag:$0x1] =	stream.strided.gather [hbm4b:s13+s29], $0x180, s30, s29, $0x38;
	[tilespmem:$0x13960] =	vst v63  }
0xeb: {  	_ =	swait.ge [sflag:s28], $0x180  }
0xec: {  	[sflag:s28] =	ssyncset.done $0x0  }
0xed: {  	[sflag:s28] =	ssyncadd.s32 $0xFFFFFE80  }
0xee: {  	v6 =	vld [tilespmem:$0xF820]  }
0xef: {  	v7 =	vld [tilespmem:$0xF840]  }
0xf0: {  	v8 =	vld [tilespmem:$0xF870]  }
0xf1: {  	v9 =	vld [tilespmem:$0xF850]  }
0xf2: {  	v10 =	vld [tilespmem:$0xF7E0]  }
0xf3: {  	v11 =	vld [tilespmem:$0xF8D0]  }
0xf4: {  	v12 =	vld [tilespmem:$0xF860]  }
0xf5: {  	v13 =	vld [tilespmem:$0xF8C0]  }
0xf6: {  	v14 =	vld [tilespmem:$0xF8A0]  }
0xf7: {  	v15 =	vld [tilespmem:$0xF7F0]  }
0xf8: {  	v18 =	vld [tilespmem:$0xF890]  }
0xf9: {  	vm0 =	vge.s32 v6, v2;
	vm1 =	vlt.s32 v6, v3  }
0xfa: {  	vm2 =	vlt.s32 v7, v3;
	vm3 =	vlt.s32 v9, v3;
	vm4 =	vge.s32 v10, v2  }
0xfb: {  	v16 =	vsub.s32 v6, v2;
	v6 =	vsub.s32 v10, v2;
	v11 =	vmul.u32 $0xA00, v11  }
0xfc: {  	v12 =	vmul.u32 $0xA00, v12;
	v8 =	vmul.u32 $0xA00, v8;
	v59 =	vmul.u32 $0xA00, v14  }
0xfd: {  	v17 =	vld [tilespmem:$0xF800];
	v60 =	vsub.s32 v15, v2;
	v13 =	vmul.u32 $0xA00, v13;
	v61 =	vmul.u32 $0xA00, v18  }
0xfe: {  	vm1 =	vmand vm0, vm1;
	vm0 =	vge.s32 v7, v2;
	v7 =	vsub.s32 v7, v2  }
0xff: {  	vm0 =	vmand vm0, vm2;
	vm2 =	vge.s32 v9, v2;
	v9 =	vsub.s32 v9, v2  }
0x100: {  	v8 =	vadd.s32 v8, v60;
	vm2 =	vmand vm2, vm3;
	vm3 =	vlt.s32 v10, v3;
	v10 =	vld [tilespmem:$0xF880]  }
0x101: {  	v7 =	vadd.s32 v13, v7;
	v9 =	vadd.s32 v11, v9;
	v11 =	vadd.s32 v12, v6;
	v6 =	vld [tilespmem:$0xF810]  }
0x102: {  	v19 =	vld [tilespmem:$0xF8B0];
	v12 =	vadd.s32 v59, v16;
	v63 =	vnsel vm0, $0x9C4, v7;
	vm0 =	vlt.s32 v17, v3  }
0x103: {  	vm3 =	vmand vm4, vm3;
	v9 =	vnsel vm2, $0x9C4, v9;
	vm2 =	vge.s32 v15, v2;
	[tilespmem:$0xF940] =	vst v63  }
0x104: {  	v7 =	vld [tilespmem:$0xF830];
	v12 =	vnsel vm1, $0x9C4, v12;
	v11 =	vnsel vm3, $0x9C4, v11;
	vm3 =	vlt.s32 v15, v3;
	[tilespmem:$0xF950] =	vst v9  }
0x105: {  	[tilespmem:$0xF8E0] =	vst v11;
	v11 =	vsub.s32 v17, v2;
	vm1 =	vmand vm2, vm3;
	v10 =	vmul.u32 $0xA00, v10  }
0x106: {  	[tilespmem:$0xF920] =	vst v12;
	v8 =	vnsel vm1, $0x9C4, v8;
	vm1 =	vge.s32 v17, v2;
	v62 =	vsub.s32 v6, v2  }
0x107: {  	s16 =	simm.s32 $0x1;
	s25 =	smov.u32 s24;
	[tilespmem:$0xF8F0] =	vst v8;
	v8 =	vmul.u32 $0xA00, v19;
	v9 =	vadd.s32 v10, v11;
	v10 =	vadd.s32 v61, v62  }
.LBB2_10:
0x108: {  	p1 =	sne.s32 s16, $0x9C  }
0x109: {  	vm2 =	vge.s32 v6, v2;
	vm3 =	vlt.s32 v6, v3;
	v6 =	vsub.s32 v7, v2;
	s25 =	sadd.s32 $0x80, s25;
	s13 =	smov.u32 s16;
	s16 =	sadd.s32 $0x1, s16  }
0x10a: {  	vm0 =	vmand vm1, vm0;
	vm1 =	vmand vm2, vm3;
	vm2 =	vlt.s32 v7, v3  }
0x10b: {  	v9 =	vnsel vm0, $0x9C4, v9;
	vm0 =	vge.s32 v7, v2;
	v10 =	vnsel vm1, $0x9C4, v10  }
0x10c: {  	v6 =	vadd.s32 v8, v6;
	vm0 =	vmand vm0, vm2;
	[tilespmem:$0xF910] =	vst v10  }
0x10d: {  	v6 =	vnsel vm0, $0x9C4, v6;
	[tilespmem:$0xF900] =	vst v9  }
0x10e: {  	[tilespmem:$0xF930] =	vst v6  }
0x10f: {  	[tilespmem:s26], [sflag:$0x1] =	stream.indirect.gather [hbm4b:s1+s29], $0x80, s31, s29, $0xb8;
	[tilespmem:$0x13960] =	vst v63  }
0x110: {  	_ =	swait.ge [sflag:s28], $0x4000  }
0x111: {  	[sflag:s28] =	ssyncset.done $0x0  }
0x112: {  	[sflag:s28] =	ssyncadd.s32 $0xFFFFC000  }
0x113: {  	[spmem:s3] =	stream.indirect.scatter.add.f32 [tilespmem:s26], [sflag:$0x1], $0x80, s0, s29, $0xb8;
	[tilespmem:$0x13960] =	vst v63  }
0x114: {  	s13 =	sadd.s32 s13, s7;
	_ =	swait.ge [sflag:s28], $0x4000  }
0x115: {  	s13 =	sshrl.u32 s13, $0x3;
	[sflag:s28] =	ssyncset.done $0x0  }
0x116: {  	s9 =	sand.u32 $0x380, s25;
	s13 =	smul.u32 $0xC00, s13;
	[sflag:s28] =	ssyncadd.s32 $0xFFFFC000  }
0x117: {  	[spmem:s5] =	stream.indirect.scatter.add.f32 [tilespmem:s4], [sflag:$0x1], $0x1, s0, s29, $0xb8;
	[tilespmem:$0x13960] =	vst v63  }
0x118: {  	s9 =	sor.u32 s9, s13;
	_ =	swait.ge [sflag:s28], $0x80  }
0x119: {  	s9 =	sshrl.u32 s9, $0x3;
	[sflag:s28] =	ssyncset.done $0x0  }
0x11a: {  	s9 =	sadd.s32 s2, s9;
	[sflag:s28] =	ssyncadd.s32 $0xFFFFFF80  }
0x11b: {  	[tilespmem:s31], [sflag:$0x1] =	stream.strided.gather [hbm4b:s9+s29], $0x180, s30, s29, $0x38;
	[tilespmem:$0x13960] =	vst v63  }
0x11c: {  	_ =	swait.ge [sflag:s28], $0x180  }
0x11d: {  	[sflag:s28] =	ssyncset.done $0x0  }
0x11e: {  	[sflag:s28] =	ssyncadd.s32 $0xFFFFFE80  }
0x11f: {  	v6 =	vld [tilespmem:$0xF820]  }
0x120: {  	v7 =	vld [tilespmem:$0xF840]  }
0x121: {  	v8 =	vld [tilespmem:$0xF870]  }
0x122: {  	v9 =	vld [tilespmem:$0xF850]  }
0x123: {  	v10 =	vld [tilespmem:$0xF7E0]  }
0x124: {  	vm0 =	vge.s32 v6, v2;
	vm1 =	vlt.s32 v6, v3;
	v11 =	vld [tilespmem:$0xF8D0]  }
0x125: {  	v12 =	vld [tilespmem:$0xF860];
	vm1 =	vmand vm0, vm1;
	vm0 =	vge.s32 v7, v2;
	vm2 =	vlt.s32 v7, v3  }
0x126: {  	v13 =	vld [tilespmem:$0xF8C0];
	vm0 =	vmand vm0, vm2  }
0x127: {  	v14 =	vld [tilespmem:$0xF8A0];
	vm2 =	vge.s32 v9, v2;
	vm3 =	vlt.s32 v9, v3  }
0x128: {  	v16 =	vsub.s32 v6, v2;
	vm4 =	vge.s32 v10, v2;
	v15 =	vld [tilespmem:$0xF7F0];
	vm2 =	vmand vm2, vm3  }
0x129: {  	vm3 =	vlt.s32 v10, v3;
	v6 =	vsub.s32 v10, v2;
	v10 =	vld [tilespmem:$0xF880];
	v11 =	vmul.u32 $0xA00, v11  }
0x12a: {  	v18 =	vsub.s32 v7, v2;
	v7 =	vsub.s32 v9, v2;
	v12 =	vmul.u32 $0xA00, v12;
	v17 =	vld [tilespmem:$0xF800]  }
0x12b: {  	v8 =	vmul.u32 $0xA00, v8;
	vm3 =	vmand vm4, vm3;
	v9 =	vld [tilespmem:$0xF890];
	v7 =	vadd.s32 v11, v7  }
0x12c: {  	v11 =	vadd.s32 v12, v6;
	v6 =	vld [tilespmem:$0xF810];
	v12 =	vmul.u32 $0xA00, v14;
	v14 =	vnsel vm2, $0x9C4, v7  }
0x12d: {  	v13 =	vmul.u32 $0xA00, v13;
	v7 =	vnsel vm3, $0x9C4, v11;
	v11 =	vsub.s32 v15, v2;
	v19 =	vld [tilespmem:$0xF8B0]  }
0x12e: {  	vm2 =	vge.s32 v15, v2;
	[tilespmem:$0xF8E0] =	vst v7;
	v10 =	vmul.u32 $0xA00, v10;
	v12 =	vadd.s32 v12, v16;
	v7 =	vld [tilespmem:$0xF830]  }
.Ltmp4:
0x12f: {  	vm3 =	vlt.s32 v15, v3;
	v15 =	vsub.s32 v17, v2;
	v12 =	vnsel vm1, $0x9C4, v12;
	(pc) =	sbr.rel @p1 .LBB2_10-.Ltmp4, $4  }
0x130: {  	v8 =	vadd.s32 v8, v11;
	vm1 =	vmand vm2, vm3;
	v11 =	vmul.u32 $0xA00, v9;
	[tilespmem:$0xF950] =	vst v14  }
0x131: {  	v8 =	vnsel vm1, $0x9C4, v8;
	v9 =	vadd.s32 v13, v18;
	v14 =	vsub.s32 v6, v2;
	[tilespmem:$0xF920] =	vst v12  }
0x132: {  	vm1 =	vge.s32 v17, v2;
	v12 =	vnsel vm0, $0x9C4, v9;
	[tilespmem:$0xF8F0] =	vst v8;
	v8 =	vmul.u32 $0xA00, v19  }
0x133: {  	vm0 =	vlt.s32 v17, v3;
	v9 =	vadd.s32 v10, v15;
	v10 =	vadd.s32 v11, v14;
	[tilespmem:$0xF940] =	vst v12  }
0x134: {  	vm2 =	vge.s32 v6, v2;
	vm3 =	vlt.s32 v6, v3  }
0x135: {  	v6 =	vsub.s32 v7, v2;
	vm0 =	vmand vm1, vm0;
	vm13 =	vlt.s32 v7, v3  }
0x136: {  	vm14 =	vge.s32 v7, v2;
	vm12 =	vmand vm2, vm3;
	v7 =	vnsel vm0, $0x9C4, v9  }
0x137: {  	vm15 =	vmand vm14, vm13;
	v6 =	vadd.s32 v8, v6;
	v10 =	vnsel vm12, $0x9C4, v10;
	[tilespmem:$0xF900] =	vst v7  }
0x138: {  	v6 =	vnsel vm15, $0x9C4, v6;
	[tilespmem:$0xF910] =	vst v10  }
0x139: {  	[tilespmem:$0xF930] =	vst v6  }
0x13a: {  	[tilespmem:s26], [sflag:$0x1] =	stream.indirect.gather [hbm4b:s1+s29], $0x80, s31, s29, $0xb8;
	[tilespmem:$0x13960] =	vst v63  }
0x13b: {  	_ =	swait.ge [sflag:s28], $0x4000  }
0x13c: {  	[sflag:s28] =	ssyncset.done $0x0  }
0x13d: {  	[sflag:s28] =	ssyncadd.s32 $0xFFFFC000  }
0x13e: {  	[spmem:s3] =	stream.indirect.scatter.add.f32 [tilespmem:s26], [sflag:$0x1], $0x80, s0, s29, $0xb8;
	[tilespmem:$0x13960] =	vst v63  }
0x13f: {  	_ =	swait.ge [sflag:s28], $0x4000  }
0x140: {  	[sflag:s28] =	ssyncset.done $0x0  }
0x141: {  	[sflag:s28] =	ssyncadd.s32 $0xFFFFC000  }
0x142: {  	[spmem:s5] =	stream.indirect.scatter.add.f32 [tilespmem:s4], [sflag:$0x1], $0x1, s0, s29, $0xb8;
	[tilespmem:$0x13960] =	vst v63  }
0x143: {  	_ =	swait.ge [sflag:s28], $0x80  }
0x144: {  	[sflag:s28] =	ssyncset.done $0x0  }
0x145: {  	[sflag:s28] =	ssyncadd.s32 $0xFFFFFF80  }
0x146: {  	[bflag:$0x0] =	sbarrier.arrive $0xFFFF  }
0x147: {  	s9 =	rddreg [dreg:$0xb]  }
0x148: {  	[hbm:s9], [sflag:s15] =	dma.local [spmem:s17], $0xA00  }
0x149: {  	_ =	swait.ge [sflag:s28], $0xA00  }
0x14a: {  	[sflag:s28] =	ssyncset.done $0x0  }
0x14b: {  	s17 =	sadd.s32 s20, s18;
	[sflag:s28] =	ssyncadd.s32 $0xFFFFF600  }
0x14c: {  	[hbm:s17], [sflag:s15] =	dma.local [spmem:s21], $0xA00  }
0x14d: {  	_ =	swait.ge [sflag:s28], $0xA00  }
0x14e: {  	[sflag:s28] =	ssyncset.done $0x0  }
0x14f: {  	s25 =	sadd.s32 s20, s19;
	[sflag:s28] =	ssyncadd.s32 $0xFFFFF600  }
0x150: {  	[hbm:s25], [sflag:s15] =	dma.local [spmem:s22], $0xA00  }
0x151: {  	_ =	swait.ge [sflag:s28], $0xA00  }
0x152: {  	[sflag:s28] =	ssyncset.done $0x0  }
0x153: {  	s9 =	rddreg [dreg:$0xa];
	[sflag:s28] =	ssyncadd.s32 $0xFFFFF600  }
0x154: {  	[hbm:s9], [sflag:s15] =	dma.local @!p0 [spmem:s23], $0xA0  }
0x155: {  	s9 =	simm.s32 @!p0 $0x1  }
0x156: {  	_ =	swait.ge @!p0 [sflag:s9], $0xA0  }
0x157: {  	s6 =	sadd.s32 $0x1, s6;
	s13 =	rddreg [dreg:$0xc]  }
0x158: {  	p1 =	sne.s32 s6, s13  }
.Ltmp5:
0x159: {  	_ = 	snop;
	(pc) =	sbr.rel @p1 .LBB2_1-.Ltmp5, $3  }
0x15a: {  	_ =	sdelay $0x1  }
0x15b: {  	[sflag:s9] =	ssyncset.done @!p0 $0x0  }
0x15c: {  	[sflag:s9] =	ssyncadd.s32 @!p0 $0xFFFFFF60  }
0x15d: {  	_ =	sfence.sel $0x180000  }
0x15e: {  	[bflag:$0x0] =	sbarrier.arrive $0xFFFF  }
0x15f: {  	_ =	strace $0x90000047  }
0x160: {  	s0 =	stileid.u32;
	[bflag:$0x2] =	sbarrier.arrive $0xFFFF  }
0x161: {  	p0 =	sne.s32 s0, $0x0;
	s0 =	rddreg [dreg:$0x5]  }
0x162: {  	s0 =	sadd.s32 @!p0 $0x100000, s0  }
0x163: {  	[sflag:s0] =	ssyncadd.tile.s32 @!p0 $0x1;
	_ =	shalt  }
.Lfunc_end2:
_tile_overlayer_lowered:
.L_overlay_start_2:
0x164: {  	(tag) =	ssettag $0x2  }
0x165: {  	s0 =	rddreg [dreg:$0x0];
	s2 =	stileid.u32  }
0x166: {  	s1 =	rddreg [dreg:$0x1];
	p0 =	sne.s32 s2, $0x0  }
0x167: {  	s3 =	rddreg [dreg:$0x2];
	[bflag:$0x3] =	sbarrier.arrive $0xFFFF;
	s2 =	simm.s32 @!p0 $0x1C01  }
0x168: {  	[timem:s3], [sflag:s2] =	dma.local @!p0 [hbm:s0], s1  }
0x169: {  	s0 =	simm.s32 @!p0 $0x1  }
0x16a: {  	_ =	swait.ge @!p0 [sflag:s0], s1  }
0x16b: {  	s1 =	ssub.s32 @!p0 $0x0, s1;
	[sflag:s0] =	ssyncset.done @!p0 $0x0  }
0x16c: {  	[sflag:s0] =	ssyncadd.s32 @!p0 s1  }
0x16d: {  	[bflag:$0x3] =	sbarrier.arrive $0xFFFF  }
0x16e: {  	_ =	shalt  }

</sc_bundles>
